<compile_context>
chip_gen: v7x
topology: tpu7x:2x2x1
jax: 0.10.2.dev20260603
libtpu: 0.0.44.dev20260713+nightly
codegen_flags: <defaults>
</compile_context>

<pallas_src>
import functools

import jax
import jax.numpy as jnp
from jax import lax
from jax.experimental import pallas as pl
from jax.experimental.pallas import tpu as pltpu
from jax.experimental.pallas import tpu_sc as plsc

B, N, D, K = 8, 1024, 128, 16
F0, F1, F2 = 128, 128, 256
NB = 256
NBLK = N // NB
NBLOCKS = B * NBLK
E = B * N * K
EPS = 1e-5
NEG = -1e30
CNT_E = float(E)
CNT_P = float(B * N)

NC, NS = 2, 16
NW = NC * NS
PER_W = E // NW
CH = 64
GRP = 4
NGRP = PER_W // (CH * GRP)


def _finalize_ad(st_ref, g_ref, b_ref, cnt, nrows, ncols):
    s = st_ref[0:1]
    sq = st_ref[1:2]
    m = s / cnt
    var = sq / cnt - m * m
    a = g_ref[...] * lax.rsqrt(var + EPS)
    dd = b_ref[...] - a * m
    rio = lax.broadcasted_iota(jnp.int32, (nrows, ncols), 0)
    st_ref[...] = jnp.where(rio == 4, a, jnp.where(rio == 5, dd, st_ref[...]))


def _accum_rows01(st_ref, ssum, ssq, nrows, ncols):
    rio = lax.broadcasted_iota(jnp.int32, (nrows, ncols), 0)
    st_ref[...] += jnp.where(rio == 0, ssum, 0.0) + jnp.where(rio == 1, ssq, 0.0)



def _topk_kernel(pt_ref, p_ref, idx_ref):
    b = pl.program_id(0)
    nb = pl.program_id(1)
    pt = pt_ref[0]
    p = p_ref[0]
    ptb = pt.astype(jnp.bfloat16).astype(jnp.float32)
    pb = p.astype(jnp.bfloat16).astype(jnp.float32)
    cross = ptb[:, 0:1] * pb[0:1, :]
    cross = cross + ptb[:, 1:2] * pb[1:2, :]
    cross = cross + ptb[:, 2:3] * pb[2:3, :]
    xxr = jnp.sum(pt * pt, axis=1, keepdims=True)
    xxc = jnp.sum(p * p, axis=0, keepdims=True)
    d = 2.0 * cross - xxr - xxc
    colio = lax.broadcasted_iota(jnp.int32, (NB, N), 1)
    rowid = nb * NB + lax.broadcasted_iota(jnp.int32, (NB, N), 0)
    ui = ((d + 600.0) * 2048.0).astype(jnp.int32)
    ui = jnp.minimum(jnp.maximum(ui, 0), 2080000)
    key = ui * 1024 + (1023 - colio)
    key = jnp.where(colio == rowid, 0, key)
    kio = lax.broadcasted_iota(jnp.int32, (NB, K), 1)

    p = lax.bitcast_convert_type(key, jnp.float32)
    sent = jnp.float32(-1.0)
    acc = jnp.zeros((NB, K), jnp.int32)
    for j in range(K):
        mf = jnp.max(p, axis=1, keepdims=True)
        mi = lax.bitcast_convert_type(mf, jnp.int32)
        acc = jnp.where(kio == j, 1023 - (mi & 1023), acc)
        if j < K - 1:
            p = jnp.where(p == mf, sent, p)
    idx_ref[...] = acc + b * N



def _prep_kernel(ft_ref, wdt_ref, wbt_ref, wsct_ref, gsc_ref, bsc_ref,
                 ut_ref, vt_ref, sct_ref, st_ref):
    b = pl.program_id(0)
    ft = ft_ref[0]
    ut_ref[...] = jnp.dot(ft, wdt_ref[...], preferred_element_type=jnp.float32)
    vt_ref[...] = jnp.dot(ft, wbt_ref[...], preferred_element_type=jnp.float32)
    sct = jnp.dot(ft, wsct_ref[...], preferred_element_type=jnp.float32)
    sct_ref[0] = sct

    @pl.when(b == 0)
    def _():
        st_ref[...] = jnp.zeros_like(st_ref)

    _accum_rows01(st_ref, jnp.sum(sct, axis=0, keepdims=True),
                  jnp.sum(sct * sct, axis=0, keepdims=True), 8, F2)

    @pl.when(b == B - 1)
    def _():
        _finalize_ad(st_ref, gsc_ref, bsc_ref, CNT_P, 8, F2)



def _gather_body(vt_hbm, idx_hbm, ut_hbm, g_hbm, part_hbm,
                 idx_v, bufs, u_v, acc_v, sem_g, sem_w):
    c = lax.axis_index("c")
    s = lax.axis_index("s")
    wid = s * NC + c
    base_w = wid * PER_W
    npts = PER_W // K
    pltpu.sync_copy(idx_hbm.at[pl.ds(base_w, PER_W)], idx_v)
    pltpu.sync_copy(ut_hbm.at[pl.ds(wid * npts, npts)], u_v)

    def fire_g(g, st):
        base_g = g * (GRP * CH)
        for bi in range(GRP):
            pltpu.async_copy(
                vt_hbm.at[idx_v.at[pl.ds(base_g + bi * CH, CH)]],
                bufs.at[st * GRP + bi], sem_g)

    def fire_w(g, st):
        base_g = g * (GRP * CH)
        for bi in range(GRP):
            pltpu.async_copy(
                bufs.at[st * GRP + bi],
                g_hbm.at[pl.ds(base_w + base_g + bi * CH, CH)], sem_w)

    def wait_n(sem, dst_is_hbm):
        for bi in range(GRP):
            if dst_is_hbm:
                pltpu.make_async_copy(
                    bufs.at[bi], g_hbm.at[pl.ds(base_w, CH)], sem).wait()
            else:
                pltpu.make_async_copy(
                    vt_hbm.at[pl.ds(0, CH)], bufs.at[bi], sem).wait()

    def stats(g, st, accs):
        def body(e, a):
            a = list(a)
            eg = g * (GRP * CH) + e
            pn = eg // K
            row = st * GRP + e // CH
            ei = e % CH
            for v in range(8):
                gv = bufs[row, ei, pl.ds(v * 16, 16)]
                y = gv + u_v[pn, pl.ds(v * 16, 16)]
                a[v] = a[v] + y
                a[8 + v] = a[8 + v] + y * y
            return tuple(a)
        return lax.fori_loop(0, GRP * CH, body, accs)

    fire_g(0, 0)

    def pair(s2, accs):
        for h in (0, 1):
            g = 2 * s2 + h
            wait_n(sem_g, False)
            if h == 0:
                @pl.when(s2 >= 1)
                def _():
                    wait_n(sem_w, True)
                fire_g(g + 1, 1)
            else:
                wait_n(sem_w, True)
                @pl.when(s2 < NGRP // 2 - 1)
                def _():
                    fire_g(g + 1, 0)
            fire_w(g, h)
            accs = stats(g, h, accs)
        return accs

    zero = jnp.zeros((16,), jnp.float32)
    accs = lax.fori_loop(0, NGRP // 2, pair, (zero,) * 16)
    wait_n(sem_w, True)
    for v in range(8):
        acc_v[0, pl.ds(v * 16, 16)] = accs[v]
        acc_v[1, pl.ds(v * 16, 16)] = accs[8 + v]
    pltpu.sync_copy(acc_v, part_hbm.at[wid])


def _gather_sc(vt, idxf, ut):
    kfn = pl.kernel(
        _gather_body,
        out_type=[
            jax.ShapeDtypeStruct((E, F0), jnp.float32),
            jax.ShapeDtypeStruct((NW, 2, F0), jnp.float32),
        ],
        mesh=plsc.VectorSubcoreMesh(core_axis_name="c", subcore_axis_name="s",
                                    num_cores=NC, num_subcores=NS),
        scratch_types=[
            pltpu.VMEM((PER_W,), jnp.int32),
            pltpu.VMEM((2 * GRP, CH, F0), jnp.float32),
            pltpu.VMEM((PER_W // K, F0), jnp.float32),
            pltpu.VMEM((2, F0), jnp.float32),
            pltpu.SemaphoreType.DMA,
            pltpu.SemaphoreType.DMA,
        ],
    )
    return kfn(vt, idxf, ut)



def _s0_kernel(parts_ref, g0_ref, b0_ref, st_ref):
    p3 = parts_ref[...].reshape(NW, 2, F0)
    s = jnp.sum(p3[:, 0:1, :], axis=0)
    q = jnp.sum(p3[:, 1:2, :], axis=0)
    rio = lax.broadcasted_iota(jnp.int32, (8, F0), 0)
    st_ref[...] = jnp.where(rio == 0, s, jnp.where(rio == 1, q, 0.0))
    _finalize_ad(st_ref, g0_ref, b0_ref, CNT_E, 8, F0)



def _m_kernel(g_ref, u_ref, ad0_ref, w1t_ref, g1_ref, b1_ref, y1_ref, st_ref):
    i = pl.program_id(0)
    g3 = g_ref[...].astype(jnp.float32).reshape(NB, K, F0)
    y0 = g3 + u_ref[...][:, None, :]
    a0 = ad0_ref[4:5].reshape(1, 1, F0)
    d0 = ad0_ref[5:6].reshape(1, 1, F0)
    x1 = jnp.maximum(y0 * a0 + d0, 0.0).reshape(NB * K, F0)
    y1 = jnp.dot(x1, w1t_ref[...], preferred_element_type=jnp.float32)
    y1_ref[...] = y1.astype(jnp.bfloat16)

    @pl.when(i == 0)
    def _():
        st_ref[...] = jnp.zeros_like(st_ref)

    _accum_rows01(st_ref, jnp.sum(y1, axis=0, keepdims=True),
                  jnp.sum(y1 * y1, axis=0, keepdims=True), 8, F1)

    @pl.when(i == NBLOCKS - 1)
    def _():
        _finalize_ad(st_ref, g1_ref, b1_ref, CNT_E, 8, F1)



def _m2_kernel(y1_ref, ad1_ref, w2_ref, g2_ref, b2_ref,
               gram_ref, xsa_ref, ad2_ref):
    i = pl.program_id(0)
    x2 = jnp.maximum(
        y1_ref[...].astype(jnp.float32) * ad1_ref[4:5] + ad1_ref[5:6], 0.0)

    @pl.when(i == 0)
    def _():
        gram_ref[...] = jnp.zeros_like(gram_ref)
        xsa_ref[...] = jnp.zeros_like(xsa_ref)
        ad2_ref[...] = jnp.zeros_like(ad2_ref)

    gram_ref[...] += lax.dot_general(x2, x2, (((0,), (0,)), ((), ())),
                                     preferred_element_type=jnp.float32)
    rio = lax.broadcasted_iota(jnp.int32, (8, F1), 0)
    xsa_ref[...] += jnp.where(rio == 0, jnp.sum(x2, axis=0, keepdims=True), 0.0)

    @pl.when(i == NBLOCKS - 1)
    def _():
        xs = xsa_ref[0:1]
        w2 = w2_ref[...]
        s2 = lax.dot_general(xs, w2, (((1,), (1,)), ((), ())),
                             preferred_element_type=jnp.float32)
        t = lax.dot_general(w2, gram_ref[...], (((1,), (0,)), ((), ())),
                            preferred_element_type=jnp.float32)
        sq2 = jnp.sum(t * w2, axis=1).reshape(1, F2)
        m = s2 / CNT_E
        var = sq2 / CNT_E - m * m
        a2 = g2_ref[...] * lax.rsqrt(var + EPS)
        d2 = b2_ref[...] - a2 * m
        rio2 = lax.broadcasted_iota(jnp.int32, (8, F2), 0)
        ad2_ref[...] = jnp.where(rio2 == 4, a2, jnp.where(rio2 == 5, d2, 0.0))



def _m3_kernel(y1_ref, ad1_ref, w2t_ref, ad2_ref, ftst_ref):
    x2 = jnp.maximum(
        y1_ref[...].astype(jnp.float32) * ad1_ref[4:5] + ad1_ref[5:6], 0.0)
    y2 = jnp.dot(x2, w2t_ref[...], preferred_element_type=jnp.float32)
    x3 = jnp.maximum(y2 * ad2_ref[4:5] + ad2_ref[5:6], 0.0)
    fts = jnp.mean(x3.reshape(NB, K, F2), axis=1)
    ftst_ref[0] = fts



def _f_kernel(sct_ref, ftst_ref, st_ref, out_ref):
    y = jnp.maximum(sct_ref[0] * st_ref[4:5] + st_ref[5:6] + ftst_ref[0], 0.0)
    rio = lax.broadcasted_iota(jnp.int32, (NB, F2), 0)
    cio = lax.broadcasted_iota(jnp.int32, (NB, F2), 1)
    ident = jnp.where(rio == cio, 1.0, 0.0)
    out_ref[0] = lax.dot_general(y, ident, (((0,), (0,)), ((), ())),
                                 preferred_element_type=jnp.float32)


def _knn_idx(points):
    points_t = jnp.swapaxes(points, 1, 2)
    return pl.pallas_call(
        _topk_kernel,
        grid=(B, NBLK),
        in_specs=[
            pl.BlockSpec((1, NB, 3), lambda b, nb: (b, nb, 0)),
            pl.BlockSpec((1, 3, N), lambda b, nb: (b, 0, 0)),
        ],
        out_specs=pl.BlockSpec((NB, K), lambda b, nb: (b * NBLK + nb, 0)),
        out_shape=jax.ShapeDtypeStruct((B * N, K), jnp.int32),
    )(points_t, points)


def kernel(points, features, W0, g0, b0, W1, g1, b1, W2, g2, b2, Wsc, gsc, bsc):
    f32 = jnp.float32
    points_t = jnp.swapaxes(points, 1, 2)
    ft = jnp.swapaxes(features, 1, 2)
    W0a = W0[:, :D]
    W0b = W0[:, D:]
    wdt = (W0a - W0b).T
    wbt = W0b.T
    wsct = Wsc.T
    w1t = W1.T
    w2t = W2.T
    r1 = lambda v: v.reshape(1, -1)

    idx_g = _knn_idx(points)

    ut, vt, sct, scst = pl.pallas_call(
        _prep_kernel,
        grid=(B,),
        in_specs=[
            pl.BlockSpec((1, N, D), lambda b: (b, 0, 0)),
            pl.BlockSpec((D, F0), lambda b: (0, 0)),
            pl.BlockSpec((D, F0), lambda b: (0, 0)),
            pl.BlockSpec((D, F2), lambda b: (0, 0)),
            pl.BlockSpec((1, F2), lambda b: (0, 0)),
            pl.BlockSpec((1, F2), lambda b: (0, 0)),
        ],
        out_specs=[
            pl.BlockSpec((N, F0), lambda b: (b, 0)),
            pl.BlockSpec((N, F0), lambda b: (b, 0)),
            pl.BlockSpec((1, N, F2), lambda b: (b, 0, 0)),
            pl.BlockSpec((8, F2), lambda b: (0, 0)),
        ],
        out_shape=[
            jax.ShapeDtypeStruct((B * N, F0), f32),
            jax.ShapeDtypeStruct((B * N, F0), f32),
            jax.ShapeDtypeStruct((B, N, F2), f32),
            jax.ShapeDtypeStruct((8, F2), f32),
        ],
    )(ft, wdt, wbt, wsct, r1(gsc), r1(bsc))

    g, parts = _gather_sc(vt, idx_g.reshape(E), ut)

    ad0 = pl.pallas_call(
        _s0_kernel,
        in_specs=[
            pl.BlockSpec((NW * 2, F0), lambda: (0, 0)),
            pl.BlockSpec((1, F0), lambda: (0, 0)),
            pl.BlockSpec((1, F0), lambda: (0, 0)),
        ],
        out_specs=pl.BlockSpec((8, F0), lambda: (0, 0)),
        out_shape=jax.ShapeDtypeStruct((8, F0), f32),
    )(parts.reshape(NW * 2, F0), r1(g0), r1(b0))

    y1, ad1 = pl.pallas_call(
        _m_kernel,
        grid=(NBLOCKS,),
        in_specs=[
            pl.BlockSpec((NB * K, F0), lambda i: (i, 0)),
            pl.BlockSpec((NB, F0), lambda i: (i, 0)),
            pl.BlockSpec((8, F0), lambda i: (0, 0)),
            pl.BlockSpec((F0, F1), lambda i: (0, 0)),
            pl.BlockSpec((1, F1), lambda i: (0, 0)),
            pl.BlockSpec((1, F1), lambda i: (0, 0)),
        ],
        out_specs=[
            pl.BlockSpec((NB * K, F1), lambda i: (i, 0)),
            pl.BlockSpec((8, F1), lambda i: (0, 0)),
        ],
        out_shape=[
            jax.ShapeDtypeStruct((E, F1), jnp.bfloat16),
            jax.ShapeDtypeStruct((8, F1), f32),
        ],
    )(g, ut, ad0, w1t, r1(g1), r1(b1))

    gram, xsa, ad2 = pl.pallas_call(
        _m2_kernel,
        grid=(NBLOCKS,),
        in_specs=[
            pl.BlockSpec((NB * K, F1), lambda i: (i, 0)),
            pl.BlockSpec((8, F1), lambda i: (0, 0)),
            pl.BlockSpec((F2, F1), lambda i: (0, 0)),
            pl.BlockSpec((1, F2), lambda i: (0, 0)),
            pl.BlockSpec((1, F2), lambda i: (0, 0)),
        ],
        out_specs=[
            pl.BlockSpec((F1, F1), lambda i: (0, 0)),
            pl.BlockSpec((8, F1), lambda i: (0, 0)),
            pl.BlockSpec((8, F2), lambda i: (0, 0)),
        ],
        out_shape=[
            jax.ShapeDtypeStruct((F1, F1), f32),
            jax.ShapeDtypeStruct((8, F1), f32),
            jax.ShapeDtypeStruct((8, F2), f32),
        ],
    )(y1, ad1, W2, r1(g2), r1(b2))
    del gram, xsa

    ftst = pl.pallas_call(
        _m3_kernel,
        grid=(NBLOCKS,),
        in_specs=[
            pl.BlockSpec((NB * K, F1), lambda i: (i, 0)),
            pl.BlockSpec((8, F1), lambda i: (0, 0)),
            pl.BlockSpec((F1, F2), lambda i: (0, 0)),
            pl.BlockSpec((8, F2), lambda i: (0, 0)),
        ],
        out_specs=pl.BlockSpec((1, NB, F2), lambda i: (i // NBLK, i % NBLK, 0)),
        out_shape=jax.ShapeDtypeStruct((B, N, F2), f32),
    )(y1, ad1, w2t, ad2)

    out = pl.pallas_call(
        _f_kernel,
        grid=(B, NBLK),
        in_specs=[
            pl.BlockSpec((1, NB, F2), lambda b, nb: (b, nb, 0)),
            pl.BlockSpec((1, NB, F2), lambda b, nb: (b, nb, 0)),
            pl.BlockSpec((8, F2), lambda b, nb: (0, 0)),
        ],
        out_specs=pl.BlockSpec((1, F2, NB), lambda b, nb: (b, 0, nb)),
        out_shape=jax.ShapeDtypeStruct((B, F2, N), f32),
    )(sct, ftst, scst)
    return out

# --- scband reference (transcript-rebuilt; emitter-appended) ---
"""Pipeline reference for scband-edge-conv-block-6356551598517 (READ-ONLY COPY).

The authoritative reference and input builder live on the scoring server;
editing this copy changes nothing except your own understanding.
"""

import jax, jax.numpy as jnp
import numpy as np

B, N, D, K = 8, 1024, 128, 16
OUT_FEATS = (128, 128, 256)


def _knn(points, k):
    xt = jnp.swapaxes(points, 1, 2)
    inner = -2.0 * jnp.matmul(xt, points)
    xx = jnp.sum(points ** 2, axis=1, keepdims=True)
    pairwise = -xx - inner - jnp.swapaxes(xx, 1, 2)
    _, idx = jax.lax.top_k(pairwise, k + 1)
    return idx[:, :, 1:]


def _graph_feature(x, k, idx):
    b, d, n = x.shape
    idx_base = jnp.arange(b).reshape(-1, 1, 1) * n
    idxf = (idx + idx_base).reshape(-1)
    fts = jnp.swapaxes(x, 1, 2).reshape(-1, d)
    fts = fts[idxf, :].reshape(b, n, k, d)
    fts = jnp.transpose(fts, (0, 3, 1, 2))
    xc = jnp.broadcast_to(x[:, :, :, None], (b, d, n, k))
    return jnp.concatenate([xc, fts - xc], axis=1)


def setup_inputs(seed: int = 0) -> dict:
    key = jax.random.key(seed)
    ks = jax.random.split(key, 8)
    points = jax.random.normal(ks[0], (B, 3, N), dtype=jnp.float32)
    features = jax.random.normal(ks[1], (B, D, N), dtype=jnp.float32)
    W0 = jax.random.normal(ks[2], (OUT_FEATS[0], 2 * D), dtype=jnp.float32) * 0.05
    W1 = jax.random.normal(ks[3], (OUT_FEATS[1], OUT_FEATS[0]), dtype=jnp.float32) * 0.05
    W2 = jax.random.normal(ks[4], (OUT_FEATS[2], OUT_FEATS[1]), dtype=jnp.float32) * 0.05
    Wsc = jax.random.normal(ks[5], (OUT_FEATS[2], D), dtype=jnp.float32) * 0.05
    g0 = jnp.ones(OUT_FEATS[0], jnp.float32); b0 = jnp.zeros(OUT_FEATS[0], jnp.float32)
    g1 = jnp.ones(OUT_FEATS[1], jnp.float32); b1 = jnp.zeros(OUT_FEATS[1], jnp.float32)
    g2 = jnp.ones(OUT_FEATS[2], jnp.float32); b2 = jnp.zeros(OUT_FEATS[2], jnp.float32)
    gsc = jnp.ones(OUT_FEATS[2], jnp.float32); bsc = jnp.zeros(OUT_FEATS[2], jnp.float32)
    return {"points": points, "features": features, "W0": W0, "g0": g0, "b0": b0,
            "W1": W1, "g1": g1, "b1": b1, "W2": W2, "g2": g2, "b2": b2,
            "Wsc": Wsc, "gsc": gsc, "bsc": bsc}


def reference(points, features, W0, g0, b0, W1, g1, b1, W2, g2, b2, Wsc, gsc, bsc):
    eps = 1e-5
    idx = _knn(points, K)
    x = _graph_feature(features, K, idx)
    for W, g, bb in ((W0, g0, b0), (W1, g1, b1), (W2, g2, b2)):
        x = jnp.einsum('oc,bcnk->bonk', W, x)
        m = jnp.mean(x, axis=(0, 2, 3), keepdims=True)
        v = jnp.var(x, axis=(0, 2, 3), keepdims=True)
        x = g.reshape(1, -1, 1, 1) * (x - m) / jnp.sqrt(v + eps) + bb.reshape(1, -1, 1, 1)
        x = jax.nn.relu(x)
    fts = jnp.mean(x, axis=-1)
    sc = jnp.einsum('oc,bcn->bon', Wsc, features)
    m = jnp.mean(sc, axis=(0, 2), keepdims=True)
    v = jnp.var(sc, axis=(0, 2), keepdims=True)
    sc = gsc.reshape(1, -1, 1) * (sc - m) / jnp.sqrt(v + eps) + bsc.reshape(1, -1, 1)
    return jax.nn.relu(sc + fts)

if __name__ == "__main__":
    import jax
    _d = setup_inputs()
    print(jax.jit(kernel)(*tuple(_d.values())))

</pallas_src>

<mosaic_0001>
#map = affine_map<(d0, d1) -> (0, 0)>
#map1 = affine_map<(d0, d1) -> (0)>
#map2 = affine_map<(d0, d1) -> (0, 0, 0)>
module attributes {stable_mosaic.version = 14 : i64} {
  func.func @_gather_body(%arg0: i32, %arg1: i32, %arg2: memref<8192x128xf32, #tpu.memory_space<hbm>>, %arg3: memref<131072xi32, #tpu.memory_space<hbm>>, %arg4: memref<8192x128xf32, #tpu.memory_space<hbm>>, %arg5: memref<131072x128xf32, #tpu.memory_space<hbm>>, %arg6: memref<32x2x128xf32, #tpu.memory_space<hbm>>, %arg7: memref<4096xi32, #tpu.memory_space<vmem>>, %arg8: memref<8x64x128xf32, #tpu.memory_space<vmem>>, %arg9: memref<256x128xf32, #tpu.memory_space<vmem>>, %arg10: memref<2x128xf32, #tpu.memory_space<vmem>>, %arg11: memref<!tpu.dma_semaphore, #tpu.memory_space<semaphore_mem>>, %arg12: memref<!tpu.dma_semaphore, #tpu.memory_space<semaphore_mem>>) attributes {dimension_semantics = [#tpu.dimension_semantics<core_parallel>, #tpu.dimension_semantics<subcore_parallel>], iteration_bounds = array<i64: 2, 16>, scalar_prefetch = 0 : i64, scratch_operands = 6 : i64, tpu.core_type = #tpu.core_type<sc_vector_subcore>, window_params = [{transform_indices = #map}, {transform_indices = #map1}, {transform_indices = #map}, {transform_indices = #map}, {transform_indices = #map2}]} {
    %mul3A = arith.constant 2 : i32
    %mul3A_0 = arith.muli %arg1, %mul3A : i32
    %add3A = arith.addi %mul3A_0, %arg0 : i32
    %mul3A_1 = arith.constant 4096 : i32
    %mul3A_2 = arith.muli %add3A, %mul3A_1 : i32
    "tpu.region"() ({
      %run_scoped3A = tpu.sem_alloc : memref<!tpu.dma_semaphore, #tpu.memory_space<semaphore_mem>>
      %dma_start3A_196 = tpu.memref_slice %arg3[%mul3A_2] : memref<131072xi32, #tpu.memory_space<hbm>> -> memref<4096xi32, #tpu.memory_space<hbm>>
      %dma_start3A_197 = tpu.memref_slice %arg3[%mul3A_2] : memref<131072xi32, #tpu.memory_space<hbm>> -> memref<4096xi32, #tpu.memory_space<hbm>>
      tpu.enqueue_dma source(%dma_start3A_197 : memref<4096xi32, #tpu.memory_space<hbm>>) target(%arg7 : memref<4096xi32, #tpu.memory_space<vmem>>) target_semaphore(%run_scoped3A : memref<!tpu.dma_semaphore, #tpu.memory_space<semaphore_mem>>)
      %dma_wait3A_198 = tpu.memref_slice %arg3[%mul3A_2] : memref<131072xi32, #tpu.memory_space<hbm>> -> memref<4096xi32, #tpu.memory_space<hbm>>
      %dma_wait3A_199 = tpu.memref_slice %arg3[%mul3A_2] : memref<131072xi32, #tpu.memory_space<hbm>> -> memref<4096xi32, #tpu.memory_space<hbm>>
      tpu.wait_dma2 semaphore(%run_scoped3A : memref<!tpu.dma_semaphore, #tpu.memory_space<semaphore_mem>>) src(%dma_wait3A_199 : memref<4096xi32, #tpu.memory_space<hbm>>) dst(%arg7 : memref<4096xi32, #tpu.memory_space<vmem>>)
      tpu.yield
    }) : () -> ()
    %mul3A_3 = arith.constant 256 : i32
    %mul3A_4 = arith.muli %add3A, %mul3A_3 : i32
    "tpu.region"() ({
      %run_scoped3A = tpu.sem_alloc : memref<!tpu.dma_semaphore, #tpu.memory_space<semaphore_mem>>
      %dma_start3A_196 = arith.constant 0 : i32
      %dma_start3A_197 = tpu.memref_slice %arg4[%mul3A_4, %dma_start3A_196] : memref<8192x128xf32, #tpu.memory_space<hbm>> -> memref<256x128xf32, #tpu.memory_space<hbm>>
      %dma_start3A_198 = arith.constant 0 : i32
      %dma_start3A_199 = tpu.memref_slice %arg4[%mul3A_4, %dma_start3A_198] : memref<8192x128xf32, #tpu.memory_space<hbm>> -> memref<256x128xf32, #tpu.memory_space<hbm>>
      tpu.enqueue_dma source(%dma_start3A_199 : memref<256x128xf32, #tpu.memory_space<hbm>>) target(%arg9 : memref<256x128xf32, #tpu.memory_space<vmem>>) target_semaphore(%run_scoped3A : memref<!tpu.dma_semaphore, #tpu.memory_space<semaphore_mem>>)
      %dma_wait3A_200 = arith.constant 0 : i32
      %dma_wait3A_201 = tpu.memref_slice %arg4[%mul3A_4, %dma_wait3A_200] : memref<8192x128xf32, #tpu.memory_space<hbm>> -> memref<256x128xf32, #tpu.memory_space<hbm>>
      %dma_wait3A_202 = arith.constant 0 : i32
      %dma_wait3A_203 = tpu.memref_slice %arg4[%mul3A_4, %dma_wait3A_202] : memref<8192x128xf32, #tpu.memory_space<hbm>> -> memref<256x128xf32, #tpu.memory_space<hbm>>
      tpu.wait_dma2 semaphore(%run_scoped3A : memref<!tpu.dma_semaphore, #tpu.memory_space<semaphore_mem>>) src(%dma_wait3A_203 : memref<256x128xf32, #tpu.memory_space<hbm>>) dst(%arg9 : memref<256x128xf32, #tpu.memory_space<vmem>>)
      tpu.yield
    }) : () -> ()
    %dma_start3A = arith.constant 0 : i32
    %dma_start3A_5 = arith.constant 0 : i32
    %dma_start3A_6 = arith.constant 0 : i32
    %dma_start3A_7 = tpu.memref_slice %arg8[%dma_start3A, %dma_start3A_5, %dma_start3A_6] : memref<8x64x128xf32, #tpu.memory_space<vmem>> -> memref<1x64x128xf32, #tpu.memory_space<vmem>>
    %dma_start3A_8 = tpu.memref_squeeze %dma_start3A_7 : memref<1x64x128xf32, #tpu.memory_space<vmem>> -> memref<64x128xf32, #tpu.memory_space<vmem>>
    %dma_start3A_9 = arith.constant 0 : i32
    %dma_start3A_10 = tpu.memref_slice %arg7[%dma_start3A_9] : memref<4096xi32, #tpu.memory_space<vmem>> -> memref<64xi32, #tpu.memory_space<vmem>>
    %dma_start3A_11 = arith.constant 0 : i32
    %dma_start3A_12 = arith.constant 0 : i32
    %dma_start3A_13 = tpu.memref_slice %arg2[%dma_start3A_11, %dma_start3A_12] : memref<8192x128xf32, #tpu.memory_space<hbm>> -> memref<8192x128xf32, #tpu.memory_space<hbm>>
    tpu.enqueue_indirect_dma source(%dma_start3A_13 : memref<8192x128xf32, #tpu.memory_space<hbm>>) target(%dma_start3A_8 : memref<64x128xf32, #tpu.memory_space<vmem>>) offsets(%dma_start3A_10 : memref<64xi32, #tpu.memory_space<vmem>>) semaphore(%arg11 : memref<!tpu.dma_semaphore, #tpu.memory_space<semaphore_mem>>)
    %dma_start3A_14 = arith.constant 1 : i32
    %dma_start3A_15 = arith.constant 0 : i32
    %dma_start3A_16 = arith.constant 0 : i32
    %dma_start3A_17 = tpu.memref_slice %arg8[%dma_start3A_14, %dma_start3A_15, %dma_start3A_16] : memref<8x64x128xf32, #tpu.memory_space<vmem>> -> memref<1x64x128xf32, #tpu.memory_space<vmem>>
    %dma_start3A_18 = tpu.memref_squeeze %dma_start3A_17 : memref<1x64x128xf32, #tpu.memory_space<vmem>> -> memref<64x128xf32, #tpu.memory_space<vmem>>
    %dma_start3A_19 = arith.constant 64 : i32
    %dma_start3A_20 = tpu.memref_slice %arg7[%dma_start3A_19] : memref<4096xi32, #tpu.memory_space<vmem>> -> memref<64xi32, #tpu.memory_space<vmem>>
    %dma_start3A_21 = arith.constant 0 : i32
    %dma_start3A_22 = arith.constant 0 : i32
    %dma_start3A_23 = tpu.memref_slice %arg2[%dma_start3A_21, %dma_start3A_22] : memref<8192x128xf32, #tpu.memory_space<hbm>> -> memref<8192x128xf32, #tpu.memory_space<hbm>>
    tpu.enqueue_indirect_dma source(%dma_start3A_23 : memref<8192x128xf32, #tpu.memory_space<hbm>>) target(%dma_start3A_18 : memref<64x128xf32, #tpu.memory_space<vmem>>) offsets(%dma_start3A_20 : memref<64xi32, #tpu.memory_space<vmem>>) semaphore(%arg11 : memref<!tpu.dma_semaphore, #tpu.memory_space<semaphore_mem>>)
    %dma_start3A_24 = arith.constant 2 : i32
    %dma_start3A_25 = arith.constant 0 : i32
    %dma_start3A_26 = arith.constant 0 : i32
    %dma_start3A_27 = tpu.memref_slice %arg8[%dma_start3A_24, %dma_start3A_25, %dma_start3A_26] : memref<8x64x128xf32, #tpu.memory_space<vmem>> -> memref<1x64x128xf32, #tpu.memory_space<vmem>>
    %dma_start3A_28 = tpu.memref_squeeze %dma_start3A_27 : memref<1x64x128xf32, #tpu.memory_space<vmem>> -> memref<64x128xf32, #tpu.memory_space<vmem>>
    %dma_start3A_29 = arith.constant 128 : i32
    %dma_start3A_30 = tpu.memref_slice %arg7[%dma_start3A_29] : memref<4096xi32, #tpu.memory_space<vmem>> -> memref<64xi32, #tpu.memory_space<vmem>>
    %dma_start3A_31 = arith.constant 0 : i32
    %dma_start3A_32 = arith.constant 0 : i32
    %dma_start3A_33 = tpu.memref_slice %arg2[%dma_start3A_31, %dma_start3A_32] : memref<8192x128xf32, #tpu.memory_space<hbm>> -> memref<8192x128xf32, #tpu.memory_space<hbm>>
    tpu.enqueue_indirect_dma source(%dma_start3A_33 : memref<8192x128xf32, #tpu.memory_space<hbm>>) target(%dma_start3A_28 : memref<64x128xf32, #tpu.memory_space<vmem>>) offsets(%dma_start3A_30 : memref<64xi32, #tpu.memory_space<vmem>>) semaphore(%arg11 : memref<!tpu.dma_semaphore, #tpu.memory_space<semaphore_mem>>)
    %dma_start3A_34 = arith.constant 3 : i32
    %dma_start3A_35 = arith.constant 0 : i32
    %dma_start3A_36 = arith.constant 0 : i32
    %dma_start3A_37 = tpu.memref_slice %arg8[%dma_start3A_34, %dma_start3A_35, %dma_start3A_36] : memref<8x64x128xf32, #tpu.memory_space<vmem>> -> memref<1x64x128xf32, #tpu.memory_space<vmem>>
    %dma_start3A_38 = tpu.memref_squeeze %dma_start3A_37 : memref<1x64x128xf32, #tpu.memory_space<vmem>> -> memref<64x128xf32, #tpu.memory_space<vmem>>
    %dma_start3A_39 = arith.constant 192 : i32
    %dma_start3A_40 = tpu.memref_slice %arg7[%dma_start3A_39] : memref<4096xi32, #tpu.memory_space<vmem>> -> memref<64xi32, #tpu.memory_space<vmem>>
    %dma_start3A_41 = arith.constant 0 : i32
    %dma_start3A_42 = arith.constant 0 : i32
    %dma_start3A_43 = tpu.memref_slice %arg2[%dma_start3A_41, %dma_start3A_42] : memref<8192x128xf32, #tpu.memory_space<hbm>> -> memref<8192x128xf32, #tpu.memory_space<hbm>>
    tpu.enqueue_indirect_dma source(%dma_start3A_43 : memref<8192x128xf32, #tpu.memory_space<hbm>>) target(%dma_start3A_38 : memref<64x128xf32, #tpu.memory_space<vmem>>) offsets(%dma_start3A_40 : memref<64xi32, #tpu.memory_space<vmem>>) semaphore(%arg11 : memref<!tpu.dma_semaphore, #tpu.memory_space<semaphore_mem>>)
    %broadcast_in_dim3A = arith.constant 0.000000e+00 : f32
    %broadcast_in_dim3A_44 = vector.broadcast %broadcast_in_dim3A : f32 to vector<16xf32>
    %scan3A = arith.constant 0 : i32
    %scan3A_45 = arith.constant 8 : i32
    %scan3A_46 = arith.addi %scan3A, %scan3A_45 : i32
    %scan3A_47 = arith.constant 1 : i32
    %scan3A_48:16 = scf.for %scan3A_196 = %scan3A to %scan3A_46 step %scan3A_47 iter_args(%scan3A_197 = %broadcast_in_dim3A_44, %scan3A_198 = %broadcast_in_dim3A_44, %scan3A_199 = %broadcast_in_dim3A_44, %scan3A_200 = %broadcast_in_dim3A_44, %scan3A_201 = %broadcast_in_dim3A_44, %scan3A_202 = %broadcast_in_dim3A_44, %scan3A_203 = %broadcast_in_dim3A_44, %scan3A_204 = %broadcast_in_dim3A_44, %scan3A_205 = %broadcast_in_dim3A_44, %scan3A_206 = %broadcast_in_dim3A_44, %scan3A_207 = %broadcast_in_dim3A_44, %scan3A_208 = %broadcast_in_dim3A_44, %scan3A_209 = %broadcast_in_dim3A_44, %scan3A_210 = %broadcast_in_dim3A_44, %scan3A_211 = %broadcast_in_dim3A_44, %scan3A_212 = %broadcast_in_dim3A_44) -> (vector<16xf32>, vector<16xf32>, vector<16xf32>, vector<16xf32>, vector<16xf32>, vector<16xf32>, vector<16xf32>, vector<16xf32>, vector<16xf32>, vector<16xf32>, vector<16xf32>, vector<16xf32>, vector<16xf32>, vector<16xf32>, vector<16xf32>, vector<16xf32>)  : i32 {
      %mul3A_213 = arith.constant 2 : i32
      %mul3A_214 = arith.muli %mul3A_213, %scan3A_196 : i32
      %add3A_215 = arith.constant 0 : i32
      %add3A_216 = arith.addi %mul3A_214, %add3A_215 : i32
      %dma_wait3A_217 = arith.constant 0 : i32
      %dma_wait3A_218 = arith.constant 0 : i32
      %dma_wait3A_219 = arith.constant 0 : i32
      %dma_wait3A_220 = tpu.memref_slice %arg8[%dma_wait3A_217, %dma_wait3A_218, %dma_wait3A_219] : memref<8x64x128xf32, #tpu.memory_space<vmem>> -> memref<1x64x128xf32, #tpu.memory_space<vmem>>
      %dma_wait3A_221 = tpu.memref_squeeze %dma_wait3A_220 : memref<1x64x128xf32, #tpu.memory_space<vmem>> -> memref<64x128xf32, #tpu.memory_space<vmem>>
      %dma_wait3A_222 = arith.constant 0 : i32
      %dma_wait3A_223 = arith.constant 0 : i32
      %dma_wait3A_224 = tpu.memref_slice %arg2[%dma_wait3A_222, %dma_wait3A_223] : memref<8192x128xf32, #tpu.memory_space<hbm>> -> memref<64x128xf32, #tpu.memory_space<hbm>>
      %dma_wait3A_225 = arith.constant 0 : i32
      %dma_wait3A_226 = arith.constant 0 : i32
      %dma_wait3A_227 = tpu.memref_slice %arg8[%dma_wait3A_217, %dma_wait3A_225, %dma_wait3A_226] : memref<8x64x128xf32, #tpu.memory_space<vmem>> -> memref<1x64x128xf32, #tpu.memory_space<vmem>>
      %dma_wait3A_228 = tpu.memref_squeeze %dma_wait3A_227 : memref<1x64x128xf32, #tpu.memory_space<vmem>> -> memref<64x128xf32, #tpu.memory_space<vmem>>
      %dma_wait3A_229 = arith.constant 0 : i32
      %dma_wait3A_230 = arith.constant 0 : i32
      %dma_wait3A_231 = tpu.memref_slice %arg2[%dma_wait3A_229, %dma_wait3A_230] : memref<8192x128xf32, #tpu.memory_space<hbm>> -> memref<64x128xf32, #tpu.memory_space<hbm>>
      tpu.wait_dma2 semaphore(%arg11 : memref<!tpu.dma_semaphore, #tpu.memory_space<semaphore_mem>>) src(%dma_wait3A_231 : memref<64x128xf32, #tpu.memory_space<hbm>>) dst(%dma_wait3A_228 : memref<64x128xf32, #tpu.memory_space<vmem>>)
      %dma_wait3A_232 = arith.constant 1 : i32
      %dma_wait3A_233 = arith.constant 0 : i32
      %dma_wait3A_234 = arith.constant 0 : i32
      %dma_wait3A_235 = tpu.memref_slice %arg8[%dma_wait3A_232, %dma_wait3A_233, %dma_wait3A_234] : memref<8x64x128xf32, #tpu.memory_space<vmem>> -> memref<1x64x128xf32, #tpu.memory_space<vmem>>
      %dma_wait3A_236 = tpu.memref_squeeze %dma_wait3A_235 : memref<1x64x128xf32, #tpu.memory_space<vmem>> -> memref<64x128xf32, #tpu.memory_space<vmem>>
      %dma_wait3A_237 = arith.constant 0 : i32
      %dma_wait3A_238 = arith.constant 0 : i32
      %dma_wait3A_239 = tpu.memref_slice %arg2[%dma_wait3A_237, %dma_wait3A_238] : memref<8192x128xf32, #tpu.memory_space<hbm>> -> memref<64x128xf32, #tpu.memory_space<hbm>>
      %dma_wait3A_240 = arith.constant 0 : i32
      %dma_wait3A_241 = arith.constant 0 : i32
      %dma_wait3A_242 = tpu.memref_slice %arg8[%dma_wait3A_232, %dma_wait3A_240, %dma_wait3A_241] : memref<8x64x128xf32, #tpu.memory_space<vmem>> -> memref<1x64x128xf32, #tpu.memory_space<vmem>>
      %dma_wait3A_243 = tpu.memref_squeeze %dma_wait3A_242 : memref<1x64x128xf32, #tpu.memory_space<vmem>> -> memref<64x128xf32, #tpu.memory_space<vmem>>
      %dma_wait3A_244 = arith.constant 0 : i32
      %dma_wait3A_245 = arith.constant 0 : i32
      %dma_wait3A_246 = tpu.memref_slice %arg2[%dma_wait3A_244, %dma_wait3A_245] : memref<8192x128xf32, #tpu.memory_space<hbm>> -> memref<64x128xf32, #tpu.memory_space<hbm>>
      tpu.wait_dma2 semaphore(%arg11 : memref<!tpu.dma_semaphore, #tpu.memory_space<semaphore_mem>>) src(%dma_wait3A_246 : memref<64x128xf32, #tpu.memory_space<hbm>>) dst(%dma_wait3A_243 : memref<64x128xf32, #tpu.memory_space<vmem>>)
      %dma_wait3A_247 = arith.constant 2 : i32
      %dma_wait3A_248 = arith.constant 0 : i32
      %dma_wait3A_249 = arith.constant 0 : i32
      %dma_wait3A_250 = tpu.memref_slice %arg8[%dma_wait3A_247, %dma_wait3A_248, %dma_wait3A_249] : memref<8x64x128xf32, #tpu.memory_space<vmem>> -> memref<1x64x128xf32, #tpu.memory_space<vmem>>
      %dma_wait3A_251 = tpu.memref_squeeze %dma_wait3A_250 : memref<1x64x128xf32, #tpu.memory_space<vmem>> -> memref<64x128xf32, #tpu.memory_space<vmem>>
      %dma_wait3A_252 = arith.constant 0 : i32
      %dma_wait3A_253 = arith.constant 0 : i32
      %dma_wait3A_254 = tpu.memref_slice %arg2[%dma_wait3A_252, %dma_wait3A_253] : memref<8192x128xf32, #tpu.memory_space<hbm>> -> memref<64x128xf32, #tpu.memory_space<hbm>>
      %dma_wait3A_255 = arith.constant 0 : i32
      %dma_wait3A_256 = arith.constant 0 : i32
      %dma_wait3A_257 = tpu.memref_slice %arg8[%dma_wait3A_247, %dma_wait3A_255, %dma_wait3A_256] : memref<8x64x128xf32, #tpu.memory_space<vmem>> -> memref<1x64x128xf32, #tpu.memory_space<vmem>>
      %dma_wait3A_258 = tpu.memref_squeeze %dma_wait3A_257 : memref<1x64x128xf32, #tpu.memory_space<vmem>> -> memref<64x128xf32, #tpu.memory_space<vmem>>
      %dma_wait3A_259 = arith.constant 0 : i32
      %dma_wait3A_260 = arith.constant 0 : i32
      %dma_wait3A_261 = tpu.memref_slice %arg2[%dma_wait3A_259, %dma_wait3A_260] : memref<8192x128xf32, #tpu.memory_space<hbm>> -> memref<64x128xf32, #tpu.memory_space<hbm>>
      tpu.wait_dma2 semaphore(%arg11 : memref<!tpu.dma_semaphore, #tpu.memory_space<semaphore_mem>>) src(%dma_wait3A_261 : memref<64x128xf32, #tpu.memory_space<hbm>>) dst(%dma_wait3A_258 : memref<64x128xf32, #tpu.memory_space<vmem>>)
      %dma_wait3A_262 = arith.constant 3 : i32
      %dma_wait3A_263 = arith.constant 0 : i32
      %dma_wait3A_264 = arith.constant 0 : i32
      %dma_wait3A_265 = tpu.memref_slice %arg8[%dma_wait3A_262, %dma_wait3A_263, %dma_wait3A_264] : memref<8x64x128xf32, #tpu.memory_space<vmem>> -> memref<1x64x128xf32, #tpu.memory_space<vmem>>
      %dma_wait3A_266 = tpu.memref_squeeze %dma_wait3A_265 : memref<1x64x128xf32, #tpu.memory_space<vmem>> -> memref<64x128xf32, #tpu.memory_space<vmem>>
      %dma_wait3A_267 = arith.constant 0 : i32
      %dma_wait3A_268 = arith.constant 0 : i32
      %dma_wait3A_269 = tpu.memref_slice %arg2[%dma_wait3A_267, %dma_wait3A_268] : memref<8192x128xf32, #tpu.memory_space<hbm>> -> memref<64x128xf32, #tpu.memory_space<hbm>>
      %dma_wait3A_270 = arith.constant 0 : i32
      %dma_wait3A_271 = arith.constant 0 : i32
      %dma_wait3A_272 = tpu.memref_slice %arg8[%dma_wait3A_262, %dma_wait3A_270, %dma_wait3A_271] : memref<8x64x128xf32, #tpu.memory_space<vmem>> -> memref<1x64x128xf32, #tpu.memory_space<vmem>>
      %dma_wait3A_273 = tpu.memref_squeeze %dma_wait3A_272 : memref<1x64x128xf32, #tpu.memory_space<vmem>> -> memref<64x128xf32, #tpu.memory_space<vmem>>
      %dma_wait3A_274 = arith.constant 0 : i32
      %dma_wait3A_275 = arith.constant 0 : i32
      %dma_wait3A_276 = tpu.memref_slice %arg2[%dma_wait3A_274, %dma_wait3A_275] : memref<8192x128xf32, #tpu.memory_space<hbm>> -> memref<64x128xf32, #tpu.memory_space<hbm>>
      tpu.wait_dma2 semaphore(%arg11 : memref<!tpu.dma_semaphore, #tpu.memory_space<semaphore_mem>>) src(%dma_wait3A_276 : memref<64x128xf32, #tpu.memory_space<hbm>>) dst(%dma_wait3A_273 : memref<64x128xf32, #tpu.memory_space<vmem>>)
      %ge3A = arith.constant 1 : i32
      %ge3A_277 = arith.cmpi sge, %scan3A_196, %ge3A : i32
      %convert_element_type3A = arith.extui %ge3A_277 : i1 to i32
      %cond3A = arith.constant 0 : i32
      %cond3A_278 = arith.cmpi ne, %convert_element_type3A, %cond3A : i32
      scf.if %cond3A_278 {
        %dma_wait3A_591 = arith.constant 0 : i32
        %dma_wait3A_592 = arith.constant 0 : i32
        %dma_wait3A_593 = arith.constant 0 : i32
        %dma_wait3A_594 = tpu.memref_slice %arg8[%dma_wait3A_591, %dma_wait3A_592, %dma_wait3A_593] : memref<8x64x128xf32, #tpu.memory_space<vmem>> -> memref<1x64x128xf32, #tpu.memory_space<vmem>>
        %dma_wait3A_595 = tpu.memref_squeeze %dma_wait3A_594 : memref<1x64x128xf32, #tpu.memory_space<vmem>> -> memref<64x128xf32, #tpu.memory_space<vmem>>
        %dma_wait3A_596 = arith.constant 0 : i32
        %dma_wait3A_597 = tpu.memref_slice %arg5[%mul3A_2, %dma_wait3A_596] : memref<131072x128xf32, #tpu.memory_space<hbm>> -> memref<64x128xf32, #tpu.memory_space<hbm>>
        %dma_wait3A_598 = arith.constant 0 : i32
        %dma_wait3A_599 = tpu.memref_slice %arg5[%mul3A_2, %dma_wait3A_598] : memref<131072x128xf32, #tpu.memory_space<hbm>> -> memref<64x128xf32, #tpu.memory_space<hbm>>
        %dma_wait3A_600 = arith.constant 0 : i32
        %dma_wait3A_601 = arith.constant 0 : i32
        %dma_wait3A_602 = tpu.memref_slice %arg8[%dma_wait3A_591, %dma_wait3A_600, %dma_wait3A_601] : memref<8x64x128xf32, #tpu.memory_space<vmem>> -> memref<1x64x128xf32, #tpu.memory_space<vmem>>
        %dma_wait3A_603 = tpu.memref_squeeze %dma_wait3A_602 : memref<1x64x128xf32, #tpu.memory_space<vmem>> -> memref<64x128xf32, #tpu.memory_space<vmem>>
        tpu.wait_dma2 semaphore(%arg12 : memref<!tpu.dma_semaphore, #tpu.memory_space<semaphore_mem>>) src(%dma_wait3A_603 : memref<64x128xf32, #tpu.memory_space<vmem>>) dst(%dma_wait3A_599 : memref<64x128xf32, #tpu.memory_space<hbm>>)
        %dma_wait3A_604 = arith.constant 1 : i32
        %dma_wait3A_605 = arith.constant 0 : i32
        %dma_wait3A_606 = arith.constant 0 : i32
        %dma_wait3A_607 = tpu.memref_slice %arg8[%dma_wait3A_604, %dma_wait3A_605, %dma_wait3A_606] : memref<8x64x128xf32, #tpu.memory_space<vmem>> -> memref<1x64x128xf32, #tpu.memory_space<vmem>>
        %dma_wait3A_608 = tpu.memref_squeeze %dma_wait3A_607 : memref<1x64x128xf32, #tpu.memory_space<vmem>> -> memref<64x128xf32, #tpu.memory_space<vmem>>
        %dma_wait3A_609 = arith.constant 0 : i32
        %dma_wait3A_610 = tpu.memref_slice %arg5[%mul3A_2, %dma_wait3A_609] : memref<131072x128xf32, #tpu.memory_space<hbm>> -> memref<64x128xf32, #tpu.memory_space<hbm>>
        %dma_wait3A_611 = arith.constant 0 : i32
        %dma_wait3A_612 = tpu.memref_slice %arg5[%mul3A_2, %dma_wait3A_611] : memref<131072x128xf32, #tpu.memory_space<hbm>> -> memref<64x128xf32, #tpu.memory_space<hbm>>
        %dma_wait3A_613 = arith.constant 0 : i32
        %dma_wait3A_614 = arith.constant 0 : i32
        %dma_wait3A_615 = tpu.memref_slice %arg8[%dma_wait3A_604, %dma_wait3A_613, %dma_wait3A_614] : memref<8x64x128xf32, #tpu.memory_space<vmem>> -> memref<1x64x128xf32, #tpu.memory_space<vmem>>
        %dma_wait3A_616 = tpu.memref_squeeze %dma_wait3A_615 : memref<1x64x128xf32, #tpu.memory_space<vmem>> -> memref<64x128xf32, #tpu.memory_space<vmem>>
        tpu.wait_dma2 semaphore(%arg12 : memref<!tpu.dma_semaphore, #tpu.memory_space<semaphore_mem>>) src(%dma_wait3A_616 : memref<64x128xf32, #tpu.memory_space<vmem>>) dst(%dma_wait3A_612 : memref<64x128xf32, #tpu.memory_space<hbm>>)
        %dma_wait3A_617 = arith.constant 2 : i32
        %dma_wait3A_618 = arith.constant 0 : i32
        %dma_wait3A_619 = arith.constant 0 : i32
        %dma_wait3A_620 = tpu.memref_slice %arg8[%dma_wait3A_617, %dma_wait3A_618, %dma_wait3A_619] : memref<8x64x128xf32, #tpu.memory_space<vmem>> -> memref<1x64x128xf32, #tpu.memory_space<vmem>>
        %dma_wait3A_621 = tpu.memref_squeeze %dma_wait3A_620 : memref<1x64x128xf32, #tpu.memory_space<vmem>> -> memref<64x128xf32, #tpu.memory_space<vmem>>
        %dma_wait3A_622 = arith.constant 0 : i32
        %dma_wait3A_623 = tpu.memref_slice %arg5[%mul3A_2, %dma_wait3A_622] : memref<131072x128xf32, #tpu.memory_space<hbm>> -> memref<64x128xf32, #tpu.memory_space<hbm>>
        %dma_wait3A_624 = arith.constant 0 : i32
        %dma_wait3A_625 = tpu.memref_slice %arg5[%mul3A_2, %dma_wait3A_624] : memref<131072x128xf32, #tpu.memory_space<hbm>> -> memref<64x128xf32, #tpu.memory_space<hbm>>
        %dma_wait3A_626 = arith.constant 0 : i32
        %dma_wait3A_627 = arith.constant 0 : i32
        %dma_wait3A_628 = tpu.memref_slice %arg8[%dma_wait3A_617, %dma_wait3A_626, %dma_wait3A_627] : memref<8x64x128xf32, #tpu.memory_space<vmem>> -> memref<1x64x128xf32, #tpu.memory_space<vmem>>
        %dma_wait3A_629 = tpu.memref_squeeze %dma_wait3A_628 : memref<1x64x128xf32, #tpu.memory_space<vmem>> -> memref<64x128xf32, #tpu.memory_space<vmem>>
        tpu.wait_dma2 semaphore(%arg12 : memref<!tpu.dma_semaphore, #tpu.memory_space<semaphore_mem>>) src(%dma_wait3A_629 : memref<64x128xf32, #tpu.memory_space<vmem>>) dst(%dma_wait3A_625 : memref<64x128xf32, #tpu.memory_space<hbm>>)
        %dma_wait3A_630 = arith.constant 3 : i32
        %dma_wait3A_631 = arith.constant 0 : i32
        %dma_wait3A_632 = arith.constant 0 : i32
        %dma_wait3A_633 = tpu.memref_slice %arg8[%dma_wait3A_630, %dma_wait3A_631, %dma_wait3A_632] : memref<8x64x128xf32, #tpu.memory_space<vmem>> -> memref<1x64x128xf32, #tpu.memory_space<vmem>>
        %dma_wait3A_634 = tpu.memref_squeeze %dma_wait3A_633 : memref<1x64x128xf32, #tpu.memory_space<vmem>> -> memref<64x128xf32, #tpu.memory_space<vmem>>
        %dma_wait3A_635 = arith.constant 0 : i32
        %dma_wait3A_636 = tpu.memref_slice %arg5[%mul3A_2, %dma_wait3A_635] : memref<131072x128xf32, #tpu.memory_space<hbm>> -> memref<64x128xf32, #tpu.memory_space<hbm>>
        %dma_wait3A_637 = arith.constant 0 : i32
        %dma_wait3A_638 = tpu.memref_slice %arg5[%mul3A_2, %dma_wait3A_637] : memref<131072x128xf32, #tpu.memory_space<hbm>> -> memref<64x128xf32, #tpu.memory_space<hbm>>
        %dma_wait3A_639 = arith.constant 0 : i32
        %dma_wait3A_640 = arith.constant 0 : i32
        %dma_wait3A_641 = tpu.memref_slice %arg8[%dma_wait3A_630, %dma_wait3A_639, %dma_wait3A_640] : memref<8x64x128xf32, #tpu.memory_space<vmem>> -> memref<1x64x128xf32, #tpu.memory_space<vmem>>
        %dma_wait3A_642 = tpu.memref_squeeze %dma_wait3A_641 : memref<1x64x128xf32, #tpu.memory_space<vmem>> -> memref<64x128xf32, #tpu.memory_space<vmem>>
        tpu.wait_dma2 semaphore(%arg12 : memref<!tpu.dma_semaphore, #tpu.memory_space<semaphore_mem>>) src(%dma_wait3A_642 : memref<64x128xf32, #tpu.memory_space<vmem>>) dst(%dma_wait3A_638 : memref<64x128xf32, #tpu.memory_space<hbm>>)
      } else {
      }
      %add3A_279 = arith.constant 1 : i32
      %add3A_280 = arith.addi %add3A_216, %add3A_279 : i32
      %mul3A_281 = arith.constant 256 : i32
      %mul3A_282 = arith.muli %add3A_280, %mul3A_281 : i32
      %add3A_283 = arith.constant 0 : i32
      %add3A_284 = arith.addi %mul3A_282, %add3A_283 : i32
      %dma_start3A_285 = arith.constant 4 : i32
      %dma_start3A_286 = arith.constant 0 : i32
      %dma_start3A_287 = arith.constant 0 : i32
      %dma_start3A_288 = tpu.memref_slice %arg8[%dma_start3A_285, %dma_start3A_286, %dma_start3A_287] : memref<8x64x128xf32, #tpu.memory_space<vmem>> -> memref<1x64x128xf32, #tpu.memory_space<vmem>>
      %dma_start3A_289 = tpu.memref_squeeze %dma_start3A_288 : memref<1x64x128xf32, #tpu.memory_space<vmem>> -> memref<64x128xf32, #tpu.memory_space<vmem>>
      %dma_start3A_290 = tpu.memref_slice %arg7[%add3A_284] : memref<4096xi32, #tpu.memory_space<vmem>> -> memref<64xi32, #tpu.memory_space<vmem>>
      %dma_start3A_291 = arith.constant 0 : i32
      %dma_start3A_292 = arith.constant 0 : i32
      %dma_start3A_293 = tpu.memref_slice %arg2[%dma_start3A_291, %dma_start3A_292] : memref<8192x128xf32, #tpu.memory_space<hbm>> -> memref<8192x128xf32, #tpu.memory_space<hbm>>
      tpu.enqueue_indirect_dma source(%dma_start3A_293 : memref<8192x128xf32, #tpu.memory_space<hbm>>) target(%dma_start3A_289 : memref<64x128xf32, #tpu.memory_space<vmem>>) offsets(%dma_start3A_290 : memref<64xi32, #tpu.memory_space<vmem>>) semaphore(%arg11 : memref<!tpu.dma_semaphore, #tpu.memory_space<semaphore_mem>>)
      %add3A_294 = arith.constant 64 : i32
      %add3A_295 = arith.addi %mul3A_282, %add3A_294 : i32
      %dma_start3A_296 = arith.constant 5 : i32
      %dma_start3A_297 = arith.constant 0 : i32
      %dma_start3A_298 = arith.constant 0 : i32
      %dma_start3A_299 = tpu.memref_slice %arg8[%dma_start3A_296, %dma_start3A_297, %dma_start3A_298] : memref<8x64x128xf32, #tpu.memory_space<vmem>> -> memref<1x64x128xf32, #tpu.memory_space<vmem>>
      %dma_start3A_300 = tpu.memref_squeeze %dma_start3A_299 : memref<1x64x128xf32, #tpu.memory_space<vmem>> -> memref<64x128xf32, #tpu.memory_space<vmem>>
      %dma_start3A_301 = tpu.memref_slice %arg7[%add3A_295] : memref<4096xi32, #tpu.memory_space<vmem>> -> memref<64xi32, #tpu.memory_space<vmem>>
      %dma_start3A_302 = arith.constant 0 : i32
      %dma_start3A_303 = arith.constant 0 : i32
      %dma_start3A_304 = tpu.memref_slice %arg2[%dma_start3A_302, %dma_start3A_303] : memref<8192x128xf32, #tpu.memory_space<hbm>> -> memref<8192x128xf32, #tpu.memory_space<hbm>>
      tpu.enqueue_indirect_dma source(%dma_start3A_304 : memref<8192x128xf32, #tpu.memory_space<hbm>>) target(%dma_start3A_300 : memref<64x128xf32, #tpu.memory_space<vmem>>) offsets(%dma_start3A_301 : memref<64xi32, #tpu.memory_space<vmem>>) semaphore(%arg11 : memref<!tpu.dma_semaphore, #tpu.memory_space<semaphore_mem>>)
      %add3A_305 = arith.constant 128 : i32
      %add3A_306 = arith.addi %mul3A_282, %add3A_305 : i32
      %dma_start3A_307 = arith.constant 6 : i32
      %dma_start3A_308 = arith.constant 0 : i32
      %dma_start3A_309 = arith.constant 0 : i32
      %dma_start3A_310 = tpu.memref_slice %arg8[%dma_start3A_307, %dma_start3A_308, %dma_start3A_309] : memref<8x64x128xf32, #tpu.memory_space<vmem>> -> memref<1x64x128xf32, #tpu.memory_space<vmem>>
      %dma_start3A_311 = tpu.memref_squeeze %dma_start3A_310 : memref<1x64x128xf32, #tpu.memory_space<vmem>> -> memref<64x128xf32, #tpu.memory_space<vmem>>
      %dma_start3A_312 = tpu.memref_slice %arg7[%add3A_306] : memref<4096xi32, #tpu.memory_space<vmem>> -> memref<64xi32, #tpu.memory_space<vmem>>
      %dma_start3A_313 = arith.constant 0 : i32
      %dma_start3A_314 = arith.constant 0 : i32
      %dma_start3A_315 = tpu.memref_slice %arg2[%dma_start3A_313, %dma_start3A_314] : memref<8192x128xf32, #tpu.memory_space<hbm>> -> memref<8192x128xf32, #tpu.memory_space<hbm>>
      tpu.enqueue_indirect_dma source(%dma_start3A_315 : memref<8192x128xf32, #tpu.memory_space<hbm>>) target(%dma_start3A_311 : memref<64x128xf32, #tpu.memory_space<vmem>>) offsets(%dma_start3A_312 : memref<64xi32, #tpu.memory_space<vmem>>) semaphore(%arg11 : memref<!tpu.dma_semaphore, #tpu.memory_space<semaphore_mem>>)
      %add3A_316 = arith.constant 192 : i32
      %add3A_317 = arith.addi %mul3A_282, %add3A_316 : i32
      %dma_start3A_318 = arith.constant 7 : i32
      %dma_start3A_319 = arith.constant 0 : i32
      %dma_start3A_320 = arith.constant 0 : i32
      %dma_start3A_321 = tpu.memref_slice %arg8[%dma_start3A_318, %dma_start3A_319, %dma_start3A_320] : memref<8x64x128xf32, #tpu.memory_space<vmem>> -> memref<1x64x128xf32, #tpu.memory_space<vmem>>
      %dma_start3A_322 = tpu.memref_squeeze %dma_start3A_321 : memref<1x64x128xf32, #tpu.memory_space<vmem>> -> memref<64x128xf32, #tpu.memory_space<vmem>>
      %dma_start3A_323 = tpu.memref_slice %arg7[%add3A_317] : memref<4096xi32, #tpu.memory_space<vmem>> -> memref<64xi32, #tpu.memory_space<vmem>>
      %dma_start3A_324 = arith.constant 0 : i32
      %dma_start3A_325 = arith.constant 0 : i32
      %dma_start3A_326 = tpu.memref_slice %arg2[%dma_start3A_324, %dma_start3A_325] : memref<8192x128xf32, #tpu.memory_space<hbm>> -> memref<8192x128xf32, #tpu.memory_space<hbm>>
      tpu.enqueue_indirect_dma source(%dma_start3A_326 : memref<8192x128xf32, #tpu.memory_space<hbm>>) target(%dma_start3A_322 : memref<64x128xf32, #tpu.memory_space<vmem>>) offsets(%dma_start3A_323 : memref<64xi32, #tpu.memory_space<vmem>>) semaphore(%arg11 : memref<!tpu.dma_semaphore, #tpu.memory_space<semaphore_mem>>)
      %mul3A_327 = arith.constant 256 : i32
      %mul3A_328 = arith.muli %add3A_216, %mul3A_327 : i32
      %add3A_329 = arith.addi %mul3A_2, %mul3A_328 : i32
      %add3A_330 = arith.constant 0 : i32
      %add3A_331 = arith.addi %add3A_329, %add3A_330 : i32
      %dma_start3A_332 = arith.constant 0 : i32
      %dma_start3A_333 = arith.constant 0 : i32
      %dma_start3A_334 = arith.constant 0 : i32
      %dma_start3A_335 = tpu.memref_slice %arg8[%dma_start3A_332, %dma_start3A_333, %dma_start3A_334] : memref<8x64x128xf32, #tpu.memory_space<vmem>> -> memref<1x64x128xf32, #tpu.memory_space<vmem>>
      %dma_start3A_336 = tpu.memref_squeeze %dma_start3A_335 : memref<1x64x128xf32, #tpu.memory_space<vmem>> -> memref<64x128xf32, #tpu.memory_space<vmem>>
      %dma_start3A_337 = arith.constant 0 : i32
      %dma_start3A_338 = tpu.memref_slice %arg5[%add3A_331, %dma_start3A_337] : memref<131072x128xf32, #tpu.memory_space<hbm>> -> memref<64x128xf32, #tpu.memory_space<hbm>>
      %dma_start3A_339 = arith.constant 0 : i32
      %dma_start3A_340 = tpu.memref_slice %arg5[%add3A_331, %dma_start3A_339] : memref<131072x128xf32, #tpu.memory_space<hbm>> -> memref<64x128xf32, #tpu.memory_space<hbm>>
      %dma_start3A_341 = arith.constant 0 : i32
      %dma_start3A_342 = arith.constant 0 : i32
      %dma_start3A_343 = tpu.memref_slice %arg8[%dma_start3A_332, %dma_start3A_341, %dma_start3A_342] : memref<8x64x128xf32, #tpu.memory_space<vmem>> -> memref<1x64x128xf32, #tpu.memory_space<vmem>>
      %dma_start3A_344 = tpu.memref_squeeze %dma_start3A_343 : memref<1x64x128xf32, #tpu.memory_space<vmem>> -> memref<64x128xf32, #tpu.memory_space<vmem>>
      tpu.enqueue_dma source(%dma_start3A_344 : memref<64x128xf32, #tpu.memory_space<vmem>>) target(%dma_start3A_340 : memref<64x128xf32, #tpu.memory_space<hbm>>) target_semaphore(%arg12 : memref<!tpu.dma_semaphore, #tpu.memory_space<semaphore_mem>>)
      %add3A_345 = arith.addi %mul3A_2, %mul3A_328 : i32
      %add3A_346 = arith.constant 64 : i32
      %add3A_347 = arith.addi %add3A_345, %add3A_346 : i32
      %dma_start3A_348 = arith.constant 1 : i32
      %dma_start3A_349 = arith.constant 0 : i32
      %dma_start3A_350 = arith.constant 0 : i32
      %dma_start3A_351 = tpu.memref_slice %arg8[%dma_start3A_348, %dma_start3A_349, %dma_start3A_350] : memref<8x64x128xf32, #tpu.memory_space<vmem>> -> memref<1x64x128xf32, #tpu.memory_space<vmem>>
      %dma_start3A_352 = tpu.memref_squeeze %dma_start3A_351 : memref<1x64x128xf32, #tpu.memory_space<vmem>> -> memref<64x128xf32, #tpu.memory_space<vmem>>
      %dma_start3A_353 = arith.constant 0 : i32
      %dma_start3A_354 = tpu.memref_slice %arg5[%add3A_347, %dma_start3A_353] : memref<131072x128xf32, #tpu.memory_space<hbm>> -> memref<64x128xf32, #tpu.memory_space<hbm>>
      %dma_start3A_355 = arith.constant 0 : i32
      %dma_start3A_356 = tpu.memref_slice %arg5[%add3A_347, %dma_start3A_355] : memref<131072x128xf32, #tpu.memory_space<hbm>> -> memref<64x128xf32, #tpu.memory_space<hbm>>
      %dma_start3A_357 = arith.constant 0 : i32
      %dma_start3A_358 = arith.constant 0 : i32
      %dma_start3A_359 = tpu.memref_slice %arg8[%dma_start3A_348, %dma_start3A_357, %dma_start3A_358] : memref<8x64x128xf32, #tpu.memory_space<vmem>> -> memref<1x64x128xf32, #tpu.memory_space<vmem>>
      %dma_start3A_360 = tpu.memref_squeeze %dma_start3A_359 : memref<1x64x128xf32, #tpu.memory_space<vmem>> -> memref<64x128xf32, #tpu.memory_space<vmem>>
      tpu.enqueue_dma source(%dma_start3A_360 : memref<64x128xf32, #tpu.memory_space<vmem>>) target(%dma_start3A_356 : memref<64x128xf32, #tpu.memory_space<hbm>>) target_semaphore(%arg12 : memref<!tpu.dma_semaphore, #tpu.memory_space<semaphore_mem>>)
      %add3A_361 = arith.addi %mul3A_2, %mul3A_328 : i32
      %add3A_362 = arith.constant 128 : i32
      %add3A_363 = arith.addi %add3A_361, %add3A_362 : i32
      %dma_start3A_364 = arith.constant 2 : i32
      %dma_start3A_365 = arith.constant 0 : i32
      %dma_start3A_366 = arith.constant 0 : i32
      %dma_start3A_367 = tpu.memref_slice %arg8[%dma_start3A_364, %dma_start3A_365, %dma_start3A_366] : memref<8x64x128xf32, #tpu.memory_space<vmem>> -> memref<1x64x128xf32, #tpu.memory_space<vmem>>
      %dma_start3A_368 = tpu.memref_squeeze %dma_start3A_367 : memref<1x64x128xf32, #tpu.memory_space<vmem>> -> memref<64x128xf32, #tpu.memory_space<vmem>>
      %dma_start3A_369 = arith.constant 0 : i32
      %dma_start3A_370 = tpu.memref_slice %arg5[%add3A_363, %dma_start3A_369] : memref<131072x128xf32, #tpu.memory_space<hbm>> -> memref<64x128xf32, #tpu.memory_space<hbm>>
      %dma_start3A_371 = arith.constant 0 : i32
      %dma_start3A_372 = tpu.memref_slice %arg5[%add3A_363, %dma_start3A_371] : memref<131072x128xf32, #tpu.memory_space<hbm>> -> memref<64x128xf32, #tpu.memory_space<hbm>>
      %dma_start3A_373 = arith.constant 0 : i32
      %dma_start3A_374 = arith.constant 0 : i32
      %dma_start3A_375 = tpu.memref_slice %arg8[%dma_start3A_364, %dma_start3A_373, %dma_start3A_374] : memref<8x64x128xf32, #tpu.memory_space<vmem>> -> memref<1x64x128xf32, #tpu.memory_space<vmem>>
      %dma_start3A_376 = tpu.memref_squeeze %dma_start3A_375 : memref<1x64x128xf32, #tpu.memory_space<vmem>> -> memref<64x128xf32, #tpu.memory_space<vmem>>
      tpu.enqueue_dma source(%dma_start3A_376 : memref<64x128xf32, #tpu.memory_space<vmem>>) target(%dma_start3A_372 : memref<64x128xf32, #tpu.memory_space<hbm>>) target_semaphore(%arg12 : memref<!tpu.dma_semaphore, #tpu.memory_space<semaphore_mem>>)
      %add3A_377 = arith.addi %mul3A_2, %mul3A_328 : i32
      %add3A_378 = arith.constant 192 : i32
      %add3A_379 = arith.addi %add3A_377, %add3A_378 : i32
      %dma_start3A_380 = arith.constant 3 : i32
      %dma_start3A_381 = arith.constant 0 : i32
      %dma_start3A_382 = arith.constant 0 : i32
      %dma_start3A_383 = tpu.memref_slice %arg8[%dma_start3A_380, %dma_start3A_381, %dma_start3A_382] : memref<8x64x128xf32, #tpu.memory_space<vmem>> -> memref<1x64x128xf32, #tpu.memory_space<vmem>>
      %dma_start3A_384 = tpu.memref_squeeze %dma_start3A_383 : memref<1x64x128xf32, #tpu.memory_space<vmem>> -> memref<64x128xf32, #tpu.memory_space<vmem>>
      %dma_start3A_385 = arith.constant 0 : i32
      %dma_start3A_386 = tpu.memref_slice %arg5[%add3A_379, %dma_start3A_385] : memref<131072x128xf32, #tpu.memory_space<hbm>> -> memref<64x128xf32, #tpu.memory_space<hbm>>
      %dma_start3A_387 = arith.constant 0 : i32
      %dma_start3A_388 = tpu.memref_slice %arg5[%add3A_379, %dma_start3A_387] : memref<131072x128xf32, #tpu.memory_space<hbm>> -> memref<64x128xf32, #tpu.memory_space<hbm>>
      %dma_start3A_389 = arith.constant 0 : i32
      %dma_start3A_390 = arith.constant 0 : i32
      %dma_start3A_391 = tpu.memref_slice %arg8[%dma_start3A_380, %dma_start3A_389, %dma_start3A_390] : memref<8x64x128xf32, #tpu.memory_space<vmem>> -> memref<1x64x128xf32, #tpu.memory_space<vmem>>
      %dma_start3A_392 = tpu.memref_squeeze %dma_start3A_391 : memref<1x64x128xf32, #tpu.memory_space<vmem>> -> memref<64x128xf32, #tpu.memory_space<vmem>>
      tpu.enqueue_dma source(%dma_start3A_392 : memref<64x128xf32, #tpu.memory_space<vmem>>) target(%dma_start3A_388 : memref<64x128xf32, #tpu.memory_space<hbm>>) target_semaphore(%arg12 : memref<!tpu.dma_semaphore, #tpu.memory_space<semaphore_mem>>)
      %scan3A_393 = arith.constant 0 : i32
      %scan3A_394 = arith.constant 256 : i32
      %scan3A_395 = arith.addi %scan3A_393, %scan3A_394 : i32
      %scan3A_396 = arith.constant 1 : i32
      %scan3A_397:16 = scf.for %scan3A_591 = %scan3A_393 to %scan3A_395 step %scan3A_396 iter_args(%scan3A_592 = %scan3A_197, %scan3A_593 = %scan3A_198, %scan3A_594 = %scan3A_199, %scan3A_595 = %scan3A_200, %scan3A_596 = %scan3A_201, %scan3A_597 = %scan3A_202, %scan3A_598 = %scan3A_203, %scan3A_599 = %scan3A_204, %scan3A_600 = %scan3A_205, %scan3A_601 = %scan3A_206, %scan3A_602 = %scan3A_207, %scan3A_603 = %scan3A_208, %scan3A_604 = %scan3A_209, %scan3A_605 = %scan3A_210, %scan3A_606 = %scan3A_211, %scan3A_607 = %scan3A_212) -> (vector<16xf32>, vector<16xf32>, vector<16xf32>, vector<16xf32>, vector<16xf32>, vector<16xf32>, vector<16xf32>, vector<16xf32>, vector<16xf32>, vector<16xf32>, vector<16xf32>, vector<16xf32>, vector<16xf32>, vector<16xf32>, vector<16xf32>, vector<16xf32>)  : i32 {
        %mul3A_608 = arith.constant 256 : i32
        %mul3A_609 = arith.muli %add3A_216, %mul3A_608 : i32
        %add3A_610 = arith.addi %mul3A_609, %scan3A_591 : i32
        %jit3A = arith.constant 16 : i32
        %div3A = arith.divsi %add3A_610, %jit3A : i32
        %sign3A = arith.constant 0 : i32
        %sign3A_611 = arith.cmpi sgt, %add3A_610, %sign3A : i32
        %sign3A_612 = arith.extui %sign3A_611 : i1 to i32
        %sign3A_613 = arith.constant 0 : i32
        %sign3A_614 = arith.cmpi slt, %add3A_610, %sign3A_613 : i32
        %sign3A_615 = arith.extui %sign3A_614 : i1 to i32
        %sign3A_616 = arith.subi %sign3A_612, %sign3A_615 : i32
        %sign3A_617 = arith.constant 0 : i32
        %sign3A_618 = arith.cmpi sgt, %jit3A, %sign3A_617 : i32
        %sign3A_619 = arith.extui %sign3A_618 : i1 to i32
        %sign3A_620 = arith.constant 0 : i32
        %sign3A_621 = arith.cmpi slt, %jit3A, %sign3A_620 : i32
        %sign3A_622 = arith.extui %sign3A_621 : i1 to i32
        %sign3A_623 = arith.subi %sign3A_619, %sign3A_622 : i32
        %ne3A = arith.cmpi ne, %sign3A_616, %sign3A_623 : i32
        %rem3A = arith.remsi %add3A_610, %jit3A : i32
        %ne3A_624 = arith.constant 0 : i32
        %ne3A_625 = arith.cmpi ne, %rem3A, %ne3A_624 : i32
        %and3A = arith.andi %ne3A, %ne3A_625 : i1
        %sub3A = arith.constant 1 : i32
        %sub3A_626 = arith.subi %div3A, %sub3A : i32
        %select_n3A = arith.select %and3A, %sub3A_626, %div3A : i32
        %jit3A_627 = arith.constant 64 : i32
        %div3A_628 = arith.divsi %scan3A_591, %jit3A_627 : i32
        %sign3A_629 = arith.constant 0 : i32
        %sign3A_630 = arith.cmpi sgt, %scan3A_591, %sign3A_629 : i32
        %sign3A_631 = arith.extui %sign3A_630 : i1 to i32
        %sign3A_632 = arith.constant 0 : i32
        %sign3A_633 = arith.cmpi slt, %scan3A_591, %sign3A_632 : i32
        %sign3A_634 = arith.extui %sign3A_633 : i1 to i32
        %sign3A_635 = arith.subi %sign3A_631, %sign3A_634 : i32
        %sign3A_636 = arith.constant 0 : i32
        %sign3A_637 = arith.cmpi sgt, %jit3A_627, %sign3A_636 : i32
        %sign3A_638 = arith.extui %sign3A_637 : i1 to i32
        %sign3A_639 = arith.constant 0 : i32
        %sign3A_640 = arith.cmpi slt, %jit3A_627, %sign3A_639 : i32
        %sign3A_641 = arith.extui %sign3A_640 : i1 to i32
        %sign3A_642 = arith.subi %sign3A_638, %sign3A_641 : i32
        %ne3A_643 = arith.cmpi ne, %sign3A_635, %sign3A_642 : i32
        %rem3A_644 = arith.remsi %scan3A_591, %jit3A_627 : i32
        %ne3A_645 = arith.constant 0 : i32
        %ne3A_646 = arith.cmpi ne, %rem3A_644, %ne3A_645 : i32
        %and3A_647 = arith.andi %ne3A_643, %ne3A_646 : i1
        %sub3A_648 = arith.constant 1 : i32
        %sub3A_649 = arith.subi %div3A_628, %sub3A_648 : i32
        %select_n3A_650 = arith.select %and3A_647, %sub3A_649, %div3A_628 : i32
        %add3A_651 = arith.constant 0 : i32
        %add3A_652 = arith.addi %add3A_651, %select_n3A_650 : i32
        %jit3A_653 = arith.constant 64 : i32
        %eq3A = arith.constant 0 : i32
        %eq3A_654 = arith.cmpi eq, %jit3A_653, %eq3A : i32
        %jit3A_655 = arith.constant 1 : i32
        %select_n3A_656 = arith.select %eq3A_654, %jit3A_655, %jit3A_653 : i32
        %rem3A_657 = arith.remsi %scan3A_591, %select_n3A_656 : i32
        %ne3A_658 = arith.constant 0 : i32
        %ne3A_659 = arith.cmpi ne, %rem3A_657, %ne3A_658 : i32
        %lt3A_660 = arith.constant 0 : i32
        %lt3A_661 = arith.cmpi slt, %rem3A_657, %lt3A_660 : i32
        %lt3A_662 = arith.constant 0 : i32
        %lt3A_663 = arith.cmpi slt, %select_n3A_656, %lt3A_662 : i32
        %ne3A_664 = arith.xori %lt3A_661, %lt3A_663 : i1
        %and3A_665 = arith.andi %ne3A_664, %ne3A_659 : i1
        %add3A_666 = arith.addi %rem3A_657, %select_n3A_656 : i32
        %select_n3A_667 = arith.select %and3A_665, %add3A_666, %rem3A_657 : i32
        %get3A = arith.index_cast %add3A_652 : i32 to index
        %get3A_668 = arith.index_cast %select_n3A_667 : i32 to index
        %get3A_669 = arith.constant 0 : index
        %get3A_670 = tpu.vector_load %arg8[%get3A, %get3A_668, %get3A_669] {strides = array<i32>} : memref<8x64x128xf32, #tpu.memory_space<vmem>>, vector<1x1x16xf32>,
        %get3A_671 = vector.shape_cast %get3A_670 : vector<1x1x16xf32> to vector<16xf32>
        %get3A_672 = arith.index_cast %select_n3A : i32 to index
        %get3A_673 = arith.constant 0 : index
        %get3A_674 = tpu.vector_load %arg9[%get3A_672, %get3A_673] {strides = array<i32>} : memref<256x128xf32, #tpu.memory_space<vmem>>, vector<1x16xf32>,
        %get3A_675 = vector.shape_cast %get3A_674 : vector<1x16xf32> to vector<16xf32>
        %add3A_676 = arith.addf %get3A_671, %get3A_675 : vector<16xf32>
        %add3A_677 = arith.addf %scan3A_592, %add3A_676 : vector<16xf32>
        %mul3A_678 = arith.mulf %add3A_676, %add3A_676 : vector<16xf32>
        %add3A_679 = arith.addf %scan3A_600, %mul3A_678 : vector<16xf32>
        %get3A_680 = arith.index_cast %add3A_652 : i32 to index
        %get3A_681 = arith.index_cast %select_n3A_667 : i32 to index
        %get3A_682 = arith.constant 16 : index
        %get3A_683 = tpu.vector_load %arg8[%get3A_680, %get3A_681, %get3A_682] {strides = array<i32>} : memref<8x64x128xf32, #tpu.memory_space<vmem>>, vector<1x1x16xf32>,
        %get3A_684 = vector.shape_cast %get3A_683 : vector<1x1x16xf32> to vector<16xf32>
        %get3A_685 = arith.index_cast %select_n3A : i32 to index
        %get3A_686 = arith.constant 16 : index
        %get3A_687 = tpu.vector_load %arg9[%get3A_685, %get3A_686] {strides = array<i32>} : memref<256x128xf32, #tpu.memory_space<vmem>>, vector<1x16xf32>,
        %get3A_688 = vector.shape_cast %get3A_687 : vector<1x16xf32> to vector<16xf32>
        %add3A_689 = arith.addf %get3A_684, %get3A_688 : vector<16xf32>
        %add3A_690 = arith.addf %scan3A_593, %add3A_689 : vector<16xf32>
        %mul3A_691 = arith.mulf %add3A_689, %add3A_689 : vector<16xf32>
        %add3A_692 = arith.addf %scan3A_601, %mul3A_691 : vector<16xf32>
        %get3A_693 = arith.index_cast %add3A_652 : i32 to index
        %get3A_694 = arith.index_cast %select_n3A_667 : i32 to index
        %get3A_695 = arith.constant 32 : index
        %get3A_696 = tpu.vector_load %arg8[%get3A_693, %get3A_694, %get3A_695] {strides = array<i32>} : memref<8x64x128xf32, #tpu.memory_space<vmem>>, vector<1x1x16xf32>,
        %get3A_697 = vector.shape_cast %get3A_696 : vector<1x1x16xf32> to vector<16xf32>
        %get3A_698 = arith.index_cast %select_n3A : i32 to index
        %get3A_699 = arith.constant 32 : index
        %get3A_700 = tpu.vector_load %arg9[%get3A_698, %get3A_699] {strides = array<i32>} : memref<256x128xf32, #tpu.memory_space<vmem>>, vector<1x16xf32>,
        %get3A_701 = vector.shape_cast %get3A_700 : vector<1x16xf32> to vector<16xf32>
        %add3A_702 = arith.addf %get3A_697, %get3A_701 : vector<16xf32>
        %add3A_703 = arith.addf %scan3A_594, %add3A_702 : vector<16xf32>
        %mul3A_704 = arith.mulf %add3A_702, %add3A_702 : vector<16xf32>
        %add3A_705 = arith.addf %scan3A_602, %mul3A_704 : vector<16xf32>
        %get3A_706 = arith.index_cast %add3A_652 : i32 to index
        %get3A_707 = arith.index_cast %select_n3A_667 : i32 to index
        %get3A_708 = arith.constant 48 : index
        %get3A_709 = tpu.vector_load %arg8[%get3A_706, %get3A_707, %get3A_708] {strides = array<i32>} : memref<8x64x128xf32, #tpu.memory_space<vmem>>, vector<1x1x16xf32>,
        %get3A_710 = vector.shape_cast %get3A_709 : vector<1x1x16xf32> to vector<16xf32>
        %get3A_711 = arith.index_cast %select_n3A : i32 to index
        %get3A_712 = arith.constant 48 : index
        %get3A_713 = tpu.vector_load %arg9[%get3A_711, %get3A_712] {strides = array<i32>} : memref<256x128xf32, #tpu.memory_space<vmem>>, vector<1x16xf32>,
        %get3A_714 = vector.shape_cast %get3A_713 : vector<1x16xf32> to vector<16xf32>
        %add3A_715 = arith.addf %get3A_710, %get3A_714 : vector<16xf32>
        %add3A_716 = arith.addf %scan3A_595, %add3A_715 : vector<16xf32>
        %mul3A_717 = arith.mulf %add3A_715, %add3A_715 : vector<16xf32>
        %add3A_718 = arith.addf %scan3A_603, %mul3A_717 : vector<16xf32>
        %get3A_719 = arith.index_cast %add3A_652 : i32 to index
        %get3A_720 = arith.index_cast %select_n3A_667 : i32 to index
        %get3A_721 = arith.constant 64 : index
        %get3A_722 = tpu.vector_load %arg8[%get3A_719, %get3A_720, %get3A_721] {strides = array<i32>} : memref<8x64x128xf32, #tpu.memory_space<vmem>>, vector<1x1x16xf32>,
        %get3A_723 = vector.shape_cast %get3A_722 : vector<1x1x16xf32> to vector<16xf32>
        %get3A_724 = arith.index_cast %select_n3A : i32 to index
        %get3A_725 = arith.constant 64 : index
        %get3A_726 = tpu.vector_load %arg9[%get3A_724, %get3A_725] {strides = array<i32>} : memref<256x128xf32, #tpu.memory_space<vmem>>, vector<1x16xf32>,
        %get3A_727 = vector.shape_cast %get3A_726 : vector<1x16xf32> to vector<16xf32>
        %add3A_728 = arith.addf %get3A_723, %get3A_727 : vector<16xf32>
        %add3A_729 = arith.addf %scan3A_596, %add3A_728 : vector<16xf32>
        %mul3A_730 = arith.mulf %add3A_728, %add3A_728 : vector<16xf32>
        %add3A_731 = arith.addf %scan3A_604, %mul3A_730 : vector<16xf32>
        %get3A_732 = arith.index_cast %add3A_652 : i32 to index
        %get3A_733 = arith.index_cast %select_n3A_667 : i32 to index
        %get3A_734 = arith.constant 80 : index
        %get3A_735 = tpu.vector_load %arg8[%get3A_732, %get3A_733, %get3A_734] {strides = array<i32>} : memref<8x64x128xf32, #tpu.memory_space<vmem>>, vector<1x1x16xf32>,
        %get3A_736 = vector.shape_cast %get3A_735 : vector<1x1x16xf32> to vector<16xf32>
        %get3A_737 = arith.index_cast %select_n3A : i32 to index
        %get3A_738 = arith.constant 80 : index
        %get3A_739 = tpu.vector_load %arg9[%get3A_737, %get3A_738] {strides = array<i32>} : memref<256x128xf32, #tpu.memory_space<vmem>>, vector<1x16xf32>,
        %get3A_740 = vector.shape_cast %get3A_739 : vector<1x16xf32> to vector<16xf32>
        %add3A_741 = arith.addf %get3A_736, %get3A_740 : vector<16xf32>
        %add3A_742 = arith.addf %scan3A_597, %add3A_741 : vector<16xf32>
        %mul3A_743 = arith.mulf %add3A_741, %add3A_741 : vector<16xf32>
        %add3A_744 = arith.addf %scan3A_605, %mul3A_743 : vector<16xf32>
        %get3A_745 = arith.index_cast %add3A_652 : i32 to index
        %get3A_746 = arith.index_cast %select_n3A_667 : i32 to index
        %get3A_747 = arith.constant 96 : index
        %get3A_748 = tpu.vector_load %arg8[%get3A_745, %get3A_746, %get3A_747] {strides = array<i32>} : memref<8x64x128xf32, #tpu.memory_space<vmem>>, vector<1x1x16xf32>,
        %get3A_749 = vector.shape_cast %get3A_748 : vector<1x1x16xf32> to vector<16xf32>
        %get3A_750 = arith.index_cast %select_n3A : i32 to index
        %get3A_751 = arith.constant 96 : index
        %get3A_752 = tpu.vector_load %arg9[%get3A_750, %get3A_751] {strides = array<i32>} : memref<256x128xf32, #tpu.memory_space<vmem>>, vector<1x16xf32>,
        %get3A_753 = vector.shape_cast %get3A_752 : vector<1x16xf32> to vector<16xf32>
        %add3A_754 = arith.addf %get3A_749, %get3A_753 : vector<16xf32>
        %add3A_755 = arith.addf %scan3A_598, %add3A_754 : vector<16xf32>
        %mul3A_756 = arith.mulf %add3A_754, %add3A_754 : vector<16xf32>
        %add3A_757 = arith.addf %scan3A_606, %mul3A_756 : vector<16xf32>
        %get3A_758 = arith.index_cast %add3A_652 : i32 to index
        %get3A_759 = arith.index_cast %select_n3A_667 : i32 to index
        %get3A_760 = arith.constant 112 : index
        %get3A_761 = tpu.vector_load %arg8[%get3A_758, %get3A_759, %get3A_760] {strides = array<i32>} : memref<8x64x128xf32, #tpu.memory_space<vmem>>, vector<1x1x16xf32>,
        %get3A_762 = vector.shape_cast %get3A_761 : vector<1x1x16xf32> to vector<16xf32>
        %get3A_763 = arith.index_cast %select_n3A : i32 to index
        %get3A_764 = arith.constant 112 : index
        %get3A_765 = tpu.vector_load %arg9[%get3A_763, %get3A_764] {strides = array<i32>} : memref<256x128xf32, #tpu.memory_space<vmem>>, vector<1x16xf32>,
        %get3A_766 = vector.shape_cast %get3A_765 : vector<1x16xf32> to vector<16xf32>
        %add3A_767 = arith.addf %get3A_762, %get3A_766 : vector<16xf32>
        %add3A_768 = arith.addf %scan3A_599, %add3A_767 : vector<16xf32>
        %mul3A_769 = arith.mulf %add3A_767, %add3A_767 : vector<16xf32>
        %add3A_770 = arith.addf %scan3A_607, %mul3A_769 : vector<16xf32>
        scf.yield %add3A_677, %add3A_690, %add3A_703, %add3A_716, %add3A_729, %add3A_742, %add3A_755, %add3A_768, %add3A_679, %add3A_692, %add3A_705, %add3A_718, %add3A_731, %add3A_744, %add3A_757, %add3A_770 : vector<16xf32>, vector<16xf32>, vector<16xf32>, vector<16xf32>, vector<16xf32>, vector<16xf32>, vector<16xf32>, vector<16xf32>, vector<16xf32>, vector<16xf32>, vector<16xf32>, vector<16xf32>, vector<16xf32>, vector<16xf32>, vector<16xf32>, vector<16xf32>
      }
      %scan3A_398 = arith.constant 256 : i32
      %mul3A_399 = arith.constant 2 : i32
      %mul3A_400 = arith.muli %mul3A_399, %scan3A_196 : i32
      %add3A_401 = arith.constant 1 : i32
      %add3A_402 = arith.addi %mul3A_400, %add3A_401 : i32
      %dma_wait3A_403 = arith.constant 0 : i32
      %dma_wait3A_404 = arith.constant 0 : i32
      %dma_wait3A_405 = arith.constant 0 : i32
      %dma_wait3A_406 = tpu.memref_slice %arg8[%dma_wait3A_403, %dma_wait3A_404, %dma_wait3A_405] : memref<8x64x128xf32, #tpu.memory_space<vmem>> -> memref<1x64x128xf32, #tpu.memory_space<vmem>>
      %dma_wait3A_407 = tpu.memref_squeeze %dma_wait3A_406 : memref<1x64x128xf32, #tpu.memory_space<vmem>> -> memref<64x128xf32, #tpu.memory_space<vmem>>
      %dma_wait3A_408 = arith.constant 0 : i32
      %dma_wait3A_409 = arith.constant 0 : i32
      %dma_wait3A_410 = tpu.memref_slice %arg2[%dma_wait3A_408, %dma_wait3A_409] : memref<8192x128xf32, #tpu.memory_space<hbm>> -> memref<64x128xf32, #tpu.memory_space<hbm>>
      %dma_wait3A_411 = arith.constant 0 : i32
      %dma_wait3A_412 = arith.constant 0 : i32
      %dma_wait3A_413 = tpu.memref_slice %arg8[%dma_wait3A_403, %dma_wait3A_411, %dma_wait3A_412] : memref<8x64x128xf32, #tpu.memory_space<vmem>> -> memref<1x64x128xf32, #tpu.memory_space<vmem>>
      %dma_wait3A_414 = tpu.memref_squeeze %dma_wait3A_413 : memref<1x64x128xf32, #tpu.memory_space<vmem>> -> memref<64x128xf32, #tpu.memory_space<vmem>>
      %dma_wait3A_415 = arith.constant 0 : i32
      %dma_wait3A_416 = arith.constant 0 : i32
      %dma_wait3A_417 = tpu.memref_slice %arg2[%dma_wait3A_415, %dma_wait3A_416] : memref<8192x128xf32, #tpu.memory_space<hbm>> -> memref<64x128xf32, #tpu.memory_space<hbm>>
      tpu.wait_dma2 semaphore(%arg11 : memref<!tpu.dma_semaphore, #tpu.memory_space<semaphore_mem>>) src(%dma_wait3A_417 : memref<64x128xf32, #tpu.memory_space<hbm>>) dst(%dma_wait3A_414 : memref<64x128xf32, #tpu.memory_space<vmem>>)
      %dma_wait3A_418 = arith.constant 1 : i32
      %dma_wait3A_419 = arith.constant 0 : i32
      %dma_wait3A_420 = arith.constant 0 : i32
      %dma_wait3A_421 = tpu.memref_slice %arg8[%dma_wait3A_418, %dma_wait3A_419, %dma_wait3A_420] : memref<8x64x128xf32, #tpu.memory_space<vmem>> -> memref<1x64x128xf32, #tpu.memory_space<vmem>>
      %dma_wait3A_422 = tpu.memref_squeeze %dma_wait3A_421 : memref<1x64x128xf32, #tpu.memory_space<vmem>> -> memref<64x128xf32, #tpu.memory_space<vmem>>
      %dma_wait3A_423 = arith.constant 0 : i32
      %dma_wait3A_424 = arith.constant 0 : i32
      %dma_wait3A_425 = tpu.memref_slice %arg2[%dma_wait3A_423, %dma_wait3A_424] : memref<8192x128xf32, #tpu.memory_space<hbm>> -> memref<64x128xf32, #tpu.memory_space<hbm>>
      %dma_wait3A_426 = arith.constant 0 : i32
      %dma_wait3A_427 = arith.constant 0 : i32
      %dma_wait3A_428 = tpu.memref_slice %arg8[%dma_wait3A_418, %dma_wait3A_426, %dma_wait3A_427] : memref<8x64x128xf32, #tpu.memory_space<vmem>> -> memref<1x64x128xf32, #tpu.memory_space<vmem>>
      %dma_wait3A_429 = tpu.memref_squeeze %dma_wait3A_428 : memref<1x64x128xf32, #tpu.memory_space<vmem>> -> memref<64x128xf32, #tpu.memory_space<vmem>>
      %dma_wait3A_430 = arith.constant 0 : i32
      %dma_wait3A_431 = arith.constant 0 : i32
      %dma_wait3A_432 = tpu.memref_slice %arg2[%dma_wait3A_430, %dma_wait3A_431] : memref<8192x128xf32, #tpu.memory_space<hbm>> -> memref<64x128xf32, #tpu.memory_space<hbm>>
      tpu.wait_dma2 semaphore(%arg11 : memref<!tpu.dma_semaphore, #tpu.memory_space<semaphore_mem>>) src(%dma_wait3A_432 : memref<64x128xf32, #tpu.memory_space<hbm>>) dst(%dma_wait3A_429 : memref<64x128xf32, #tpu.memory_space<vmem>>)
      %dma_wait3A_433 = arith.constant 2 : i32
      %dma_wait3A_434 = arith.constant 0 : i32
      %dma_wait3A_435 = arith.constant 0 : i32
      %dma_wait3A_436 = tpu.memref_slice %arg8[%dma_wait3A_433, %dma_wait3A_434, %dma_wait3A_435] : memref<8x64x128xf32, #tpu.memory_space<vmem>> -> memref<1x64x128xf32, #tpu.memory_space<vmem>>
      %dma_wait3A_437 = tpu.memref_squeeze %dma_wait3A_436 : memref<1x64x128xf32, #tpu.memory_space<vmem>> -> memref<64x128xf32, #tpu.memory_space<vmem>>
      %dma_wait3A_438 = arith.constant 0 : i32
      %dma_wait3A_439 = arith.constant 0 : i32
      %dma_wait3A_440 = tpu.memref_slice %arg2[%dma_wait3A_438, %dma_wait3A_439] : memref<8192x128xf32, #tpu.memory_space<hbm>> -> memref<64x128xf32, #tpu.memory_space<hbm>>
      %dma_wait3A_441 = arith.constant 0 : i32
      %dma_wait3A_442 = arith.constant 0 : i32
      %dma_wait3A_443 = tpu.memref_slice %arg8[%dma_wait3A_433, %dma_wait3A_441, %dma_wait3A_442] : memref<8x64x128xf32, #tpu.memory_space<vmem>> -> memref<1x64x128xf32, #tpu.memory_space<vmem>>
      %dma_wait3A_444 = tpu.memref_squeeze %dma_wait3A_443 : memref<1x64x128xf32, #tpu.memory_space<vmem>> -> memref<64x128xf32, #tpu.memory_space<vmem>>
      %dma_wait3A_445 = arith.constant 0 : i32
      %dma_wait3A_446 = arith.constant 0 : i32
      %dma_wait3A_447 = tpu.memref_slice %arg2[%dma_wait3A_445, %dma_wait3A_446] : memref<8192x128xf32, #tpu.memory_space<hbm>> -> memref<64x128xf32, #tpu.memory_space<hbm>>
      tpu.wait_dma2 semaphore(%arg11 : memref<!tpu.dma_semaphore, #tpu.memory_space<semaphore_mem>>) src(%dma_wait3A_447 : memref<64x128xf32, #tpu.memory_space<hbm>>) dst(%dma_wait3A_444 : memref<64x128xf32, #tpu.memory_space<vmem>>)
      %dma_wait3A_448 = arith.constant 3 : i32
      %dma_wait3A_449 = arith.constant 0 : i32
      %dma_wait3A_450 = arith.constant 0 : i32
      %dma_wait3A_451 = tpu.memref_slice %arg8[%dma_wait3A_448, %dma_wait3A_449, %dma_wait3A_450] : memref<8x64x128xf32, #tpu.memory_space<vmem>> -> memref<1x64x128xf32, #tpu.memory_space<vmem>>
      %dma_wait3A_452 = tpu.memref_squeeze %dma_wait3A_451 : memref<1x64x128xf32, #tpu.memory_space<vmem>> -> memref<64x128xf32, #tpu.memory_space<vmem>>
      %dma_wait3A_453 = arith.constant 0 : i32
      %dma_wait3A_454 = arith.constant 0 : i32
      %dma_wait3A_455 = tpu.memref_slice %arg2[%dma_wait3A_453, %dma_wait3A_454] : memref<8192x128xf32, #tpu.memory_space<hbm>> -> memref<64x128xf32, #tpu.memory_space<hbm>>
      %dma_wait3A_456 = arith.constant 0 : i32
      %dma_wait3A_457 = arith.constant 0 : i32
      %dma_wait3A_458 = tpu.memref_slice %arg8[%dma_wait3A_448, %dma_wait3A_456, %dma_wait3A_457] : memref<8x64x128xf32, #tpu.memory_space<vmem>> -> memref<1x64x128xf32, #tpu.memory_space<vmem>>
      %dma_wait3A_459 = tpu.memref_squeeze %dma_wait3A_458 : memref<1x64x128xf32, #tpu.memory_space<vmem>> -> memref<64x128xf32, #tpu.memory_space<vmem>>
      %dma_wait3A_460 = arith.constant 0 : i32
      %dma_wait3A_461 = arith.constant 0 : i32
      %dma_wait3A_462 = tpu.memref_slice %arg2[%dma_wait3A_460, %dma_wait3A_461] : memref<8192x128xf32, #tpu.memory_space<hbm>> -> memref<64x128xf32, #tpu.memory_space<hbm>>
      tpu.wait_dma2 semaphore(%arg11 : memref<!tpu.dma_semaphore, #tpu.memory_space<semaphore_mem>>) src(%dma_wait3A_462 : memref<64x128xf32, #tpu.memory_space<hbm>>) dst(%dma_wait3A_459 : memref<64x128xf32, #tpu.memory_space<vmem>>)
      %dma_wait3A_463 = arith.constant 0 : i32
      %dma_wait3A_464 = arith.constant 0 : i32
      %dma_wait3A_465 = arith.constant 0 : i32
      %dma_wait3A_466 = tpu.memref_slice %arg8[%dma_wait3A_463, %dma_wait3A_464, %dma_wait3A_465] : memref<8x64x128xf32, #tpu.memory_space<vmem>> -> memref<1x64x128xf32, #tpu.memory_space<vmem>>
      %dma_wait3A_467 = tpu.memref_squeeze %dma_wait3A_466 : memref<1x64x128xf32, #tpu.memory_space<vmem>> -> memref<64x128xf32, #tpu.memory_space<vmem>>
      %dma_wait3A_468 = arith.constant 0 : i32
      %dma_wait3A_469 = tpu.memref_slice %arg5[%mul3A_2, %dma_wait3A_468] : memref<131072x128xf32, #tpu.memory_space<hbm>> -> memref<64x128xf32, #tpu.memory_space<hbm>>
      %dma_wait3A_470 = arith.constant 0 : i32
      %dma_wait3A_471 = tpu.memref_slice %arg5[%mul3A_2, %dma_wait3A_470] : memref<131072x128xf32, #tpu.memory_space<hbm>> -> memref<64x128xf32, #tpu.memory_space<hbm>>
      %dma_wait3A_472 = arith.constant 0 : i32
      %dma_wait3A_473 = arith.constant 0 : i32
      %dma_wait3A_474 = tpu.memref_slice %arg8[%dma_wait3A_463, %dma_wait3A_472, %dma_wait3A_473] : memref<8x64x128xf32, #tpu.memory_space<vmem>> -> memref<1x64x128xf32, #tpu.memory_space<vmem>>
      %dma_wait3A_475 = tpu.memref_squeeze %dma_wait3A_474 : memref<1x64x128xf32, #tpu.memory_space<vmem>> -> memref<64x128xf32, #tpu.memory_space<vmem>>
      tpu.wait_dma2 semaphore(%arg12 : memref<!tpu.dma_semaphore, #tpu.memory_space<semaphore_mem>>) src(%dma_wait3A_475 : memref<64x128xf32, #tpu.memory_space<vmem>>) dst(%dma_wait3A_471 : memref<64x128xf32, #tpu.memory_space<hbm>>)
      %dma_wait3A_476 = arith.constant 1 : i32
      %dma_wait3A_477 = arith.constant 0 : i32
      %dma_wait3A_478 = arith.constant 0 : i32
      %dma_wait3A_479 = tpu.memref_slice %arg8[%dma_wait3A_476, %dma_wait3A_477, %dma_wait3A_478] : memref<8x64x128xf32, #tpu.memory_space<vmem>> -> memref<1x64x128xf32, #tpu.memory_space<vmem>>
      %dma_wait3A_480 = tpu.memref_squeeze %dma_wait3A_479 : memref<1x64x128xf32, #tpu.memory_space<vmem>> -> memref<64x128xf32, #tpu.memory_space<vmem>>
      %dma_wait3A_481 = arith.constant 0 : i32
      %dma_wait3A_482 = tpu.memref_slice %arg5[%mul3A_2, %dma_wait3A_481] : memref<131072x128xf32, #tpu.memory_space<hbm>> -> memref<64x128xf32, #tpu.memory_space<hbm>>
      %dma_wait3A_483 = arith.constant 0 : i32
      %dma_wait3A_484 = tpu.memref_slice %arg5[%mul3A_2, %dma_wait3A_483] : memref<131072x128xf32, #tpu.memory_space<hbm>> -> memref<64x128xf32, #tpu.memory_space<hbm>>
      %dma_wait3A_485 = arith.constant 0 : i32
      %dma_wait3A_486 = arith.constant 0 : i32
      %dma_wait3A_487 = tpu.memref_slice %arg8[%dma_wait3A_476, %dma_wait3A_485, %dma_wait3A_486] : memref<8x64x128xf32, #tpu.memory_space<vmem>> -> memref<1x64x128xf32, #tpu.memory_space<vmem>>
      %dma_wait3A_488 = tpu.memref_squeeze %dma_wait3A_487 : memref<1x64x128xf32, #tpu.memory_space<vmem>> -> memref<64x128xf32, #tpu.memory_space<vmem>>
      tpu.wait_dma2 semaphore(%arg12 : memref<!tpu.dma_semaphore, #tpu.memory_space<semaphore_mem>>) src(%dma_wait3A_488 : memref<64x128xf32, #tpu.memory_space<vmem>>) dst(%dma_wait3A_484 : memref<64x128xf32, #tpu.memory_space<hbm>>)
      %dma_wait3A_489 = arith.constant 2 : i32
      %dma_wait3A_490 = arith.constant 0 : i32
      %dma_wait3A_491 = arith.constant 0 : i32
      %dma_wait3A_492 = tpu.memref_slice %arg8[%dma_wait3A_489, %dma_wait3A_490, %dma_wait3A_491] : memref<8x64x128xf32, #tpu.memory_space<vmem>> -> memref<1x64x128xf32, #tpu.memory_space<vmem>>
      %dma_wait3A_493 = tpu.memref_squeeze %dma_wait3A_492 : memref<1x64x128xf32, #tpu.memory_space<vmem>> -> memref<64x128xf32, #tpu.memory_space<vmem>>
      %dma_wait3A_494 = arith.constant 0 : i32
      %dma_wait3A_495 = tpu.memref_slice %arg5[%mul3A_2, %dma_wait3A_494] : memref<131072x128xf32, #tpu.memory_space<hbm>> -> memref<64x128xf32, #tpu.memory_space<hbm>>
      %dma_wait3A_496 = arith.constant 0 : i32
      %dma_wait3A_497 = tpu.memref_slice %arg5[%mul3A_2, %dma_wait3A_496] : memref<131072x128xf32, #tpu.memory_space<hbm>> -> memref<64x128xf32, #tpu.memory_space<hbm>>
      %dma_wait3A_498 = arith.constant 0 : i32
      %dma_wait3A_499 = arith.constant 0 : i32
      %dma_wait3A_500 = tpu.memref_slice %arg8[%dma_wait3A_489, %dma_wait3A_498, %dma_wait3A_499] : memref<8x64x128xf32, #tpu.memory_space<vmem>> -> memref<1x64x128xf32, #tpu.memory_space<vmem>>
      %dma_wait3A_501 = tpu.memref_squeeze %dma_wait3A_500 : memref<1x64x128xf32, #tpu.memory_space<vmem>> -> memref<64x128xf32, #tpu.memory_space<vmem>>
      tpu.wait_dma2 semaphore(%arg12 : memref<!tpu.dma_semaphore, #tpu.memory_space<semaphore_mem>>) src(%dma_wait3A_501 : memref<64x128xf32, #tpu.memory_space<vmem>>) dst(%dma_wait3A_497 : memref<64x128xf32, #tpu.memory_space<hbm>>)
      %dma_wait3A_502 = arith.constant 3 : i32
      %dma_wait3A_503 = arith.constant 0 : i32
      %dma_wait3A_504 = arith.constant 0 : i32
      %dma_wait3A_505 = tpu.memref_slice %arg8[%dma_wait3A_502, %dma_wait3A_503, %dma_wait3A_504] : memref<8x64x128xf32, #tpu.memory_space<vmem>> -> memref<1x64x128xf32, #tpu.memory_space<vmem>>
      %dma_wait3A_506 = tpu.memref_squeeze %dma_wait3A_505 : memref<1x64x128xf32, #tpu.memory_space<vmem>> -> memref<64x128xf32, #tpu.memory_space<vmem>>
      %dma_wait3A_507 = arith.constant 0 : i32
      %dma_wait3A_508 = tpu.memref_slice %arg5[%mul3A_2, %dma_wait3A_507] : memref<131072x128xf32, #tpu.memory_space<hbm>> -> memref<64x128xf32, #tpu.memory_space<hbm>>
      %dma_wait3A_509 = arith.constant 0 : i32
      %dma_wait3A_510 = tpu.memref_slice %arg5[%mul3A_2, %dma_wait3A_509] : memref<131072x128xf32, #tpu.memory_space<hbm>> -> memref<64x128xf32, #tpu.memory_space<hbm>>
      %dma_wait3A_511 = arith.constant 0 : i32
      %dma_wait3A_512 = arith.constant 0 : i32
      %dma_wait3A_513 = tpu.memref_slice %arg8[%dma_wait3A_502, %dma_wait3A_511, %dma_wait3A_512] : memref<8x64x128xf32, #tpu.memory_space<vmem>> -> memref<1x64x128xf32, #tpu.memory_space<vmem>>
      %dma_wait3A_514 = tpu.memref_squeeze %dma_wait3A_513 : memref<1x64x128xf32, #tpu.memory_space<vmem>> -> memref<64x128xf32, #tpu.memory_space<vmem>>
      tpu.wait_dma2 semaphore(%arg12 : memref<!tpu.dma_semaphore, #tpu.memory_space<semaphore_mem>>) src(%dma_wait3A_514 : memref<64x128xf32, #tpu.memory_space<vmem>>) dst(%dma_wait3A_510 : memref<64x128xf32, #tpu.memory_space<hbm>>)
      %lt3A = arith.constant 7 : i32
      %lt3A_515 = arith.cmpi slt, %scan3A_196, %lt3A : i32
      %convert_element_type3A_516 = arith.extui %lt3A_515 : i1 to i32
      %cond3A_517 = arith.constant 0 : i32
      %cond3A_518 = arith.cmpi ne, %convert_element_type3A_516, %cond3A_517 : i32
      scf.if %cond3A_518 {
        %add3A_591 = arith.constant 1 : i32
        %add3A_592 = arith.addi %add3A_402, %add3A_591 : i32
        %mul3A_593 = arith.constant 256 : i32
        %mul3A_594 = arith.muli %add3A_592, %mul3A_593 : i32
        %add3A_595 = arith.constant 0 : i32
        %add3A_596 = arith.addi %mul3A_594, %add3A_595 : i32
        %dma_start3A_597 = arith.constant 0 : i32
        %dma_start3A_598 = arith.constant 0 : i32
        %dma_start3A_599 = arith.constant 0 : i32
        %dma_start3A_600 = tpu.memref_slice %arg8[%dma_start3A_597, %dma_start3A_598, %dma_start3A_599] : memref<8x64x128xf32, #tpu.memory_space<vmem>> -> memref<1x64x128xf32, #tpu.memory_space<vmem>>
        %dma_start3A_601 = tpu.memref_squeeze %dma_start3A_600 : memref<1x64x128xf32, #tpu.memory_space<vmem>> -> memref<64x128xf32, #tpu.memory_space<vmem>>
        %dma_start3A_602 = tpu.memref_slice %arg7[%add3A_596] : memref<4096xi32, #tpu.memory_space<vmem>> -> memref<64xi32, #tpu.memory_space<vmem>>
        %dma_start3A_603 = arith.constant 0 : i32
        %dma_start3A_604 = arith.constant 0 : i32
        %dma_start3A_605 = tpu.memref_slice %arg2[%dma_start3A_603, %dma_start3A_604] : memref<8192x128xf32, #tpu.memory_space<hbm>> -> memref<8192x128xf32, #tpu.memory_space<hbm>>
        tpu.enqueue_indirect_dma source(%dma_start3A_605 : memref<8192x128xf32, #tpu.memory_space<hbm>>) target(%dma_start3A_601 : memref<64x128xf32, #tpu.memory_space<vmem>>) offsets(%dma_start3A_602 : memref<64xi32, #tpu.memory_space<vmem>>) semaphore(%arg11 : memref<!tpu.dma_semaphore, #tpu.memory_space<semaphore_mem>>)
        %add3A_606 = arith.constant 64 : i32
        %add3A_607 = arith.addi %mul3A_594, %add3A_606 : i32
        %dma_start3A_608 = arith.constant 1 : i32
        %dma_start3A_609 = arith.constant 0 : i32
        %dma_start3A_610 = arith.constant 0 : i32
        %dma_start3A_611 = tpu.memref_slice %arg8[%dma_start3A_608, %dma_start3A_609, %dma_start3A_610] : memref<8x64x128xf32, #tpu.memory_space<vmem>> -> memref<1x64x128xf32, #tpu.memory_space<vmem>>
        %dma_start3A_612 = tpu.memref_squeeze %dma_start3A_611 : memref<1x64x128xf32, #tpu.memory_space<vmem>> -> memref<64x128xf32, #tpu.memory_space<vmem>>
        %dma_start3A_613 = tpu.memref_slice %arg7[%add3A_607] : memref<4096xi32, #tpu.memory_space<vmem>> -> memref<64xi32, #tpu.memory_space<vmem>>
        %dma_start3A_614 = arith.constant 0 : i32
        %dma_start3A_615 = arith.constant 0 : i32
        %dma_start3A_616 = tpu.memref_slice %arg2[%dma_start3A_614, %dma_start3A_615] : memref<8192x128xf32, #tpu.memory_space<hbm>> -> memref<8192x128xf32, #tpu.memory_space<hbm>>
        tpu.enqueue_indirect_dma source(%dma_start3A_616 : memref<8192x128xf32, #tpu.memory_space<hbm>>) target(%dma_start3A_612 : memref<64x128xf32, #tpu.memory_space<vmem>>) offsets(%dma_start3A_613 : memref<64xi32, #tpu.memory_space<vmem>>) semaphore(%arg11 : memref<!tpu.dma_semaphore, #tpu.memory_space<semaphore_mem>>)
        %add3A_617 = arith.constant 128 : i32
        %add3A_618 = arith.addi %mul3A_594, %add3A_617 : i32
        %dma_start3A_619 = arith.constant 2 : i32
        %dma_start3A_620 = arith.constant 0 : i32
        %dma_start3A_621 = arith.constant 0 : i32
        %dma_start3A_622 = tpu.memref_slice %arg8[%dma_start3A_619, %dma_start3A_620, %dma_start3A_621] : memref<8x64x128xf32, #tpu.memory_space<vmem>> -> memref<1x64x128xf32, #tpu.memory_space<vmem>>
        %dma_start3A_623 = tpu.memref_squeeze %dma_start3A_622 : memref<1x64x128xf32, #tpu.memory_space<vmem>> -> memref<64x128xf32, #tpu.memory_space<vmem>>
        %dma_start3A_624 = tpu.memref_slice %arg7[%add3A_618] : memref<4096xi32, #tpu.memory_space<vmem>> -> memref<64xi32, #tpu.memory_space<vmem>>
        %dma_start3A_625 = arith.constant 0 : i32
        %dma_start3A_626 = arith.constant 0 : i32
        %dma_start3A_627 = tpu.memref_slice %arg2[%dma_start3A_625, %dma_start3A_626] : memref<8192x128xf32, #tpu.memory_space<hbm>> -> memref<8192x128xf32, #tpu.memory_space<hbm>>
        tpu.enqueue_indirect_dma source(%dma_start3A_627 : memref<8192x128xf32, #tpu.memory_space<hbm>>) target(%dma_start3A_623 : memref<64x128xf32, #tpu.memory_space<vmem>>) offsets(%dma_start3A_624 : memref<64xi32, #tpu.memory_space<vmem>>) semaphore(%arg11 : memref<!tpu.dma_semaphore, #tpu.memory_space<semaphore_mem>>)
        %add3A_628 = arith.constant 192 : i32
        %add3A_629 = arith.addi %mul3A_594, %add3A_628 : i32
        %dma_start3A_630 = arith.constant 3 : i32
        %dma_start3A_631 = arith.constant 0 : i32
        %dma_start3A_632 = arith.constant 0 : i32
        %dma_start3A_633 = tpu.memref_slice %arg8[%dma_start3A_630, %dma_start3A_631, %dma_start3A_632] : memref<8x64x128xf32, #tpu.memory_space<vmem>> -> memref<1x64x128xf32, #tpu.memory_space<vmem>>
        %dma_start3A_634 = tpu.memref_squeeze %dma_start3A_633 : memref<1x64x128xf32, #tpu.memory_space<vmem>> -> memref<64x128xf32, #tpu.memory_space<vmem>>
        %dma_start3A_635 = tpu.memref_slice %arg7[%add3A_629] : memref<4096xi32, #tpu.memory_space<vmem>> -> memref<64xi32, #tpu.memory_space<vmem>>
        %dma_start3A_636 = arith.constant 0 : i32
        %dma_start3A_637 = arith.constant 0 : i32
        %dma_start3A_638 = tpu.memref_slice %arg2[%dma_start3A_636, %dma_start3A_637] : memref<8192x128xf32, #tpu.memory_space<hbm>> -> memref<8192x128xf32, #tpu.memory_space<hbm>>
        tpu.enqueue_indirect_dma source(%dma_start3A_638 : memref<8192x128xf32, #tpu.memory_space<hbm>>) target(%dma_start3A_634 : memref<64x128xf32, #tpu.memory_space<vmem>>) offsets(%dma_start3A_635 : memref<64xi32, #tpu.memory_space<vmem>>) semaphore(%arg11 : memref<!tpu.dma_semaphore, #tpu.memory_space<semaphore_mem>>)
      } else {
      }
      %mul3A_519 = arith.constant 256 : i32
      %mul3A_520 = arith.muli %add3A_402, %mul3A_519 : i32
      %add3A_521 = arith.addi %mul3A_2, %mul3A_520 : i32
      %add3A_522 = arith.constant 0 : i32
      %add3A_523 = arith.addi %add3A_521, %add3A_522 : i32
      %dma_start3A_524 = arith.constant 4 : i32
      %dma_start3A_525 = arith.constant 0 : i32
      %dma_start3A_526 = arith.constant 0 : i32
      %dma_start3A_527 = tpu.memref_slice %arg8[%dma_start3A_524, %dma_start3A_525, %dma_start3A_526] : memref<8x64x128xf32, #tpu.memory_space<vmem>> -> memref<1x64x128xf32, #tpu.memory_space<vmem>>
      %dma_start3A_528 = tpu.memref_squeeze %dma_start3A_527 : memref<1x64x128xf32, #tpu.memory_space<vmem>> -> memref<64x128xf32, #tpu.memory_space<vmem>>
      %dma_start3A_529 = arith.constant 0 : i32
      %dma_start3A_530 = tpu.memref_slice %arg5[%add3A_523, %dma_start3A_529] : memref<131072x128xf32, #tpu.memory_space<hbm>> -> memref<64x128xf32, #tpu.memory_space<hbm>>
      %dma_start3A_531 = arith.constant 0 : i32
      %dma_start3A_532 = tpu.memref_slice %arg5[%add3A_523, %dma_start3A_531] : memref<131072x128xf32, #tpu.memory_space<hbm>> -> memref<64x128xf32, #tpu.memory_space<hbm>>
      %dma_start3A_533 = arith.constant 0 : i32
      %dma_start3A_534 = arith.constant 0 : i32
      %dma_start3A_535 = tpu.memref_slice %arg8[%dma_start3A_524, %dma_start3A_533, %dma_start3A_534] : memref<8x64x128xf32, #tpu.memory_space<vmem>> -> memref<1x64x128xf32, #tpu.memory_space<vmem>>
      %dma_start3A_536 = tpu.memref_squeeze %dma_start3A_535 : memref<1x64x128xf32, #tpu.memory_space<vmem>> -> memref<64x128xf32, #tpu.memory_space<vmem>>
      tpu.enqueue_dma source(%dma_start3A_536 : memref<64x128xf32, #tpu.memory_space<vmem>>) target(%dma_start3A_532 : memref<64x128xf32, #tpu.memory_space<hbm>>) target_semaphore(%arg12 : memref<!tpu.dma_semaphore, #tpu.memory_space<semaphore_mem>>)
      %add3A_537 = arith.addi %mul3A_2, %mul3A_520 : i32
      %add3A_538 = arith.constant 64 : i32
      %add3A_539 = arith.addi %add3A_537, %add3A_538 : i32
      %dma_start3A_540 = arith.constant 5 : i32
      %dma_start3A_541 = arith.constant 0 : i32
      %dma_start3A_542 = arith.constant 0 : i32
      %dma_start3A_543 = tpu.memref_slice %arg8[%dma_start3A_540, %dma_start3A_541, %dma_start3A_542] : memref<8x64x128xf32, #tpu.memory_space<vmem>> -> memref<1x64x128xf32, #tpu.memory_space<vmem>>
      %dma_start3A_544 = tpu.memref_squeeze %dma_start3A_543 : memref<1x64x128xf32, #tpu.memory_space<vmem>> -> memref<64x128xf32, #tpu.memory_space<vmem>>
      %dma_start3A_545 = arith.constant 0 : i32
      %dma_start3A_546 = tpu.memref_slice %arg5[%add3A_539, %dma_start3A_545] : memref<131072x128xf32, #tpu.memory_space<hbm>> -> memref<64x128xf32, #tpu.memory_space<hbm>>
      %dma_start3A_547 = arith.constant 0 : i32
      %dma_start3A_548 = tpu.memref_slice %arg5[%add3A_539, %dma_start3A_547] : memref<131072x128xf32, #tpu.memory_space<hbm>> -> memref<64x128xf32, #tpu.memory_space<hbm>>
      %dma_start3A_549 = arith.constant 0 : i32
      %dma_start3A_550 = arith.constant 0 : i32
      %dma_start3A_551 = tpu.memref_slice %arg8[%dma_start3A_540, %dma_start3A_549, %dma_start3A_550] : memref<8x64x128xf32, #tpu.memory_space<vmem>> -> memref<1x64x128xf32, #tpu.memory_space<vmem>>
      %dma_start3A_552 = tpu.memref_squeeze %dma_start3A_551 : memref<1x64x128xf32, #tpu.memory_space<vmem>> -> memref<64x128xf32, #tpu.memory_space<vmem>>
      tpu.enqueue_dma source(%dma_start3A_552 : memref<64x128xf32, #tpu.memory_space<vmem>>) target(%dma_start3A_548 : memref<64x128xf32, #tpu.memory_space<hbm>>) target_semaphore(%arg12 : memref<!tpu.dma_semaphore, #tpu.memory_space<semaphore_mem>>)
      %add3A_553 = arith.addi %mul3A_2, %mul3A_520 : i32
      %add3A_554 = arith.constant 128 : i32
      %add3A_555 = arith.addi %add3A_553, %add3A_554 : i32
      %dma_start3A_556 = arith.constant 6 : i32
      %dma_start3A_557 = arith.constant 0 : i32
      %dma_start3A_558 = arith.constant 0 : i32
      %dma_start3A_559 = tpu.memref_slice %arg8[%dma_start3A_556, %dma_start3A_557, %dma_start3A_558] : memref<8x64x128xf32, #tpu.memory_space<vmem>> -> memref<1x64x128xf32, #tpu.memory_space<vmem>>
      %dma_start3A_560 = tpu.memref_squeeze %dma_start3A_559 : memref<1x64x128xf32, #tpu.memory_space<vmem>> -> memref<64x128xf32, #tpu.memory_space<vmem>>
      %dma_start3A_561 = arith.constant 0 : i32
      %dma_start3A_562 = tpu.memref_slice %arg5[%add3A_555, %dma_start3A_561] : memref<131072x128xf32, #tpu.memory_space<hbm>> -> memref<64x128xf32, #tpu.memory_space<hbm>>
      %dma_start3A_563 = arith.constant 0 : i32
      %dma_start3A_564 = tpu.memref_slice %arg5[%add3A_555, %dma_start3A_563] : memref<131072x128xf32, #tpu.memory_space<hbm>> -> memref<64x128xf32, #tpu.memory_space<hbm>>
      %dma_start3A_565 = arith.constant 0 : i32
      %dma_start3A_566 = arith.constant 0 : i32
      %dma_start3A_567 = tpu.memref_slice %arg8[%dma_start3A_556, %dma_start3A_565, %dma_start3A_566] : memref<8x64x128xf32, #tpu.memory_space<vmem>> -> memref<1x64x128xf32, #tpu.memory_space<vmem>>
      %dma_start3A_568 = tpu.memref_squeeze %dma_start3A_567 : memref<1x64x128xf32, #tpu.memory_space<vmem>> -> memref<64x128xf32, #tpu.memory_space<vmem>>
      tpu.enqueue_dma source(%dma_start3A_568 : memref<64x128xf32, #tpu.memory_space<vmem>>) target(%dma_start3A_564 : memref<64x128xf32, #tpu.memory_space<hbm>>) target_semaphore(%arg12 : memref<!tpu.dma_semaphore, #tpu.memory_space<semaphore_mem>>)
      %add3A_569 = arith.addi %mul3A_2, %mul3A_520 : i32
      %add3A_570 = arith.constant 192 : i32
      %add3A_571 = arith.addi %add3A_569, %add3A_570 : i32
      %dma_start3A_572 = arith.constant 7 : i32
      %dma_start3A_573 = arith.constant 0 : i32
      %dma_start3A_574 = arith.constant 0 : i32
      %dma_start3A_575 = tpu.memref_slice %arg8[%dma_start3A_572, %dma_start3A_573, %dma_start3A_574] : memref<8x64x128xf32, #tpu.memory_space<vmem>> -> memref<1x64x128xf32, #tpu.memory_space<vmem>>
      %dma_start3A_576 = tpu.memref_squeeze %dma_start3A_575 : memref<1x64x128xf32, #tpu.memory_space<vmem>> -> memref<64x128xf32, #tpu.memory_space<vmem>>
      %dma_start3A_577 = arith.constant 0 : i32
      %dma_start3A_578 = tpu.memref_slice %arg5[%add3A_571, %dma_start3A_577] : memref<131072x128xf32, #tpu.memory_space<hbm>> -> memref<64x128xf32, #tpu.memory_space<hbm>>
      %dma_start3A_579 = arith.constant 0 : i32
      %dma_start3A_580 = tpu.memref_slice %arg5[%add3A_571, %dma_start3A_579] : memref<131072x128xf32, #tpu.memory_space<hbm>> -> memref<64x128xf32, #tpu.memory_space<hbm>>
      %dma_start3A_581 = arith.constant 0 : i32
      %dma_start3A_582 = arith.constant 0 : i32
      %dma_start3A_583 = tpu.memref_slice %arg8[%dma_start3A_572, %dma_start3A_581, %dma_start3A_582] : memref<8x64x128xf32, #tpu.memory_space<vmem>> -> memref<1x64x128xf32, #tpu.memory_space<vmem>>
      %dma_start3A_584 = tpu.memref_squeeze %dma_start3A_583 : memref<1x64x128xf32, #tpu.memory_space<vmem>> -> memref<64x128xf32, #tpu.memory_space<vmem>>
      tpu.enqueue_dma source(%dma_start3A_584 : memref<64x128xf32, #tpu.memory_space<vmem>>) target(%dma_start3A_580 : memref<64x128xf32, #tpu.memory_space<hbm>>) target_semaphore(%arg12 : memref<!tpu.dma_semaphore, #tpu.memory_space<semaphore_mem>>)
      %scan3A_585 = arith.constant 0 : i32
      %scan3A_586 = arith.constant 256 : i32
      %scan3A_587 = arith.addi %scan3A_585, %scan3A_586 : i32
      %scan3A_588 = arith.constant 1 : i32
      %scan3A_589:16 = scf.for %scan3A_591 = %scan3A_585 to %scan3A_587 step %scan3A_588 iter_args(%scan3A_592 = %scan3A_397#0, %scan3A_593 = %scan3A_397#1, %scan3A_594 = %scan3A_397#2, %scan3A_595 = %scan3A_397#3, %scan3A_596 = %scan3A_397#4, %scan3A_597 = %scan3A_397#5, %scan3A_598 = %scan3A_397#6, %scan3A_599 = %scan3A_397#7, %scan3A_600 = %scan3A_397#8, %scan3A_601 = %scan3A_397#9, %scan3A_602 = %scan3A_397#10, %scan3A_603 = %scan3A_397#11, %scan3A_604 = %scan3A_397#12, %scan3A_605 = %scan3A_397#13, %scan3A_606 = %scan3A_397#14, %scan3A_607 = %scan3A_397#15) -> (vector<16xf32>, vector<16xf32>, vector<16xf32>, vector<16xf32>, vector<16xf32>, vector<16xf32>, vector<16xf32>, vector<16xf32>, vector<16xf32>, vector<16xf32>, vector<16xf32>, vector<16xf32>, vector<16xf32>, vector<16xf32>, vector<16xf32>, vector<16xf32>)  : i32 {
        %mul3A_608 = arith.constant 256 : i32
        %mul3A_609 = arith.muli %add3A_402, %mul3A_608 : i32
        %add3A_610 = arith.addi %mul3A_609, %scan3A_591 : i32
        %jit3A = arith.constant 16 : i32
        %div3A = arith.divsi %add3A_610, %jit3A : i32
        %sign3A = arith.constant 0 : i32
        %sign3A_611 = arith.cmpi sgt, %add3A_610, %sign3A : i32
        %sign3A_612 = arith.extui %sign3A_611 : i1 to i32
        %sign3A_613 = arith.constant 0 : i32
        %sign3A_614 = arith.cmpi slt, %add3A_610, %sign3A_613 : i32
        %sign3A_615 = arith.extui %sign3A_614 : i1 to i32
        %sign3A_616 = arith.subi %sign3A_612, %sign3A_615 : i32
        %sign3A_617 = arith.constant 0 : i32
        %sign3A_618 = arith.cmpi sgt, %jit3A, %sign3A_617 : i32
        %sign3A_619 = arith.extui %sign3A_618 : i1 to i32
        %sign3A_620 = arith.constant 0 : i32
        %sign3A_621 = arith.cmpi slt, %jit3A, %sign3A_620 : i32
        %sign3A_622 = arith.extui %sign3A_621 : i1 to i32
        %sign3A_623 = arith.subi %sign3A_619, %sign3A_622 : i32
        %ne3A = arith.cmpi ne, %sign3A_616, %sign3A_623 : i32
        %rem3A = arith.remsi %add3A_610, %jit3A : i32
        %ne3A_624 = arith.constant 0 : i32
        %ne3A_625 = arith.cmpi ne, %rem3A, %ne3A_624 : i32
        %and3A = arith.andi %ne3A, %ne3A_625 : i1
        %sub3A = arith.constant 1 : i32
        %sub3A_626 = arith.subi %div3A, %sub3A : i32
        %select_n3A = arith.select %and3A, %sub3A_626, %div3A : i32
        %jit3A_627 = arith.constant 64 : i32
        %div3A_628 = arith.divsi %scan3A_591, %jit3A_627 : i32
        %sign3A_629 = arith.constant 0 : i32
        %sign3A_630 = arith.cmpi sgt, %scan3A_591, %sign3A_629 : i32
        %sign3A_631 = arith.extui %sign3A_630 : i1 to i32
        %sign3A_632 = arith.constant 0 : i32
        %sign3A_633 = arith.cmpi slt, %scan3A_591, %sign3A_632 : i32
        %sign3A_634 = arith.extui %sign3A_633 : i1 to i32
        %sign3A_635 = arith.subi %sign3A_631, %sign3A_634 : i32
        %sign3A_636 = arith.constant 0 : i32
        %sign3A_637 = arith.cmpi sgt, %jit3A_627, %sign3A_636 : i32
        %sign3A_638 = arith.extui %sign3A_637 : i1 to i32
        %sign3A_639 = arith.constant 0 : i32
        %sign3A_640 = arith.cmpi slt, %jit3A_627, %sign3A_639 : i32
        %sign3A_641 = arith.extui %sign3A_640 : i1 to i32
        %sign3A_642 = arith.subi %sign3A_638, %sign3A_641 : i32
        %ne3A_643 = arith.cmpi ne, %sign3A_635, %sign3A_642 : i32
        %rem3A_644 = arith.remsi %scan3A_591, %jit3A_627 : i32
        %ne3A_645 = arith.constant 0 : i32
        %ne3A_646 = arith.cmpi ne, %rem3A_644, %ne3A_645 : i32
        %and3A_647 = arith.andi %ne3A_643, %ne3A_646 : i1
        %sub3A_648 = arith.constant 1 : i32
        %sub3A_649 = arith.subi %div3A_628, %sub3A_648 : i32
        %select_n3A_650 = arith.select %and3A_647, %sub3A_649, %div3A_628 : i32
        %add3A_651 = arith.constant 4 : i32
        %add3A_652 = arith.addi %add3A_651, %select_n3A_650 : i32
        %jit3A_653 = arith.constant 64 : i32
        %eq3A = arith.constant 0 : i32
        %eq3A_654 = arith.cmpi eq, %jit3A_653, %eq3A : i32
        %jit3A_655 = arith.constant 1 : i32
        %select_n3A_656 = arith.select %eq3A_654, %jit3A_655, %jit3A_653 : i32
        %rem3A_657 = arith.remsi %scan3A_591, %select_n3A_656 : i32
        %ne3A_658 = arith.constant 0 : i32
        %ne3A_659 = arith.cmpi ne, %rem3A_657, %ne3A_658 : i32
        %lt3A_660 = arith.constant 0 : i32
        %lt3A_661 = arith.cmpi slt, %rem3A_657, %lt3A_660 : i32
        %lt3A_662 = arith.constant 0 : i32
        %lt3A_663 = arith.cmpi slt, %select_n3A_656, %lt3A_662 : i32
        %ne3A_664 = arith.xori %lt3A_661, %lt3A_663 : i1
        %and3A_665 = arith.andi %ne3A_664, %ne3A_659 : i1
        %add3A_666 = arith.addi %rem3A_657, %select_n3A_656 : i32
        %select_n3A_667 = arith.select %and3A_665, %add3A_666, %rem3A_657 : i32
        %get3A = arith.index_cast %add3A_652 : i32 to index
        %get3A_668 = arith.index_cast %select_n3A_667 : i32 to index
        %get3A_669 = arith.constant 0 : index
        %get3A_670 = tpu.vector_load %arg8[%get3A, %get3A_668, %get3A_669] {strides = array<i32>} : memref<8x64x128xf32, #tpu.memory_space<vmem>>, vector<1x1x16xf32>,
        %get3A_671 = vector.shape_cast %get3A_670 : vector<1x1x16xf32> to vector<16xf32>
        %get3A_672 = arith.index_cast %select_n3A : i32 to index
        %get3A_673 = arith.constant 0 : index
        %get3A_674 = tpu.vector_load %arg9[%get3A_672, %get3A_673] {strides = array<i32>} : memref<256x128xf32, #tpu.memory_space<vmem>>, vector<1x16xf32>,
        %get3A_675 = vector.shape_cast %get3A_674 : vector<1x16xf32> to vector<16xf32>
        %add3A_676 = arith.addf %get3A_671, %get3A_675 : vector<16xf32>
        %add3A_677 = arith.addf %scan3A_592, %add3A_676 : vector<16xf32>
        %mul3A_678 = arith.mulf %add3A_676, %add3A_676 : vector<16xf32>
        %add3A_679 = arith.addf %scan3A_600, %mul3A_678 : vector<16xf32>
        %get3A_680 = arith.index_cast %add3A_652 : i32 to index
        %get3A_681 = arith.index_cast %select_n3A_667 : i32 to index
        %get3A_682 = arith.constant 16 : index
        %get3A_683 = tpu.vector_load %arg8[%get3A_680, %get3A_681, %get3A_682] {strides = array<i32>} : memref<8x64x128xf32, #tpu.memory_space<vmem>>, vector<1x1x16xf32>,
        %get3A_684 = vector.shape_cast %get3A_683 : vector<1x1x16xf32> to vector<16xf32>
        %get3A_685 = arith.index_cast %select_n3A : i32 to index
        %get3A_686 = arith.constant 16 : index
        %get3A_687 = tpu.vector_load %arg9[%get3A_685, %get3A_686] {strides = array<i32>} : memref<256x128xf32, #tpu.memory_space<vmem>>, vector<1x16xf32>,
        %get3A_688 = vector.shape_cast %get3A_687 : vector<1x16xf32> to vector<16xf32>
        %add3A_689 = arith.addf %get3A_684, %get3A_688 : vector<16xf32>
        %add3A_690 = arith.addf %scan3A_593, %add3A_689 : vector<16xf32>
        %mul3A_691 = arith.mulf %add3A_689, %add3A_689 : vector<16xf32>
        %add3A_692 = arith.addf %scan3A_601, %mul3A_691 : vector<16xf32>
        %get3A_693 = arith.index_cast %add3A_652 : i32 to index
        %get3A_694 = arith.index_cast %select_n3A_667 : i32 to index
        %get3A_695 = arith.constant 32 : index
        %get3A_696 = tpu.vector_load %arg8[%get3A_693, %get3A_694, %get3A_695] {strides = array<i32>} : memref<8x64x128xf32, #tpu.memory_space<vmem>>, vector<1x1x16xf32>,
        %get3A_697 = vector.shape_cast %get3A_696 : vector<1x1x16xf32> to vector<16xf32>
        %get3A_698 = arith.index_cast %select_n3A : i32 to index
        %get3A_699 = arith.constant 32 : index
        %get3A_700 = tpu.vector_load %arg9[%get3A_698, %get3A_699] {strides = array<i32>} : memref<256x128xf32, #tpu.memory_space<vmem>>, vector<1x16xf32>,
        %get3A_701 = vector.shape_cast %get3A_700 : vector<1x16xf32> to vector<16xf32>
        %add3A_702 = arith.addf %get3A_697, %get3A_701 : vector<16xf32>
        %add3A_703 = arith.addf %scan3A_594, %add3A_702 : vector<16xf32>
        %mul3A_704 = arith.mulf %add3A_702, %add3A_702 : vector<16xf32>
        %add3A_705 = arith.addf %scan3A_602, %mul3A_704 : vector<16xf32>
        %get3A_706 = arith.index_cast %add3A_652 : i32 to index
        %get3A_707 = arith.index_cast %select_n3A_667 : i32 to index
        %get3A_708 = arith.constant 48 : index
        %get3A_709 = tpu.vector_load %arg8[%get3A_706, %get3A_707, %get3A_708] {strides = array<i32>} : memref<8x64x128xf32, #tpu.memory_space<vmem>>, vector<1x1x16xf32>,
        %get3A_710 = vector.shape_cast %get3A_709 : vector<1x1x16xf32> to vector<16xf32>
        %get3A_711 = arith.index_cast %select_n3A : i32 to index
        %get3A_712 = arith.constant 48 : index
        %get3A_713 = tpu.vector_load %arg9[%get3A_711, %get3A_712] {strides = array<i32>} : memref<256x128xf32, #tpu.memory_space<vmem>>, vector<1x16xf32>,
        %get3A_714 = vector.shape_cast %get3A_713 : vector<1x16xf32> to vector<16xf32>
        %add3A_715 = arith.addf %get3A_710, %get3A_714 : vector<16xf32>
        %add3A_716 = arith.addf %scan3A_595, %add3A_715 : vector<16xf32>
        %mul3A_717 = arith.mulf %add3A_715, %add3A_715 : vector<16xf32>
        %add3A_718 = arith.addf %scan3A_603, %mul3A_717 : vector<16xf32>
        %get3A_719 = arith.index_cast %add3A_652 : i32 to index
        %get3A_720 = arith.index_cast %select_n3A_667 : i32 to index
        %get3A_721 = arith.constant 64 : index
        %get3A_722 = tpu.vector_load %arg8[%get3A_719, %get3A_720, %get3A_721] {strides = array<i32>} : memref<8x64x128xf32, #tpu.memory_space<vmem>>, vector<1x1x16xf32>,
        %get3A_723 = vector.shape_cast %get3A_722 : vector<1x1x16xf32> to vector<16xf32>
        %get3A_724 = arith.index_cast %select_n3A : i32 to index
        %get3A_725 = arith.constant 64 : index
        %get3A_726 = tpu.vector_load %arg9[%get3A_724, %get3A_725] {strides = array<i32>} : memref<256x128xf32, #tpu.memory_space<vmem>>, vector<1x16xf32>,
        %get3A_727 = vector.shape_cast %get3A_726 : vector<1x16xf32> to vector<16xf32>
        %add3A_728 = arith.addf %get3A_723, %get3A_727 : vector<16xf32>
        %add3A_729 = arith.addf %scan3A_596, %add3A_728 : vector<16xf32>
        %mul3A_730 = arith.mulf %add3A_728, %add3A_728 : vector<16xf32>
        %add3A_731 = arith.addf %scan3A_604, %mul3A_730 : vector<16xf32>
        %get3A_732 = arith.index_cast %add3A_652 : i32 to index
        %get3A_733 = arith.index_cast %select_n3A_667 : i32 to index
        %get3A_734 = arith.constant 80 : index
        %get3A_735 = tpu.vector_load %arg8[%get3A_732, %get3A_733, %get3A_734] {strides = array<i32>} : memref<8x64x128xf32, #tpu.memory_space<vmem>>, vector<1x1x16xf32>,
        %get3A_736 = vector.shape_cast %get3A_735 : vector<1x1x16xf32> to vector<16xf32>
        %get3A_737 = arith.index_cast %select_n3A : i32 to index
        %get3A_738 = arith.constant 80 : index
        %get3A_739 = tpu.vector_load %arg9[%get3A_737, %get3A_738] {strides = array<i32>} : memref<256x128xf32, #tpu.memory_space<vmem>>, vector<1x16xf32>,
        %get3A_740 = vector.shape_cast %get3A_739 : vector<1x16xf32> to vector<16xf32>
        %add3A_741 = arith.addf %get3A_736, %get3A_740 : vector<16xf32>
        %add3A_742 = arith.addf %scan3A_597, %add3A_741 : vector<16xf32>
        %mul3A_743 = arith.mulf %add3A_741, %add3A_741 : vector<16xf32>
        %add3A_744 = arith.addf %scan3A_605, %mul3A_743 : vector<16xf32>
        %get3A_745 = arith.index_cast %add3A_652 : i32 to index
        %get3A_746 = arith.index_cast %select_n3A_667 : i32 to index
        %get3A_747 = arith.constant 96 : index
        %get3A_748 = tpu.vector_load %arg8[%get3A_745, %get3A_746, %get3A_747] {strides = array<i32>} : memref<8x64x128xf32, #tpu.memory_space<vmem>>, vector<1x1x16xf32>,
        %get3A_749 = vector.shape_cast %get3A_748 : vector<1x1x16xf32> to vector<16xf32>
        %get3A_750 = arith.index_cast %select_n3A : i32 to index
        %get3A_751 = arith.constant 96 : index
        %get3A_752 = tpu.vector_load %arg9[%get3A_750, %get3A_751] {strides = array<i32>} : memref<256x128xf32, #tpu.memory_space<vmem>>, vector<1x16xf32>,
        %get3A_753 = vector.shape_cast %get3A_752 : vector<1x16xf32> to vector<16xf32>
        %add3A_754 = arith.addf %get3A_749, %get3A_753 : vector<16xf32>
        %add3A_755 = arith.addf %scan3A_598, %add3A_754 : vector<16xf32>
        %mul3A_756 = arith.mulf %add3A_754, %add3A_754 : vector<16xf32>
        %add3A_757 = arith.addf %scan3A_606, %mul3A_756 : vector<16xf32>
        %get3A_758 = arith.index_cast %add3A_652 : i32 to index
        %get3A_759 = arith.index_cast %select_n3A_667 : i32 to index
        %get3A_760 = arith.constant 112 : index
        %get3A_761 = tpu.vector_load %arg8[%get3A_758, %get3A_759, %get3A_760] {strides = array<i32>} : memref<8x64x128xf32, #tpu.memory_space<vmem>>, vector<1x1x16xf32>,
        %get3A_762 = vector.shape_cast %get3A_761 : vector<1x1x16xf32> to vector<16xf32>
        %get3A_763 = arith.index_cast %select_n3A : i32 to index
        %get3A_764 = arith.constant 112 : index
        %get3A_765 = tpu.vector_load %arg9[%get3A_763, %get3A_764] {strides = array<i32>} : memref<256x128xf32, #tpu.memory_space<vmem>>, vector<1x16xf32>,
        %get3A_766 = vector.shape_cast %get3A_765 : vector<1x16xf32> to vector<16xf32>
        %add3A_767 = arith.addf %get3A_762, %get3A_766 : vector<16xf32>
        %add3A_768 = arith.addf %scan3A_599, %add3A_767 : vector<16xf32>
        %mul3A_769 = arith.mulf %add3A_767, %add3A_767 : vector<16xf32>
        %add3A_770 = arith.addf %scan3A_607, %mul3A_769 : vector<16xf32>
        scf.yield %add3A_677, %add3A_690, %add3A_703, %add3A_716, %add3A_729, %add3A_742, %add3A_755, %add3A_768, %add3A_679, %add3A_692, %add3A_705, %add3A_718, %add3A_731, %add3A_744, %add3A_757, %add3A_770 : vector<16xf32>, vector<16xf32>, vector<16xf32>, vector<16xf32>, vector<16xf32>, vector<16xf32>, vector<16xf32>, vector<16xf32>, vector<16xf32>, vector<16xf32>, vector<16xf32>, vector<16xf32>, vector<16xf32>, vector<16xf32>, vector<16xf32>, vector<16xf32>
      }
      %scan3A_590 = arith.constant 256 : i32
      scf.yield %scan3A_589#0, %scan3A_589#1, %scan3A_589#2, %scan3A_589#3, %scan3A_589#4, %scan3A_589#5, %scan3A_589#6, %scan3A_589#7, %scan3A_589#8, %scan3A_589#9, %scan3A_589#10, %scan3A_589#11, %scan3A_589#12, %scan3A_589#13, %scan3A_589#14, %scan3A_589#15 : vector<16xf32>, vector<16xf32>, vector<16xf32>, vector<16xf32>, vector<16xf32>, vector<16xf32>, vector<16xf32>, vector<16xf32>, vector<16xf32>, vector<16xf32>, vector<16xf32>, vector<16xf32>, vector<16xf32>, vector<16xf32>, vector<16xf32>, vector<16xf32>
    }
    %scan3A_49 = arith.constant 8 : i32
    %dma_wait3A = arith.constant 0 : i32
    %dma_wait3A_50 = arith.constant 0 : i32
    %dma_wait3A_51 = arith.constant 0 : i32
    %dma_wait3A_52 = tpu.memref_slice %arg8[%dma_wait3A, %dma_wait3A_50, %dma_wait3A_51] : memref<8x64x128xf32, #tpu.memory_space<vmem>> -> memref<1x64x128xf32, #tpu.memory_space<vmem>>
    %dma_wait3A_53 = tpu.memref_squeeze %dma_wait3A_52 : memref<1x64x128xf32, #tpu.memory_space<vmem>> -> memref<64x128xf32, #tpu.memory_space<vmem>>
    %dma_wait3A_54 = arith.constant 0 : i32
    %dma_wait3A_55 = tpu.memref_slice %arg5[%mul3A_2, %dma_wait3A_54] : memref<131072x128xf32, #tpu.memory_space<hbm>> -> memref<64x128xf32, #tpu.memory_space<hbm>>
    %dma_wait3A_56 = arith.constant 0 : i32
    %dma_wait3A_57 = tpu.memref_slice %arg5[%mul3A_2, %dma_wait3A_56] : memref<131072x128xf32, #tpu.memory_space<hbm>> -> memref<64x128xf32, #tpu.memory_space<hbm>>
    %dma_wait3A_58 = arith.constant 0 : i32
    %dma_wait3A_59 = arith.constant 0 : i32
    %dma_wait3A_60 = tpu.memref_slice %arg8[%dma_wait3A, %dma_wait3A_58, %dma_wait3A_59] : memref<8x64x128xf32, #tpu.memory_space<vmem>> -> memref<1x64x128xf32, #tpu.memory_space<vmem>>
    %dma_wait3A_61 = tpu.memref_squeeze %dma_wait3A_60 : memref<1x64x128xf32, #tpu.memory_space<vmem>> -> memref<64x128xf32, #tpu.memory_space<vmem>>
    tpu.wait_dma2 semaphore(%arg12 : memref<!tpu.dma_semaphore, #tpu.memory_space<semaphore_mem>>) src(%dma_wait3A_61 : memref<64x128xf32, #tpu.memory_space<vmem>>) dst(%dma_wait3A_57 : memref<64x128xf32, #tpu.memory_space<hbm>>)
    %dma_wait3A_62 = arith.constant 1 : i32
    %dma_wait3A_63 = arith.constant 0 : i32
    %dma_wait3A_64 = arith.constant 0 : i32
    %dma_wait3A_65 = tpu.memref_slice %arg8[%dma_wait3A_62, %dma_wait3A_63, %dma_wait3A_64] : memref<8x64x128xf32, #tpu.memory_space<vmem>> -> memref<1x64x128xf32, #tpu.memory_space<vmem>>
    %dma_wait3A_66 = tpu.memref_squeeze %dma_wait3A_65 : memref<1x64x128xf32, #tpu.memory_space<vmem>> -> memref<64x128xf32, #tpu.memory_space<vmem>>
    %dma_wait3A_67 = arith.constant 0 : i32
    %dma_wait3A_68 = tpu.memref_slice %arg5[%mul3A_2, %dma_wait3A_67] : memref<131072x128xf32, #tpu.memory_space<hbm>> -> memref<64x128xf32, #tpu.memory_space<hbm>>
    %dma_wait3A_69 = arith.constant 0 : i32
    %dma_wait3A_70 = tpu.memref_slice %arg5[%mul3A_2, %dma_wait3A_69] : memref<131072x128xf32, #tpu.memory_space<hbm>> -> memref<64x128xf32, #tpu.memory_space<hbm>>
    %dma_wait3A_71 = arith.constant 0 : i32
    %dma_wait3A_72 = arith.constant 0 : i32
    %dma_wait3A_73 = tpu.memref_slice %arg8[%dma_wait3A_62, %dma_wait3A_71, %dma_wait3A_72] : memref<8x64x128xf32, #tpu.memory_space<vmem>> -> memref<1x64x128xf32, #tpu.memory_space<vmem>>
    %dma_wait3A_74 = tpu.memref_squeeze %dma_wait3A_73 : memref<1x64x128xf32, #tpu.memory_space<vmem>> -> memref<64x128xf32, #tpu.memory_space<vmem>>
    tpu.wait_dma2 semaphore(%arg12 : memref<!tpu.dma_semaphore, #tpu.memory_space<semaphore_mem>>) src(%dma_wait3A_74 : memref<64x128xf32, #tpu.memory_space<vmem>>) dst(%dma_wait3A_70 : memref<64x128xf32, #tpu.memory_space<hbm>>)
    %dma_wait3A_75 = arith.constant 2 : i32
    %dma_wait3A_76 = arith.constant 0 : i32
    %dma_wait3A_77 = arith.constant 0 : i32
    %dma_wait3A_78 = tpu.memref_slice %arg8[%dma_wait3A_75, %dma_wait3A_76, %dma_wait3A_77] : memref<8x64x128xf32, #tpu.memory_space<vmem>> -> memref<1x64x128xf32, #tpu.memory_space<vmem>>
    %dma_wait3A_79 = tpu.memref_squeeze %dma_wait3A_78 : memref<1x64x128xf32, #tpu.memory_space<vmem>> -> memref<64x128xf32, #tpu.memory_space<vmem>>
    %dma_wait3A_80 = arith.constant 0 : i32
    %dma_wait3A_81 = tpu.memref_slice %arg5[%mul3A_2, %dma_wait3A_80] : memref<131072x128xf32, #tpu.memory_space<hbm>> -> memref<64x128xf32, #tpu.memory_space<hbm>>
    %dma_wait3A_82 = arith.constant 0 : i32
    %dma_wait3A_83 = tpu.memref_slice %arg5[%mul3A_2, %dma_wait3A_82] : memref<131072x128xf32, #tpu.memory_space<hbm>> -> memref<64x128xf32, #tpu.memory_space<hbm>>
    %dma_wait3A_84 = arith.constant 0 : i32
    %dma_wait3A_85 = arith.constant 0 : i32
    %dma_wait3A_86 = tpu.memref_slice %arg8[%dma_wait3A_75, %dma_wait3A_84, %dma_wait3A_85] : memref<8x64x128xf32, #tpu.memory_space<vmem>> -> memref<1x64x128xf32, #tpu.memory_space<vmem>>
    %dma_wait3A_87 = tpu.memref_squeeze %dma_wait3A_86 : memref<1x64x128xf32, #tpu.memory_space<vmem>> -> memref<64x128xf32, #tpu.memory_space<vmem>>
    tpu.wait_dma2 semaphore(%arg12 : memref<!tpu.dma_semaphore, #tpu.memory_space<semaphore_mem>>) src(%dma_wait3A_87 : memref<64x128xf32, #tpu.memory_space<vmem>>) dst(%dma_wait3A_83 : memref<64x128xf32, #tpu.memory_space<hbm>>)
    %dma_wait3A_88 = arith.constant 3 : i32
    %dma_wait3A_89 = arith.constant 0 : i32
    %dma_wait3A_90 = arith.constant 0 : i32
    %dma_wait3A_91 = tpu.memref_slice %arg8[%dma_wait3A_88, %dma_wait3A_89, %dma_wait3A_90] : memref<8x64x128xf32, #tpu.memory_space<vmem>> -> memref<1x64x128xf32, #tpu.memory_space<vmem>>
    %dma_wait3A_92 = tpu.memref_squeeze %dma_wait3A_91 : memref<1x64x128xf32, #tpu.memory_space<vmem>> -> memref<64x128xf32, #tpu.memory_space<vmem>>
    %dma_wait3A_93 = arith.constant 0 : i32
    %dma_wait3A_94 = tpu.memref_slice %arg5[%mul3A_2, %dma_wait3A_93] : memref<131072x128xf32, #tpu.memory_space<hbm>> -> memref<64x128xf32, #tpu.memory_space<hbm>>
    %dma_wait3A_95 = arith.constant 0 : i32
    %dma_wait3A_96 = tpu.memref_slice %arg5[%mul3A_2, %dma_wait3A_95] : memref<131072x128xf32, #tpu.memory_space<hbm>> -> memref<64x128xf32, #tpu.memory_space<hbm>>
    %dma_wait3A_97 = arith.constant 0 : i32
    %dma_wait3A_98 = arith.constant 0 : i32
    %dma_wait3A_99 = tpu.memref_slice %arg8[%dma_wait3A_88, %dma_wait3A_97, %dma_wait3A_98] : memref<8x64x128xf32, #tpu.memory_space<vmem>> -> memref<1x64x128xf32, #tpu.memory_space<vmem>>
    %dma_wait3A_100 = tpu.memref_squeeze %dma_wait3A_99 : memref<1x64x128xf32, #tpu.memory_space<vmem>> -> memref<64x128xf32, #tpu.memory_space<vmem>>
    tpu.wait_dma2 semaphore(%arg12 : memref<!tpu.dma_semaphore, #tpu.memory_space<semaphore_mem>>) src(%dma_wait3A_100 : memref<64x128xf32, #tpu.memory_space<vmem>>) dst(%dma_wait3A_96 : memref<64x128xf32, #tpu.memory_space<hbm>>)
    %swap3A = arith.constant 0 : i32
    %swap3A_101 = arith.index_cast %swap3A : i32 to index
    %swap3A_102 = arith.constant 0 : index
    %swap3A_103 = tpu.vector_load %arg10[%swap3A_101, %swap3A_102] {strides = array<i32>} : memref<2x128xf32, #tpu.memory_space<vmem>>, vector<1x16xf32>,
    %swap3A_104 = vector.shape_cast %swap3A_103 : vector<1x16xf32> to vector<16xf32>
    %swap3A_105 = vector.shape_cast %scan3A_48#0 : vector<16xf32> to vector<1x16xf32>
    tpu.vector_store %arg10[%swap3A_101, %swap3A_102], %swap3A_105 {strides = array<i32>} : memref<2x128xf32, #tpu.memory_space<vmem>>, vector<1x16xf32>,
    %swap3A_106 = arith.constant 1 : i32
    %swap3A_107 = arith.index_cast %swap3A_106 : i32 to index
    %swap3A_108 = arith.constant 0 : index
    %swap3A_109 = tpu.vector_load %arg10[%swap3A_107, %swap3A_108] {strides = array<i32>} : memref<2x128xf32, #tpu.memory_space<vmem>>, vector<1x16xf32>,
    %swap3A_110 = vector.shape_cast %swap3A_109 : vector<1x16xf32> to vector<16xf32>
    %swap3A_111 = vector.shape_cast %scan3A_48#8 : vector<16xf32> to vector<1x16xf32>
    tpu.vector_store %arg10[%swap3A_107, %swap3A_108], %swap3A_111 {strides = array<i32>} : memref<2x128xf32, #tpu.memory_space<vmem>>, vector<1x16xf32>,
    %swap3A_112 = arith.constant 0 : i32
    %swap3A_113 = arith.index_cast %swap3A_112 : i32 to index
    %swap3A_114 = arith.constant 16 : index
    %swap3A_115 = tpu.vector_load %arg10[%swap3A_113, %swap3A_114] {strides = array<i32>} : memref<2x128xf32, #tpu.memory_space<vmem>>, vector<1x16xf32>,
    %swap3A_116 = vector.shape_cast %swap3A_115 : vector<1x16xf32> to vector<16xf32>
    %swap3A_117 = vector.shape_cast %scan3A_48#1 : vector<16xf32> to vector<1x16xf32>
    tpu.vector_store %arg10[%swap3A_113, %swap3A_114], %swap3A_117 {strides = array<i32>} : memref<2x128xf32, #tpu.memory_space<vmem>>, vector<1x16xf32>,
    %swap3A_118 = arith.constant 1 : i32
    %swap3A_119 = arith.index_cast %swap3A_118 : i32 to index
    %swap3A_120 = arith.constant 16 : index
    %swap3A_121 = tpu.vector_load %arg10[%swap3A_119, %swap3A_120] {strides = array<i32>} : memref<2x128xf32, #tpu.memory_space<vmem>>, vector<1x16xf32>,
    %swap3A_122 = vector.shape_cast %swap3A_121 : vector<1x16xf32> to vector<16xf32>
    %swap3A_123 = vector.shape_cast %scan3A_48#9 : vector<16xf32> to vector<1x16xf32>
    tpu.vector_store %arg10[%swap3A_119, %swap3A_120], %swap3A_123 {strides = array<i32>} : memref<2x128xf32, #tpu.memory_space<vmem>>, vector<1x16xf32>,
    %swap3A_124 = arith.constant 0 : i32
    %swap3A_125 = arith.index_cast %swap3A_124 : i32 to index
    %swap3A_126 = arith.constant 32 : index
    %swap3A_127 = tpu.vector_load %arg10[%swap3A_125, %swap3A_126] {strides = array<i32>} : memref<2x128xf32, #tpu.memory_space<vmem>>, vector<1x16xf32>,
    %swap3A_128 = vector.shape_cast %swap3A_127 : vector<1x16xf32> to vector<16xf32>
    %swap3A_129 = vector.shape_cast %scan3A_48#2 : vector<16xf32> to vector<1x16xf32>
    tpu.vector_store %arg10[%swap3A_125, %swap3A_126], %swap3A_129 {strides = array<i32>} : memref<2x128xf32, #tpu.memory_space<vmem>>, vector<1x16xf32>,
    %swap3A_130 = arith.constant 1 : i32
    %swap3A_131 = arith.index_cast %swap3A_130 : i32 to index
    %swap3A_132 = arith.constant 32 : index
    %swap3A_133 = tpu.vector_load %arg10[%swap3A_131, %swap3A_132] {strides = array<i32>} : memref<2x128xf32, #tpu.memory_space<vmem>>, vector<1x16xf32>,
    %swap3A_134 = vector.shape_cast %swap3A_133 : vector<1x16xf32> to vector<16xf32>
    %swap3A_135 = vector.shape_cast %scan3A_48#10 : vector<16xf32> to vector<1x16xf32>
    tpu.vector_store %arg10[%swap3A_131, %swap3A_132], %swap3A_135 {strides = array<i32>} : memref<2x128xf32, #tpu.memory_space<vmem>>, vector<1x16xf32>,
    %swap3A_136 = arith.constant 0 : i32
    %swap3A_137 = arith.index_cast %swap3A_136 : i32 to index
    %swap3A_138 = arith.constant 48 : index
    %swap3A_139 = tpu.vector_load %arg10[%swap3A_137, %swap3A_138] {strides = array<i32>} : memref<2x128xf32, #tpu.memory_space<vmem>>, vector<1x16xf32>,
    %swap3A_140 = vector.shape_cast %swap3A_139 : vector<1x16xf32> to vector<16xf32>
    %swap3A_141 = vector.shape_cast %scan3A_48#3 : vector<16xf32> to vector<1x16xf32>
    tpu.vector_store %arg10[%swap3A_137, %swap3A_138], %swap3A_141 {strides = array<i32>} : memref<2x128xf32, #tpu.memory_space<vmem>>, vector<1x16xf32>,
    %swap3A_142 = arith.constant 1 : i32
    %swap3A_143 = arith.index_cast %swap3A_142 : i32 to index
    %swap3A_144 = arith.constant 48 : index
    %swap3A_145 = tpu.vector_load %arg10[%swap3A_143, %swap3A_144] {strides = array<i32>} : memref<2x128xf32, #tpu.memory_space<vmem>>, vector<1x16xf32>,
    %swap3A_146 = vector.shape_cast %swap3A_145 : vector<1x16xf32> to vector<16xf32>
    %swap3A_147 = vector.shape_cast %scan3A_48#11 : vector<16xf32> to vector<1x16xf32>
    tpu.vector_store %arg10[%swap3A_143, %swap3A_144], %swap3A_147 {strides = array<i32>} : memref<2x128xf32, #tpu.memory_space<vmem>>, vector<1x16xf32>,
    %swap3A_148 = arith.constant 0 : i32
    %swap3A_149 = arith.index_cast %swap3A_148 : i32 to index
    %swap3A_150 = arith.constant 64 : index
    %swap3A_151 = tpu.vector_load %arg10[%swap3A_149, %swap3A_150] {strides = array<i32>} : memref<2x128xf32, #tpu.memory_space<vmem>>, vector<1x16xf32>,
    %swap3A_152 = vector.shape_cast %swap3A_151 : vector<1x16xf32> to vector<16xf32>
    %swap3A_153 = vector.shape_cast %scan3A_48#4 : vector<16xf32> to vector<1x16xf32>
    tpu.vector_store %arg10[%swap3A_149, %swap3A_150], %swap3A_153 {strides = array<i32>} : memref<2x128xf32, #tpu.memory_space<vmem>>, vector<1x16xf32>,
    %swap3A_154 = arith.constant 1 : i32
    %swap3A_155 = arith.index_cast %swap3A_154 : i32 to index
    %swap3A_156 = arith.constant 64 : index
    %swap3A_157 = tpu.vector_load %arg10[%swap3A_155, %swap3A_156] {strides = array<i32>} : memref<2x128xf32, #tpu.memory_space<vmem>>, vector<1x16xf32>,
    %swap3A_158 = vector.shape_cast %swap3A_157 : vector<1x16xf32> to vector<16xf32>
    %swap3A_159 = vector.shape_cast %scan3A_48#12 : vector<16xf32> to vector<1x16xf32>
    tpu.vector_store %arg10[%swap3A_155, %swap3A_156], %swap3A_159 {strides = array<i32>} : memref<2x128xf32, #tpu.memory_space<vmem>>, vector<1x16xf32>,
    %swap3A_160 = arith.constant 0 : i32
    %swap3A_161 = arith.index_cast %swap3A_160 : i32 to index
    %swap3A_162 = arith.constant 80 : index
    %swap3A_163 = tpu.vector_load %arg10[%swap3A_161, %swap3A_162] {strides = array<i32>} : memref<2x128xf32, #tpu.memory_space<vmem>>, vector<1x16xf32>,
    %swap3A_164 = vector.shape_cast %swap3A_163 : vector<1x16xf32> to vector<16xf32>
    %swap3A_165 = vector.shape_cast %scan3A_48#5 : vector<16xf32> to vector<1x16xf32>
    tpu.vector_store %arg10[%swap3A_161, %swap3A_162], %swap3A_165 {strides = array<i32>} : memref<2x128xf32, #tpu.memory_space<vmem>>, vector<1x16xf32>,
    %swap3A_166 = arith.constant 1 : i32
    %swap3A_167 = arith.index_cast %swap3A_166 : i32 to index
    %swap3A_168 = arith.constant 80 : index
    %swap3A_169 = tpu.vector_load %arg10[%swap3A_167, %swap3A_168] {strides = array<i32>} : memref<2x128xf32, #tpu.memory_space<vmem>>, vector<1x16xf32>,
    %swap3A_170 = vector.shape_cast %swap3A_169 : vector<1x16xf32> to vector<16xf32>
    %swap3A_171 = vector.shape_cast %scan3A_48#13 : vector<16xf32> to vector<1x16xf32>
    tpu.vector_store %arg10[%swap3A_167, %swap3A_168], %swap3A_171 {strides = array<i32>} : memref<2x128xf32, #tpu.memory_space<vmem>>, vector<1x16xf32>,
    %swap3A_172 = arith.constant 0 : i32
    %swap3A_173 = arith.index_cast %swap3A_172 : i32 to index
    %swap3A_174 = arith.constant 96 : index
    %swap3A_175 = tpu.vector_load %arg10[%swap3A_173, %swap3A_174] {strides = array<i32>} : memref<2x128xf32, #tpu.memory_space<vmem>>, vector<1x16xf32>,
    %swap3A_176 = vector.shape_cast %swap3A_175 : vector<1x16xf32> to vector<16xf32>
    %swap3A_177 = vector.shape_cast %scan3A_48#6 : vector<16xf32> to vector<1x16xf32>
    tpu.vector_store %arg10[%swap3A_173, %swap3A_174], %swap3A_177 {strides = array<i32>} : memref<2x128xf32, #tpu.memory_space<vmem>>, vector<1x16xf32>,
    %swap3A_178 = arith.constant 1 : i32
    %swap3A_179 = arith.index_cast %swap3A_178 : i32 to index
    %swap3A_180 = arith.constant 96 : index
    %swap3A_181 = tpu.vector_load %arg10[%swap3A_179, %swap3A_180] {strides = array<i32>} : memref<2x128xf32, #tpu.memory_space<vmem>>, vector<1x16xf32>,
    %swap3A_182 = vector.shape_cast %swap3A_181 : vector<1x16xf32> to vector<16xf32>
    %swap3A_183 = vector.shape_cast %scan3A_48#14 : vector<16xf32> to vector<1x16xf32>
    tpu.vector_store %arg10[%swap3A_179, %swap3A_180], %swap3A_183 {strides = array<i32>} : memref<2x128xf32, #tpu.memory_space<vmem>>, vector<1x16xf32>,
    %swap3A_184 = arith.constant 0 : i32
    %swap3A_185 = arith.index_cast %swap3A_184 : i32 to index
    %swap3A_186 = arith.constant 112 : index
    %swap3A_187 = tpu.vector_load %arg10[%swap3A_185, %swap3A_186] {strides = array<i32>} : memref<2x128xf32, #tpu.memory_space<vmem>>, vector<1x16xf32>,
    %swap3A_188 = vector.shape_cast %swap3A_187 : vector<1x16xf32> to vector<16xf32>
    %swap3A_189 = vector.shape_cast %scan3A_48#7 : vector<16xf32> to vector<1x16xf32>
    tpu.vector_store %arg10[%swap3A_185, %swap3A_186], %swap3A_189 {strides = array<i32>} : memref<2x128xf32, #tpu.memory_space<vmem>>, vector<1x16xf32>,
    %swap3A_190 = arith.constant 1 : i32
    %swap3A_191 = arith.index_cast %swap3A_190 : i32 to index
    %swap3A_192 = arith.constant 112 : index
    %swap3A_193 = tpu.vector_load %arg10[%swap3A_191, %swap3A_192] {strides = array<i32>} : memref<2x128xf32, #tpu.memory_space<vmem>>, vector<1x16xf32>,
    %swap3A_194 = vector.shape_cast %swap3A_193 : vector<1x16xf32> to vector<16xf32>
    %swap3A_195 = vector.shape_cast %scan3A_48#15 : vector<16xf32> to vector<1x16xf32>
    tpu.vector_store %arg10[%swap3A_191, %swap3A_192], %swap3A_195 {strides = array<i32>} : memref<2x128xf32, #tpu.memory_space<vmem>>, vector<1x16xf32>,
    "tpu.region"() ({
      %run_scoped3A = tpu.sem_alloc : memref<!tpu.dma_semaphore, #tpu.memory_space<semaphore_mem>>
      %dma_start3A_196 = arith.constant 0 : i32
      %dma_start3A_197 = arith.constant 0 : i32
      %dma_start3A_198 = tpu.memref_slice %arg6[%add3A, %dma_start3A_196, %dma_start3A_197] : memref<32x2x128xf32, #tpu.memory_space<hbm>> -> memref<1x2x128xf32, #tpu.memory_space<hbm>>
      %dma_start3A_199 = tpu.memref_squeeze %dma_start3A_198 : memref<1x2x128xf32, #tpu.memory_space<hbm>> -> memref<2x128xf32, #tpu.memory_space<hbm>>
      %dma_start3A_200 = arith.constant 0 : i32
      %dma_start3A_201 = arith.constant 0 : i32
      %dma_start3A_202 = tpu.memref_slice %arg6[%add3A, %dma_start3A_200, %dma_start3A_201] : memref<32x2x128xf32, #tpu.memory_space<hbm>> -> memref<1x2x128xf32, #tpu.memory_space<hbm>>
      %dma_start3A_203 = tpu.memref_squeeze %dma_start3A_202 : memref<1x2x128xf32, #tpu.memory_space<hbm>> -> memref<2x128xf32, #tpu.memory_space<hbm>>
      tpu.enqueue_dma source(%arg10 : memref<2x128xf32, #tpu.memory_space<vmem>>) target(%dma_start3A_203 : memref<2x128xf32, #tpu.memory_space<hbm>>) target_semaphore(%run_scoped3A : memref<!tpu.dma_semaphore, #tpu.memory_space<semaphore_mem>>)
      %dma_wait3A_204 = arith.constant 0 : i32
      %dma_wait3A_205 = arith.constant 0 : i32
      %dma_wait3A_206 = tpu.memref_slice %arg6[%add3A, %dma_wait3A_204, %dma_wait3A_205] : memref<32x2x128xf32, #tpu.memory_space<hbm>> -> memref<1x2x128xf32, #tpu.memory_space<hbm>>
      %dma_wait3A_207 = tpu.memref_squeeze %dma_wait3A_206 : memref<1x2x128xf32, #tpu.memory_space<hbm>> -> memref<2x128xf32, #tpu.memory_space<hbm>>
      %dma_wait3A_208 = arith.constant 0 : i32
      %dma_wait3A_209 = arith.constant 0 : i32
      %dma_wait3A_210 = tpu.memref_slice %arg6[%add3A, %dma_wait3A_208, %dma_wait3A_209] : memref<32x2x128xf32, #tpu.memory_space<hbm>> -> memref<1x2x128xf32, #tpu.memory_space<hbm>>
      %dma_wait3A_211 = tpu.memref_squeeze %dma_wait3A_210 : memref<1x2x128xf32, #tpu.memory_space<hbm>> -> memref<2x128xf32, #tpu.memory_space<hbm>>
      tpu.wait_dma2 semaphore(%run_scoped3A : memref<!tpu.dma_semaphore, #tpu.memory_space<semaphore_mem>>) src(%arg10 : memref<2x128xf32, #tpu.memory_space<vmem>>) dst(%dma_wait3A_211 : memref<2x128xf32, #tpu.memory_space<hbm>>)
      tpu.yield
    }) : () -> ()
    return
  }
}

module attributes {stable_mosaic.version = 14 : i64} {
  func.func @_topk_kernel(%arg0: i32, %arg1: i32, %arg2: memref<1x256x3xf32, #tpu.memory_space<vmem>>, %arg3: memref<1x3x1024xf32, #tpu.memory_space<vmem>>, %arg4: memref<256x16xi32, #tpu.memory_space<vmem>>) attributes {dimension_semantics = [#tpu.dimension_semantics<arbitrary>, #tpu.dimension_semantics<arbitrary>], iteration_bounds = array<i64: 8, 4>, scalar_prefetch = 0 : i64, scratch_operands = 0 : i64, tpu.core_type = #tpu.core_type<tc>, window_params = [{transform_indices = @transform_0, window_bounds = array<i64: 1, 256, 3>}, {transform_indices = @transform_1, window_bounds = array<i64: 1, 3, 1024>}, {transform_indices = @transform_2, window_bounds = array<i64: 256, 16>}]} {
    %get3A = arith.constant 0 : index
    %get3A_0 = arith.constant 0 : index
    %get3A_1 = arith.constant 0 : index
    %get3A_2 = vector.load %arg2[%get3A, %get3A_0, %get3A_1] : memref<1x256x3xf32, #tpu.memory_space<vmem>>, vector<1x256x3xf32>
    %get3A_3 = vector.shape_cast %get3A_2 : vector<1x256x3xf32> to vector<256x3xf32>
    %get3A_4 = arith.constant 0 : index
    %get3A_5 = arith.constant 0 : index
    %get3A_6 = arith.constant 0 : index
    %get3A_7 = vector.load %arg3[%get3A_4, %get3A_5, %get3A_6] : memref<1x3x1024xf32, #tpu.memory_space<vmem>>, vector<1x3x1024xf32>
    %get3A_8 = vector.shape_cast %get3A_7 : vector<1x3x1024xf32> to vector<3x1024xf32>
    %convert_element_type3A = arith.truncf %get3A_3 : vector<256x3xf32> to vector<256x3xbf16>
    %convert_element_type3A_9 = arith.extf %convert_element_type3A : vector<256x3xbf16> to vector<256x3xf32>
    %convert_element_type3A_10 = arith.truncf %get3A_8 : vector<3x1024xf32> to vector<3x1024xbf16>
    %convert_element_type3A_11 = arith.extf %convert_element_type3A_10 : vector<3x1024xbf16> to vector<3x1024xf32>
    %slice3A = vector.extract_strided_slice %convert_element_type3A_9 {offsets = [0, 0], sizes = [256, 1], strides = [1, 1]} : vector<256x3xf32> to vector<256x1xf32>
    %slice3A_12 = vector.extract_strided_slice %convert_element_type3A_11 {offsets = [0, 0], sizes = [1, 1024], strides = [1, 1]} : vector<3x1024xf32> to vector<1x1024xf32>
    %mul3A = vector.broadcast %slice3A : vector<256x1xf32> to vector<256x1024xf32>
    %mul3A_13 = vector.broadcast %slice3A_12 : vector<1x1024xf32> to vector<256x1024xf32>
    %mul3A_14 = arith.mulf %mul3A, %mul3A_13 : vector<256x1024xf32>
    %slice3A_15 = vector.extract_strided_slice %convert_element_type3A_9 {offsets = [0, 1], sizes = [256, 1], strides = [1, 1]} : vector<256x3xf32> to vector<256x1xf32>
    %slice3A_16 = vector.extract_strided_slice %convert_element_type3A_11 {offsets = [1, 0], sizes = [1, 1024], strides = [1, 1]} : vector<3x1024xf32> to vector<1x1024xf32>
    %mul3A_17 = vector.broadcast %slice3A_15 : vector<256x1xf32> to vector<256x1024xf32>
    %mul3A_18 = vector.broadcast %slice3A_16 : vector<1x1024xf32> to vector<256x1024xf32>
    %mul3A_19 = arith.mulf %mul3A_17, %mul3A_18 : vector<256x1024xf32>
    %add3A = arith.addf %mul3A_14, %mul3A_19 : vector<256x1024xf32>
    %slice3A_20 = vector.extract_strided_slice %convert_element_type3A_9 {offsets = [0, 2], sizes = [256, 1], strides = [1, 1]} : vector<256x3xf32> to vector<256x1xf32>
    %slice3A_21 = vector.extract_strided_slice %convert_element_type3A_11 {offsets = [2, 0], sizes = [1, 1024], strides = [1, 1]} : vector<3x1024xf32> to vector<1x1024xf32>
    %mul3A_22 = vector.broadcast %slice3A_20 : vector<256x1xf32> to vector<256x1024xf32>
    %mul3A_23 = vector.broadcast %slice3A_21 : vector<1x1024xf32> to vector<256x1024xf32>
    %mul3A_24 = arith.mulf %mul3A_22, %mul3A_23 : vector<256x1024xf32>
    %add3A_25 = arith.addf %add3A, %mul3A_24 : vector<256x1024xf32>
    %mul3A_26 = arith.mulf %get3A_3, %get3A_3 : vector<256x3xf32>
    %reduce_sum3A = arith.constant dense<0.000000e+00> : vector<256xf32>
    %reduce_sum3A_27 = vector.multi_reduction <add>, %mul3A_26, %reduce_sum3A [1] : vector<256x3xf32> to vector<256xf32>
    %broadcast_in_dim3A = vector.shape_cast %reduce_sum3A_27 : vector<256xf32> to vector<256x1xf32>
    %mul3A_28 = arith.mulf %get3A_8, %get3A_8 : vector<3x1024xf32>
    %reduce_sum3A_29 = arith.constant dense<0.000000e+00> : vector<1024xf32>
    %reduce_sum3A_30 = vector.multi_reduction <add>, %mul3A_28, %reduce_sum3A_29 [0] : vector<3x1024xf32> to vector<1024xf32>
    %broadcast_in_dim3A_31 = vector.shape_cast %reduce_sum3A_30 : vector<1024xf32> to vector<1x1024xf32>
    %mul3A_32 = arith.constant 2.000000e+00 : f32
    %mul3A_33 = vector.broadcast %mul3A_32 : f32 to vector<256x1024xf32>
    %mul3A_34 = arith.mulf %mul3A_33, %add3A_25 : vector<256x1024xf32>
    %sub3A = vector.broadcast %broadcast_in_dim3A : vector<256x1xf32> to vector<256x1024xf32>
    %sub3A_35 = arith.subf %mul3A_34, %sub3A : vector<256x1024xf32>
    %sub3A_36 = vector.broadcast %broadcast_in_dim3A_31 : vector<1x1024xf32> to vector<256x1024xf32>
    %sub3A_37 = arith.subf %sub3A_35, %sub3A_36 : vector<256x1024xf32>
    %iota3A = tpu.iota {dimensions = array<i32: 1>} : vector<256x1024xi32>
    %mul3A_38 = arith.constant 256 : i32
    %mul3A_39 = arith.muli %arg1, %mul3A_38 : i32
    %iota3A_40 = tpu.iota {dimensions = array<i32: 0>} : vector<256x1024xi32>
    %add3A_41 = vector.broadcast %mul3A_39 : i32 to vector<256x1024xi32>
    %add3A_42 = arith.addi %add3A_41, %iota3A_40 : vector<256x1024xi32>
    %add3A_43 = arith.constant 6.000000e+02 : f32
    %add3A_44 = vector.broadcast %add3A_43 : f32 to vector<256x1024xf32>
    %add3A_45 = arith.addf %sub3A_37, %add3A_44 : vector<256x1024xf32>
    %mul3A_46 = arith.constant 2.048000e+03 : f32
    %mul3A_47 = vector.broadcast %mul3A_46 : f32 to vector<256x1024xf32>
    %mul3A_48 = arith.mulf %add3A_45, %mul3A_47 : vector<256x1024xf32>
    %convert_element_type3A_49 = arith.fptosi %mul3A_48 : vector<256x1024xf32> to vector<256x1024xi32>
    %max3A = arith.constant 0 : i32
    %max3A_50 = vector.broadcast %max3A : i32 to vector<256x1024xi32>
    %max3A_51 = arith.maxsi %convert_element_type3A_49, %max3A_50 : vector<256x1024xi32>
    %min3A = arith.constant 2080000 : i32
    %min3A_52 = vector.broadcast %min3A : i32 to vector<256x1024xi32>
    %min3A_53 = arith.minsi %max3A_51, %min3A_52 : vector<256x1024xi32>
    %mul3A_54 = arith.constant 1024 : i32
    %mul3A_55 = vector.broadcast %mul3A_54 : i32 to vector<256x1024xi32>
    %mul3A_56 = arith.muli %min3A_53, %mul3A_55 : vector<256x1024xi32>
    %sub3A_57 = arith.constant 1023 : i32
    %sub3A_58 = vector.broadcast %sub3A_57 : i32 to vector<256x1024xi32>
    %sub3A_59 = arith.subi %sub3A_58, %iota3A : vector<256x1024xi32>
    %add3A_60 = arith.addi %mul3A_56, %sub3A_59 : vector<256x1024xi32>
    %eq3A = arith.cmpi eq, %iota3A, %add3A_42 : vector<256x1024xi32>
    %jit3A = arith.constant 0 : i32
    %broadcast_in_dim3A_61 = vector.broadcast %jit3A : i32 to vector<256x1024xi32>
    %select_n3A = arith.select %eq3A, %broadcast_in_dim3A_61, %add3A_60 : vector<256x1024xi1>, vector<256x1024xi32>
    %iota3A_62 = tpu.iota {dimensions = array<i32: 1>} : vector<256x16xi32>
    %bitcast_convert_type3A = tpu.bitcast %select_n3A : vector<256x1024xi32> -> vector<256x1024xf32>
    %broadcast_in_dim3A_63 = arith.constant 0 : i32
    %broadcast_in_dim3A_64 = vector.broadcast %broadcast_in_dim3A_63 : i32 to vector<256x16xi32>
    %reduce_max3A = arith.constant dense<0xFF800000> : vector<256xf32>
    %reduce_max3A_65 = vector.multi_reduction <maximumf>, %bitcast_convert_type3A, %reduce_max3A [1] : vector<256x1024xf32> to vector<256xf32>
    %broadcast_in_dim3A_66 = vector.shape_cast %reduce_max3A_65 : vector<256xf32> to vector<256x1xf32>
    %bitcast_convert_type3A_67 = tpu.bitcast %broadcast_in_dim3A_66 : vector<256x1xf32> -> vector<256x1xi32>
    %eq3A_68 = arith.constant 0 : i32
    %eq3A_69 = vector.broadcast %eq3A_68 : i32 to vector<256x16xi32>
    %eq3A_70 = arith.cmpi eq, %iota3A_62, %eq3A_69 : vector<256x16xi32>
    %and3A = arith.constant 1023 : i32
    %and3A_71 = vector.broadcast %and3A : i32 to vector<256x1xi32>
    %and3A_72 = arith.andi %bitcast_convert_type3A_67, %and3A_71 : vector<256x1xi32>
    %sub3A_73 = arith.constant 1023 : i32
    %sub3A_74 = vector.broadcast %sub3A_73 : i32 to vector<256x1xi32>
    %sub3A_75 = arith.subi %sub3A_74, %and3A_72 : vector<256x1xi32>
    %broadcast_in_dim3A_76 = vector.shape_cast %sub3A_75 : vector<256x1xi32> to vector<256x1xi32>
    %broadcast_in_dim3A_77 = vector.broadcast %broadcast_in_dim3A_76 : vector<256x1xi32> to vector<256x16xi32>
    %select_n3A_78 = arith.select %eq3A_70, %broadcast_in_dim3A_77, %broadcast_in_dim3A_64 : vector<256x16xi1>, vector<256x16xi32>
    %eq3A_79 = vector.broadcast %broadcast_in_dim3A_66 : vector<256x1xf32> to vector<256x1024xf32>
    %eq3A_80 = arith.cmpf oeq, %bitcast_convert_type3A, %eq3A_79 : vector<256x1024xf32>
    %jit3A_81 = arith.constant -1.000000e+00 : f32
    %broadcast_in_dim3A_82 = vector.broadcast %jit3A_81 : f32 to vector<256x1024xf32>
    %select_n3A_83 = arith.select %eq3A_80, %broadcast_in_dim3A_82, %bitcast_convert_type3A : vector<256x1024xi1>, vector<256x1024xf32>
    %reduce_max3A_84 = arith.constant dense<0xFF800000> : vector<256xf32>
    %reduce_max3A_85 = vector.multi_reduction <maximumf>, %select_n3A_83, %reduce_max3A_84 [1] : vector<256x1024xf32> to vector<256xf32>
    %broadcast_in_dim3A_86 = vector.shape_cast %reduce_max3A_85 : vector<256xf32> to vector<256x1xf32>
    %bitcast_convert_type3A_87 = tpu.bitcast %broadcast_in_dim3A_86 : vector<256x1xf32> -> vector<256x1xi32>
    %eq3A_88 = arith.constant 1 : i32
    %eq3A_89 = vector.broadcast %eq3A_88 : i32 to vector<256x16xi32>
    %eq3A_90 = arith.cmpi eq, %iota3A_62, %eq3A_89 : vector<256x16xi32>
    %and3A_91 = arith.constant 1023 : i32
    %and3A_92 = vector.broadcast %and3A_91 : i32 to vector<256x1xi32>
    %and3A_93 = arith.andi %bitcast_convert_type3A_87, %and3A_92 : vector<256x1xi32>
    %sub3A_94 = arith.constant 1023 : i32
    %sub3A_95 = vector.broadcast %sub3A_94 : i32 to vector<256x1xi32>
    %sub3A_96 = arith.subi %sub3A_95, %and3A_93 : vector<256x1xi32>
    %broadcast_in_dim3A_97 = vector.shape_cast %sub3A_96 : vector<256x1xi32> to vector<256x1xi32>
    %broadcast_in_dim3A_98 = vector.broadcast %broadcast_in_dim3A_97 : vector<256x1xi32> to vector<256x16xi32>
    %select_n3A_99 = arith.select %eq3A_90, %broadcast_in_dim3A_98, %select_n3A_78 : vector<256x16xi1>, vector<256x16xi32>
    %eq3A_100 = vector.broadcast %broadcast_in_dim3A_86 : vector<256x1xf32> to vector<256x1024xf32>
    %eq3A_101 = arith.cmpf oeq, %select_n3A_83, %eq3A_100 : vector<256x1024xf32>
    %jit3A_102 = arith.constant -1.000000e+00 : f32
    %broadcast_in_dim3A_103 = vector.broadcast %jit3A_102 : f32 to vector<256x1024xf32>
    %select_n3A_104 = arith.select %eq3A_101, %broadcast_in_dim3A_103, %select_n3A_83 : vector<256x1024xi1>, vector<256x1024xf32>
    %reduce_max3A_105 = arith.constant dense<0xFF800000> : vector<256xf32>
    %reduce_max3A_106 = vector.multi_reduction <maximumf>, %select_n3A_104, %reduce_max3A_105 [1] : vector<256x1024xf32> to vector<256xf32>
    %broadcast_in_dim3A_107 = vector.shape_cast %reduce_max3A_106 : vector<256xf32> to vector<256x1xf32>
    %bitcast_convert_type3A_108 = tpu.bitcast %broadcast_in_dim3A_107 : vector<256x1xf32> -> vector<256x1xi32>
    %eq3A_109 = arith.constant 2 : i32
    %eq3A_110 = vector.broadcast %eq3A_109 : i32 to vector<256x16xi32>
    %eq3A_111 = arith.cmpi eq, %iota3A_62, %eq3A_110 : vector<256x16xi32>
    %and3A_112 = arith.constant 1023 : i32
    %and3A_113 = vector.broadcast %and3A_112 : i32 to vector<256x1xi32>
    %and3A_114 = arith.andi %bitcast_convert_type3A_108, %and3A_113 : vector<256x1xi32>
    %sub3A_115 = arith.constant 1023 : i32
    %sub3A_116 = vector.broadcast %sub3A_115 : i32 to vector<256x1xi32>
    %sub3A_117 = arith.subi %sub3A_116, %and3A_114 : vector<256x1xi32>
    %broadcast_in_dim3A_118 = vector.shape_cast %sub3A_117 : vector<256x1xi32> to vector<256x1xi32>
    %broadcast_in_dim3A_119 = vector.broadcast %broadcast_in_dim3A_118 : vector<256x1xi32> to vector<256x16xi32>
    %select_n3A_120 = arith.select %eq3A_111, %broadcast_in_dim3A_119, %select_n3A_99 : vector<256x16xi1>, vector<256x16xi32>
    %eq3A_121 = vector.broadcast %broadcast_in_dim3A_107 : vector<256x1xf32> to vector<256x1024xf32>
    %eq3A_122 = arith.cmpf oeq, %select_n3A_104, %eq3A_121 : vector<256x1024xf32>
    %jit3A_123 = arith.constant -1.000000e+00 : f32
    %broadcast_in_dim3A_124 = vector.broadcast %jit3A_123 : f32 to vector<256x1024xf32>
    %select_n3A_125 = arith.select %eq3A_122, %broadcast_in_dim3A_124, %select_n3A_104 : vector<256x1024xi1>, vector<256x1024xf32>
    %reduce_max3A_126 = arith.constant dense<0xFF800000> : vector<256xf32>
    %reduce_max3A_127 = vector.multi_reduction <maximumf>, %select_n3A_125, %reduce_max3A_126 [1] : vector<256x1024xf32> to vector<256xf32>
    %broadcast_in_dim3A_128 = vector.shape_cast %reduce_max3A_127 : vector<256xf32> to vector<256x1xf32>
    %bitcast_convert_type3A_129 = tpu.bitcast %broadcast_in_dim3A_128 : vector<256x1xf32> -> vector<256x1xi32>
    %eq3A_130 = arith.constant 3 : i32
    %eq3A_131 = vector.broadcast %eq3A_130 : i32 to vector<256x16xi32>
    %eq3A_132 = arith.cmpi eq, %iota3A_62, %eq3A_131 : vector<256x16xi32>
    %and3A_133 = arith.constant 1023 : i32
    %and3A_134 = vector.broadcast %and3A_133 : i32 to vector<256x1xi32>
    %and3A_135 = arith.andi %bitcast_convert_type3A_129, %and3A_134 : vector<256x1xi32>
    %sub3A_136 = arith.constant 1023 : i32
    %sub3A_137 = vector.broadcast %sub3A_136 : i32 to vector<256x1xi32>
    %sub3A_138 = arith.subi %sub3A_137, %and3A_135 : vector<256x1xi32>
    %broadcast_in_dim3A_139 = vector.shape_cast %sub3A_138 : vector<256x1xi32> to vector<256x1xi32>
    %broadcast_in_dim3A_140 = vector.broadcast %broadcast_in_dim3A_139 : vector<256x1xi32> to vector<256x16xi32>
    %select_n3A_141 = arith.select %eq3A_132, %broadcast_in_dim3A_140, %select_n3A_120 : vector<256x16xi1>, vector<256x16xi32>
    %eq3A_142 = vector.broadcast %broadcast_in_dim3A_128 : vector<256x1xf32> to vector<256x1024xf32>
    %eq3A_143 = arith.cmpf oeq, %select_n3A_125, %eq3A_142 : vector<256x1024xf32>
    %jit3A_144 = arith.constant -1.000000e+00 : f32
    %broadcast_in_dim3A_145 = vector.broadcast %jit3A_144 : f32 to vector<256x1024xf32>
    %select_n3A_146 = arith.select %eq3A_143, %broadcast_in_dim3A_145, %select_n3A_125 : vector<256x1024xi1>, vector<256x1024xf32>
    %reduce_max3A_147 = arith.constant dense<0xFF800000> : vector<256xf32>
    %reduce_max3A_148 = vector.multi_reduction <maximumf>, %select_n3A_146, %reduce_max3A_147 [1] : vector<256x1024xf32> to vector<256xf32>
    %broadcast_in_dim3A_149 = vector.shape_cast %reduce_max3A_148 : vector<256xf32> to vector<256x1xf32>
    %bitcast_convert_type3A_150 = tpu.bitcast %broadcast_in_dim3A_149 : vector<256x1xf32> -> vector<256x1xi32>
    %eq3A_151 = arith.constant 4 : i32
    %eq3A_152 = vector.broadcast %eq3A_151 : i32 to vector<256x16xi32>
    %eq3A_153 = arith.cmpi eq, %iota3A_62, %eq3A_152 : vector<256x16xi32>
    %and3A_154 = arith.constant 1023 : i32
    %and3A_155 = vector.broadcast %and3A_154 : i32 to vector<256x1xi32>
    %and3A_156 = arith.andi %bitcast_convert_type3A_150, %and3A_155 : vector<256x1xi32>
    %sub3A_157 = arith.constant 1023 : i32
    %sub3A_158 = vector.broadcast %sub3A_157 : i32 to vector<256x1xi32>
    %sub3A_159 = arith.subi %sub3A_158, %and3A_156 : vector<256x1xi32>
    %broadcast_in_dim3A_160 = vector.shape_cast %sub3A_159 : vector<256x1xi32> to vector<256x1xi32>
    %broadcast_in_dim3A_161 = vector.broadcast %broadcast_in_dim3A_160 : vector<256x1xi32> to vector<256x16xi32>
    %select_n3A_162 = arith.select %eq3A_153, %broadcast_in_dim3A_161, %select_n3A_141 : vector<256x16xi1>, vector<256x16xi32>
    %eq3A_163 = vector.broadcast %broadcast_in_dim3A_149 : vector<256x1xf32> to vector<256x1024xf32>
    %eq3A_164 = arith.cmpf oeq, %select_n3A_146, %eq3A_163 : vector<256x1024xf32>
    %jit3A_165 = arith.constant -1.000000e+00 : f32
    %broadcast_in_dim3A_166 = vector.broadcast %jit3A_165 : f32 to vector<256x1024xf32>
    %select_n3A_167 = arith.select %eq3A_164, %broadcast_in_dim3A_166, %select_n3A_146 : vector<256x1024xi1>, vector<256x1024xf32>
    %reduce_max3A_168 = arith.constant dense<0xFF800000> : vector<256xf32>
    %reduce_max3A_169 = vector.multi_reduction <maximumf>, %select_n3A_167, %reduce_max3A_168 [1] : vector<256x1024xf32> to vector<256xf32>
    %broadcast_in_dim3A_170 = vector.shape_cast %reduce_max3A_169 : vector<256xf32> to vector<256x1xf32>
    %bitcast_convert_type3A_171 = tpu.bitcast %broadcast_in_dim3A_170 : vector<256x1xf32> -> vector<256x1xi32>
    %eq3A_172 = arith.constant 5 : i32
    %eq3A_173 = vector.broadcast %eq3A_172 : i32 to vector<256x16xi32>
    %eq3A_174 = arith.cmpi eq, %iota3A_62, %eq3A_173 : vector<256x16xi32>
    %and3A_175 = arith.constant 1023 : i32
    %and3A_176 = vector.broadcast %and3A_175 : i32 to vector<256x1xi32>
    %and3A_177 = arith.andi %bitcast_convert_type3A_171, %and3A_176 : vector<256x1xi32>
    %sub3A_178 = arith.constant 1023 : i32
    %sub3A_179 = vector.broadcast %sub3A_178 : i32 to vector<256x1xi32>
    %sub3A_180 = arith.subi %sub3A_179, %and3A_177 : vector<256x1xi32>
    %broadcast_in_dim3A_181 = vector.shape_cast %sub3A_180 : vector<256x1xi32> to vector<256x1xi32>
    %broadcast_in_dim3A_182 = vector.broadcast %broadcast_in_dim3A_181 : vector<256x1xi32> to vector<256x16xi32>
    %select_n3A_183 = arith.select %eq3A_174, %broadcast_in_dim3A_182, %select_n3A_162 : vector<256x16xi1>, vector<256x16xi32>
    %eq3A_184 = vector.broadcast %broadcast_in_dim3A_170 : vector<256x1xf32> to vector<256x1024xf32>
    %eq3A_185 = arith.cmpf oeq, %select_n3A_167, %eq3A_184 : vector<256x1024xf32>
    %jit3A_186 = arith.constant -1.000000e+00 : f32
    %broadcast_in_dim3A_187 = vector.broadcast %jit3A_186 : f32 to vector<256x1024xf32>
    %select_n3A_188 = arith.select %eq3A_185, %broadcast_in_dim3A_187, %select_n3A_167 : vector<256x1024xi1>, vector<256x1024xf32>
    %reduce_max3A_189 = arith.constant dense<0xFF800000> : vector<256xf32>
    %reduce_max3A_190 = vector.multi_reduction <maximumf>, %select_n3A_188, %reduce_max3A_189 [1] : vector<256x1024xf32> to vector<256xf32>
    %broadcast_in_dim3A_191 = vector.shape_cast %reduce_max3A_190 : vector<256xf32> to vector<256x1xf32>
    %bitcast_convert_type3A_192 = tpu.bitcast %broadcast_in_dim3A_191 : vector<256x1xf32> -> vector<256x1xi32>
    %eq3A_193 = arith.constant 6 : i32
    %eq3A_194 = vector.broadcast %eq3A_193 : i32 to vector<256x16xi32>
    %eq3A_195 = arith.cmpi eq, %iota3A_62, %eq3A_194 : vector<256x16xi32>
    %and3A_196 = arith.constant 1023 : i32
    %and3A_197 = vector.broadcast %and3A_196 : i32 to vector<256x1xi32>
    %and3A_198 = arith.andi %bitcast_convert_type3A_192, %and3A_197 : vector<256x1xi32>
    %sub3A_199 = arith.constant 1023 : i32
    %sub3A_200 = vector.broadcast %sub3A_199 : i32 to vector<256x1xi32>
    %sub3A_201 = arith.subi %sub3A_200, %and3A_198 : vector<256x1xi32>
    %broadcast_in_dim3A_202 = vector.shape_cast %sub3A_201 : vector<256x1xi32> to vector<256x1xi32>
    %broadcast_in_dim3A_203 = vector.broadcast %broadcast_in_dim3A_202 : vector<256x1xi32> to vector<256x16xi32>
    %select_n3A_204 = arith.select %eq3A_195, %broadcast_in_dim3A_203, %select_n3A_183 : vector<256x16xi1>, vector<256x16xi32>
    %eq3A_205 = vector.broadcast %broadcast_in_dim3A_191 : vector<256x1xf32> to vector<256x1024xf32>
    %eq3A_206 = arith.cmpf oeq, %select_n3A_188, %eq3A_205 : vector<256x1024xf32>
    %jit3A_207 = arith.constant -1.000000e+00 : f32
    %broadcast_in_dim3A_208 = vector.broadcast %jit3A_207 : f32 to vector<256x1024xf32>
    %select_n3A_209 = arith.select %eq3A_206, %broadcast_in_dim3A_208, %select_n3A_188 : vector<256x1024xi1>, vector<256x1024xf32>
    %reduce_max3A_210 = arith.constant dense<0xFF800000> : vector<256xf32>
    %reduce_max3A_211 = vector.multi_reduction <maximumf>, %select_n3A_209, %reduce_max3A_210 [1] : vector<256x1024xf32> to vector<256xf32>
    %broadcast_in_dim3A_212 = vector.shape_cast %reduce_max3A_211 : vector<256xf32> to vector<256x1xf32>
    %bitcast_convert_type3A_213 = tpu.bitcast %broadcast_in_dim3A_212 : vector<256x1xf32> -> vector<256x1xi32>
    %eq3A_214 = arith.constant 7 : i32
    %eq3A_215 = vector.broadcast %eq3A_214 : i32 to vector<256x16xi32>
    %eq3A_216 = arith.cmpi eq, %iota3A_62, %eq3A_215 : vector<256x16xi32>
    %and3A_217 = arith.constant 1023 : i32
    %and3A_218 = vector.broadcast %and3A_217 : i32 to vector<256x1xi32>
    %and3A_219 = arith.andi %bitcast_convert_type3A_213, %and3A_218 : vector<256x1xi32>
    %sub3A_220 = arith.constant 1023 : i32
    %sub3A_221 = vector.broadcast %sub3A_220 : i32 to vector<256x1xi32>
    %sub3A_222 = arith.subi %sub3A_221, %and3A_219 : vector<256x1xi32>
    %broadcast_in_dim3A_223 = vector.shape_cast %sub3A_222 : vector<256x1xi32> to vector<256x1xi32>
    %broadcast_in_dim3A_224 = vector.broadcast %broadcast_in_dim3A_223 : vector<256x1xi32> to vector<256x16xi32>
    %select_n3A_225 = arith.select %eq3A_216, %broadcast_in_dim3A_224, %select_n3A_204 : vector<256x16xi1>, vector<256x16xi32>
    %eq3A_226 = vector.broadcast %broadcast_in_dim3A_212 : vector<256x1xf32> to vector<256x1024xf32>
    %eq3A_227 = arith.cmpf oeq, %select_n3A_209, %eq3A_226 : vector<256x1024xf32>
    %jit3A_228 = arith.constant -1.000000e+00 : f32
    %broadcast_in_dim3A_229 = vector.broadcast %jit3A_228 : f32 to vector<256x1024xf32>
    %select_n3A_230 = arith.select %eq3A_227, %broadcast_in_dim3A_229, %select_n3A_209 : vector<256x1024xi1>, vector<256x1024xf32>
    %reduce_max3A_231 = arith.constant dense<0xFF800000> : vector<256xf32>
    %reduce_max3A_232 = vector.multi_reduction <maximumf>, %select_n3A_230, %reduce_max3A_231 [1] : vector<256x1024xf32> to vector<256xf32>
    %broadcast_in_dim3A_233 = vector.shape_cast %reduce_max3A_232 : vector<256xf32> to vector<256x1xf32>
    %bitcast_convert_type3A_234 = tpu.bitcast %broadcast_in_dim3A_233 : vector<256x1xf32> -> vector<256x1xi32>
    %eq3A_235 = arith.constant 8 : i32
    %eq3A_236 = vector.broadcast %eq3A_235 : i32 to vector<256x16xi32>
    %eq3A_237 = arith.cmpi eq, %iota3A_62, %eq3A_236 : vector<256x16xi32>
    %and3A_238 = arith.constant 1023 : i32
    %and3A_239 = vector.broadcast %and3A_238 : i32 to vector<256x1xi32>
    %and3A_240 = arith.andi %bitcast_convert_type3A_234, %and3A_239 : vector<256x1xi32>
    %sub3A_241 = arith.constant 1023 : i32
    %sub3A_242 = vector.broadcast %sub3A_241 : i32 to vector<256x1xi32>
    %sub3A_243 = arith.subi %sub3A_242, %and3A_240 : vector<256x1xi32>
    %broadcast_in_dim3A_244 = vector.shape_cast %sub3A_243 : vector<256x1xi32> to vector<256x1xi32>
    %broadcast_in_dim3A_245 = vector.broadcast %broadcast_in_dim3A_244 : vector<256x1xi32> to vector<256x16xi32>
    %select_n3A_246 = arith.select %eq3A_237, %broadcast_in_dim3A_245, %select_n3A_225 : vector<256x16xi1>, vector<256x16xi32>
    %eq3A_247 = vector.broadcast %broadcast_in_dim3A_233 : vector<256x1xf32> to vector<256x1024xf32>
    %eq3A_248 = arith.cmpf oeq, %select_n3A_230, %eq3A_247 : vector<256x1024xf32>
    %jit3A_249 = arith.constant -1.000000e+00 : f32
    %broadcast_in_dim3A_250 = vector.broadcast %jit3A_249 : f32 to vector<256x1024xf32>
    %select_n3A_251 = arith.select %eq3A_248, %broadcast_in_dim3A_250, %select_n3A_230 : vector<256x1024xi1>, vector<256x1024xf32>
    %reduce_max3A_252 = arith.constant dense<0xFF800000> : vector<256xf32>
    %reduce_max3A_253 = vector.multi_reduction <maximumf>, %select_n3A_251, %reduce_max3A_252 [1] : vector<256x1024xf32> to vector<256xf32>
    %broadcast_in_dim3A_254 = vector.shape_cast %reduce_max3A_253 : vector<256xf32> to vector<256x1xf32>
    %bitcast_convert_type3A_255 = tpu.bitcast %broadcast_in_dim3A_254 : vector<256x1xf32> -> vector<256x1xi32>
    %eq3A_256 = arith.constant 9 : i32
    %eq3A_257 = vector.broadcast %eq3A_256 : i32 to vector<256x16xi32>
    %eq3A_258 = arith.cmpi eq, %iota3A_62, %eq3A_257 : vector<256x16xi32>
    %and3A_259 = arith.constant 1023 : i32
    %and3A_260 = vector.broadcast %and3A_259 : i32 to vector<256x1xi32>
    %and3A_261 = arith.andi %bitcast_convert_type3A_255, %and3A_260 : vector<256x1xi32>
    %sub3A_262 = arith.constant 1023 : i32
    %sub3A_263 = vector.broadcast %sub3A_262 : i32 to vector<256x1xi32>
    %sub3A_264 = arith.subi %sub3A_263, %and3A_261 : vector<256x1xi32>
    %broadcast_in_dim3A_265 = vector.shape_cast %sub3A_264 : vector<256x1xi32> to vector<256x1xi32>
    %broadcast_in_dim3A_266 = vector.broadcast %broadcast_in_dim3A_265 : vector<256x1xi32> to vector<256x16xi32>
    %select_n3A_267 = arith.select %eq3A_258, %broadcast_in_dim3A_266, %select_n3A_246 : vector<256x16xi1>, vector<256x16xi32>
    %eq3A_268 = vector.broadcast %broadcast_in_dim3A_254 : vector<256x1xf32> to vector<256x1024xf32>
    %eq3A_269 = arith.cmpf oeq, %select_n3A_251, %eq3A_268 : vector<256x1024xf32>
    %jit3A_270 = arith.constant -1.000000e+00 : f32
    %broadcast_in_dim3A_271 = vector.broadcast %jit3A_270 : f32 to vector<256x1024xf32>
    %select_n3A_272 = arith.select %eq3A_269, %broadcast_in_dim3A_271, %select_n3A_251 : vector<256x1024xi1>, vector<256x1024xf32>
    %reduce_max3A_273 = arith.constant dense<0xFF800000> : vector<256xf32>
    %reduce_max3A_274 = vector.multi_reduction <maximumf>, %select_n3A_272, %reduce_max3A_273 [1] : vector<256x1024xf32> to vector<256xf32>
    %broadcast_in_dim3A_275 = vector.shape_cast %reduce_max3A_274 : vector<256xf32> to vector<256x1xf32>
    %bitcast_convert_type3A_276 = tpu.bitcast %broadcast_in_dim3A_275 : vector<256x1xf32> -> vector<256x1xi32>
    %eq3A_277 = arith.constant 10 : i32
    %eq3A_278 = vector.broadcast %eq3A_277 : i32 to vector<256x16xi32>
    %eq3A_279 = arith.cmpi eq, %iota3A_62, %eq3A_278 : vector<256x16xi32>
    %and3A_280 = arith.constant 1023 : i32
    %and3A_281 = vector.broadcast %and3A_280 : i32 to vector<256x1xi32>
    %and3A_282 = arith.andi %bitcast_convert_type3A_276, %and3A_281 : vector<256x1xi32>
    %sub3A_283 = arith.constant 1023 : i32
    %sub3A_284 = vector.broadcast %sub3A_283 : i32 to vector<256x1xi32>
    %sub3A_285 = arith.subi %sub3A_284, %and3A_282 : vector<256x1xi32>
    %broadcast_in_dim3A_286 = vector.shape_cast %sub3A_285 : vector<256x1xi32> to vector<256x1xi32>
    %broadcast_in_dim3A_287 = vector.broadcast %broadcast_in_dim3A_286 : vector<256x1xi32> to vector<256x16xi32>
    %select_n3A_288 = arith.select %eq3A_279, %broadcast_in_dim3A_287, %select_n3A_267 : vector<256x16xi1>, vector<256x16xi32>
    %eq3A_289 = vector.broadcast %broadcast_in_dim3A_275 : vector<256x1xf32> to vector<256x1024xf32>
    %eq3A_290 = arith.cmpf oeq, %select_n3A_272, %eq3A_289 : vector<256x1024xf32>
    %jit3A_291 = arith.constant -1.000000e+00 : f32
    %broadcast_in_dim3A_292 = vector.broadcast %jit3A_291 : f32 to vector<256x1024xf32>
    %select_n3A_293 = arith.select %eq3A_290, %broadcast_in_dim3A_292, %select_n3A_272 : vector<256x1024xi1>, vector<256x1024xf32>
    %reduce_max3A_294 = arith.constant dense<0xFF800000> : vector<256xf32>
    %reduce_max3A_295 = vector.multi_reduction <maximumf>, %select_n3A_293, %reduce_max3A_294 [1] : vector<256x1024xf32> to vector<256xf32>
    %broadcast_in_dim3A_296 = vector.shape_cast %reduce_max3A_295 : vector<256xf32> to vector<256x1xf32>
    %bitcast_convert_type3A_297 = tpu.bitcast %broadcast_in_dim3A_296 : vector<256x1xf32> -> vector<256x1xi32>
    %eq3A_298 = arith.constant 11 : i32
    %eq3A_299 = vector.broadcast %eq3A_298 : i32 to vector<256x16xi32>
    %eq3A_300 = arith.cmpi eq, %iota3A_62, %eq3A_299 : vector<256x16xi32>
    %and3A_301 = arith.constant 1023 : i32
    %and3A_302 = vector.broadcast %and3A_301 : i32 to vector<256x1xi32>
    %and3A_303 = arith.andi %bitcast_convert_type3A_297, %and3A_302 : vector<256x1xi32>
    %sub3A_304 = arith.constant 1023 : i32
    %sub3A_305 = vector.broadcast %sub3A_304 : i32 to vector<256x1xi32>
    %sub3A_306 = arith.subi %sub3A_305, %and3A_303 : vector<256x1xi32>
    %broadcast_in_dim3A_307 = vector.shape_cast %sub3A_306 : vector<256x1xi32> to vector<256x1xi32>
    %broadcast_in_dim3A_308 = vector.broadcast %broadcast_in_dim3A_307 : vector<256x1xi32> to vector<256x16xi32>
    %select_n3A_309 = arith.select %eq3A_300, %broadcast_in_dim3A_308, %select_n3A_288 : vector<256x16xi1>, vector<256x16xi32>
    %eq3A_310 = vector.broadcast %broadcast_in_dim3A_296 : vector<256x1xf32> to vector<256x1024xf32>
    %eq3A_311 = arith.cmpf oeq, %select_n3A_293, %eq3A_310 : vector<256x1024xf32>
    %jit3A_312 = arith.constant -1.000000e+00 : f32
    %broadcast_in_dim3A_313 = vector.broadcast %jit3A_312 : f32 to vector<256x1024xf32>
    %select_n3A_314 = arith.select %eq3A_311, %broadcast_in_dim3A_313, %select_n3A_293 : vector<256x1024xi1>, vector<256x1024xf32>
    %reduce_max3A_315 = arith.constant dense<0xFF800000> : vector<256xf32>
    %reduce_max3A_316 = vector.multi_reduction <maximumf>, %select_n3A_314, %reduce_max3A_315 [1] : vector<256x1024xf32> to vector<256xf32>
    %broadcast_in_dim3A_317 = vector.shape_cast %reduce_max3A_316 : vector<256xf32> to vector<256x1xf32>
    %bitcast_convert_type3A_318 = tpu.bitcast %broadcast_in_dim3A_317 : vector<256x1xf32> -> vector<256x1xi32>
    %eq3A_319 = arith.constant 12 : i32
    %eq3A_320 = vector.broadcast %eq3A_319 : i32 to vector<256x16xi32>
    %eq3A_321 = arith.cmpi eq, %iota3A_62, %eq3A_320 : vector<256x16xi32>
    %and3A_322 = arith.constant 1023 : i32
    %and3A_323 = vector.broadcast %and3A_322 : i32 to vector<256x1xi32>
    %and3A_324 = arith.andi %bitcast_convert_type3A_318, %and3A_323 : vector<256x1xi32>
    %sub3A_325 = arith.constant 1023 : i32
    %sub3A_326 = vector.broadcast %sub3A_325 : i32 to vector<256x1xi32>
    %sub3A_327 = arith.subi %sub3A_326, %and3A_324 : vector<256x1xi32>
    %broadcast_in_dim3A_328 = vector.shape_cast %sub3A_327 : vector<256x1xi32> to vector<256x1xi32>
    %broadcast_in_dim3A_329 = vector.broadcast %broadcast_in_dim3A_328 : vector<256x1xi32> to vector<256x16xi32>
    %select_n3A_330 = arith.select %eq3A_321, %broadcast_in_dim3A_329, %select_n3A_309 : vector<256x16xi1>, vector<256x16xi32>
    %eq3A_331 = vector.broadcast %broadcast_in_dim3A_317 : vector<256x1xf32> to vector<256x1024xf32>
    %eq3A_332 = arith.cmpf oeq, %select_n3A_314, %eq3A_331 : vector<256x1024xf32>
    %jit3A_333 = arith.constant -1.000000e+00 : f32
    %broadcast_in_dim3A_334 = vector.broadcast %jit3A_333 : f32 to vector<256x1024xf32>
    %select_n3A_335 = arith.select %eq3A_332, %broadcast_in_dim3A_334, %select_n3A_314 : vector<256x1024xi1>, vector<256x1024xf32>
    %reduce_max3A_336 = arith.constant dense<0xFF800000> : vector<256xf32>
    %reduce_max3A_337 = vector.multi_reduction <maximumf>, %select_n3A_335, %reduce_max3A_336 [1] : vector<256x1024xf32> to vector<256xf32>
    %broadcast_in_dim3A_338 = vector.shape_cast %reduce_max3A_337 : vector<256xf32> to vector<256x1xf32>
    %bitcast_convert_type3A_339 = tpu.bitcast %broadcast_in_dim3A_338 : vector<256x1xf32> -> vector<256x1xi32>
    %eq3A_340 = arith.constant 13 : i32
    %eq3A_341 = vector.broadcast %eq3A_340 : i32 to vector<256x16xi32>
    %eq3A_342 = arith.cmpi eq, %iota3A_62, %eq3A_341 : vector<256x16xi32>
    %and3A_343 = arith.constant 1023 : i32
    %and3A_344 = vector.broadcast %and3A_343 : i32 to vector<256x1xi32>
    %and3A_345 = arith.andi %bitcast_convert_type3A_339, %and3A_344 : vector<256x1xi32>
    %sub3A_346 = arith.constant 1023 : i32
    %sub3A_347 = vector.broadcast %sub3A_346 : i32 to vector<256x1xi32>
    %sub3A_348 = arith.subi %sub3A_347, %and3A_345 : vector<256x1xi32>
    %broadcast_in_dim3A_349 = vector.shape_cast %sub3A_348 : vector<256x1xi32> to vector<256x1xi32>
    %broadcast_in_dim3A_350 = vector.broadcast %broadcast_in_dim3A_349 : vector<256x1xi32> to vector<256x16xi32>
    %select_n3A_351 = arith.select %eq3A_342, %broadcast_in_dim3A_350, %select_n3A_330 : vector<256x16xi1>, vector<256x16xi32>
    %eq3A_352 = vector.broadcast %broadcast_in_dim3A_338 : vector<256x1xf32> to vector<256x1024xf32>
    %eq3A_353 = arith.cmpf oeq, %select_n3A_335, %eq3A_352 : vector<256x1024xf32>
    %jit3A_354 = arith.constant -1.000000e+00 : f32
    %broadcast_in_dim3A_355 = vector.broadcast %jit3A_354 : f32 to vector<256x1024xf32>
    %select_n3A_356 = arith.select %eq3A_353, %broadcast_in_dim3A_355, %select_n3A_335 : vector<256x1024xi1>, vector<256x1024xf32>
    %reduce_max3A_357 = arith.constant dense<0xFF800000> : vector<256xf32>
    %reduce_max3A_358 = vector.multi_reduction <maximumf>, %select_n3A_356, %reduce_max3A_357 [1] : vector<256x1024xf32> to vector<256xf32>
    %broadcast_in_dim3A_359 = vector.shape_cast %reduce_max3A_358 : vector<256xf32> to vector<256x1xf32>
    %bitcast_convert_type3A_360 = tpu.bitcast %broadcast_in_dim3A_359 : vector<256x1xf32> -> vector<256x1xi32>
    %eq3A_361 = arith.constant 14 : i32
    %eq3A_362 = vector.broadcast %eq3A_361 : i32 to vector<256x16xi32>
    %eq3A_363 = arith.cmpi eq, %iota3A_62, %eq3A_362 : vector<256x16xi32>
    %and3A_364 = arith.constant 1023 : i32
    %and3A_365 = vector.broadcast %and3A_364 : i32 to vector<256x1xi32>
    %and3A_366 = arith.andi %bitcast_convert_type3A_360, %and3A_365 : vector<256x1xi32>
    %sub3A_367 = arith.constant 1023 : i32
    %sub3A_368 = vector.broadcast %sub3A_367 : i32 to vector<256x1xi32>
    %sub3A_369 = arith.subi %sub3A_368, %and3A_366 : vector<256x1xi32>
    %broadcast_in_dim3A_370 = vector.shape_cast %sub3A_369 : vector<256x1xi32> to vector<256x1xi32>
    %broadcast_in_dim3A_371 = vector.broadcast %broadcast_in_dim3A_370 : vector<256x1xi32> to vector<256x16xi32>
    %select_n3A_372 = arith.select %eq3A_363, %broadcast_in_dim3A_371, %select_n3A_351 : vector<256x16xi1>, vector<256x16xi32>
    %eq3A_373 = vector.broadcast %broadcast_in_dim3A_359 : vector<256x1xf32> to vector<256x1024xf32>
    %eq3A_374 = arith.cmpf oeq, %select_n3A_356, %eq3A_373 : vector<256x1024xf32>
    %jit3A_375 = arith.constant -1.000000e+00 : f32
    %broadcast_in_dim3A_376 = vector.broadcast %jit3A_375 : f32 to vector<256x1024xf32>
    %select_n3A_377 = arith.select %eq3A_374, %broadcast_in_dim3A_376, %select_n3A_356 : vector<256x1024xi1>, vector<256x1024xf32>
    %reduce_max3A_378 = arith.constant dense<0xFF800000> : vector<256xf32>
    %reduce_max3A_379 = vector.multi_reduction <maximumf>, %select_n3A_377, %reduce_max3A_378 [1] : vector<256x1024xf32> to vector<256xf32>
    %broadcast_in_dim3A_380 = vector.shape_cast %reduce_max3A_379 : vector<256xf32> to vector<256x1xf32>
    %bitcast_convert_type3A_381 = tpu.bitcast %broadcast_in_dim3A_380 : vector<256x1xf32> -> vector<256x1xi32>
    %eq3A_382 = arith.constant 15 : i32
    %eq3A_383 = vector.broadcast %eq3A_382 : i32 to vector<256x16xi32>
    %eq3A_384 = arith.cmpi eq, %iota3A_62, %eq3A_383 : vector<256x16xi32>
    %and3A_385 = arith.constant 1023 : i32
    %and3A_386 = vector.broadcast %and3A_385 : i32 to vector<256x1xi32>
    %and3A_387 = arith.andi %bitcast_convert_type3A_381, %and3A_386 : vector<256x1xi32>
    %sub3A_388 = arith.constant 1023 : i32
    %sub3A_389 = vector.broadcast %sub3A_388 : i32 to vector<256x1xi32>
    %sub3A_390 = arith.subi %sub3A_389, %and3A_387 : vector<256x1xi32>
    %broadcast_in_dim3A_391 = vector.shape_cast %sub3A_390 : vector<256x1xi32> to vector<256x1xi32>
    %broadcast_in_dim3A_392 = vector.broadcast %broadcast_in_dim3A_391 : vector<256x1xi32> to vector<256x16xi32>
    %select_n3A_393 = arith.select %eq3A_384, %broadcast_in_dim3A_392, %select_n3A_372 : vector<256x16xi1>, vector<256x16xi32>
    %mul3A_394 = arith.constant 1024 : i32
    %mul3A_395 = arith.muli %arg0, %mul3A_394 : i32
    %add3A_396 = vector.broadcast %mul3A_395 : i32 to vector<256x16xi32>
    %add3A_397 = arith.addi %select_n3A_393, %add3A_396 : vector<256x16xi32>
    %swap3A = arith.constant 0 : index
    %swap3A_398 = arith.constant 0 : index
    %swap3A_399 = vector.load %arg4[%swap3A, %swap3A_398] : memref<256x16xi32, #tpu.memory_space<vmem>>, vector<256x16xi32>
    tpu.vector_store %arg4[%swap3A, %swap3A_398], %add3A_397 {strides = array<i32>} : memref<256x16xi32, #tpu.memory_space<vmem>>, vector<256x16xi32>,
    return
  }
  func.func @transform_0(%arg0: i32, %arg1: i32) -> (i32, i32, i32) {
    %c0_i32 = arith.constant 0 : i32
    %c0_i32_0 = arith.constant 0 : i32
    return %arg0, %arg1, %c0_i32 : i32, i32, i32
  }
  func.func @transform_1(%arg0: i32, %arg1: i32) -> (i32, i32, i32) {
    %c0_i32 = arith.constant 0 : i32
    %c0_i32_0 = arith.constant 0 : i32
    %c0_i32_1 = arith.constant 0 : i32
    return %arg0, %c0_i32, %c0_i32_0 : i32, i32, i32
  }
  func.func @transform_2(%arg0: i32, %arg1: i32) -> (i32, i32) {
    %mul3A = arith.constant 4 : i32
    %mul3A_0 = arith.muli %arg0, %mul3A : i32
    %add3A = arith.addi %mul3A_0, %arg1 : i32
    %c0_i32 = arith.constant 0 : i32
    %c0_i32_1 = arith.constant 0 : i32
    return %add3A, %c0_i32 : i32, i32
  }
}

module attributes {stable_mosaic.version = 14 : i64} {
  func.func @_prep_kernel(%arg0: i32, %arg1: memref<1x1024x128xf32, #tpu.memory_space<vmem>>, %arg2: memref<128x128xf32, #tpu.memory_space<vmem>>, %arg3: memref<128x128xf32, #tpu.memory_space<vmem>>, %arg4: memref<128x256xf32, #tpu.memory_space<vmem>>, %arg5: memref<1x256xf32, #tpu.memory_space<vmem>>, %arg6: memref<1x256xf32, #tpu.memory_space<vmem>>, %arg7: memref<1024x128xf32, #tpu.memory_space<vmem>>, %arg8: memref<1024x128xf32, #tpu.memory_space<vmem>>, %arg9: memref<1x1024x256xf32, #tpu.memory_space<vmem>>, %arg10: memref<8x256xf32, #tpu.memory_space<vmem>>) attributes {dimension_semantics = [#tpu.dimension_semantics<arbitrary>], iteration_bounds = array<i64: 8>, scalar_prefetch = 0 : i64, scratch_operands = 0 : i64, tpu.core_type = #tpu.core_type<tc>, window_params = [{transform_indices = @transform_0, window_bounds = array<i64: 1, 1024, 128>}, {pipeline_mode = #tpu.pipeline_mode<synchronous>, transform_indices = @transform_1, window_bounds = array<i64: 128, 128>}, {pipeline_mode = #tpu.pipeline_mode<synchronous>, transform_indices = @transform_2, window_bounds = array<i64: 128, 128>}, {pipeline_mode = #tpu.pipeline_mode<synchronous>, transform_indices = @transform_3, window_bounds = array<i64: 128, 256>}, {pipeline_mode = #tpu.pipeline_mode<synchronous>, transform_indices = @transform_4, window_bounds = array<i64: 1, 256>}, {pipeline_mode = #tpu.pipeline_mode<synchronous>, transform_indices = @transform_5, window_bounds = array<i64: 1, 256>}, {transform_indices = @transform_6, window_bounds = array<i64: 1024, 128>}, {transform_indices = @transform_7, window_bounds = array<i64: 1024, 128>}, {transform_indices = @transform_8, window_bounds = array<i64: 1, 1024, 256>}, {pipeline_mode = #tpu.pipeline_mode<synchronous>, transform_indices = @transform_9, window_bounds = array<i64: 8, 256>}]} {
    %get3A = arith.constant 0 : index
    %get3A_0 = arith.constant 0 : index
    %get3A_1 = arith.constant 0 : index
    %get3A_2 = vector.load %arg1[%get3A, %get3A_0, %get3A_1] : memref<1x1024x128xf32, #tpu.memory_space<vmem>>, vector<1x1024x128xf32>
    %get3A_3 = vector.shape_cast %get3A_2 : vector<1x1024x128xf32> to vector<1024x128xf32>
    %get3A_4 = arith.constant 0 : index
    %get3A_5 = arith.constant 0 : index
    %get3A_6 = vector.load %arg2[%get3A_4, %get3A_5] : memref<128x128xf32, #tpu.memory_space<vmem>>, vector<128x128xf32>
    %dot_general3A = arith.constant dense<0.000000e+00> : vector<1024x128xf32>
    %dot_general3A_7 = tpu.matmul %get3A_3, %get3A_6, %dot_general3A {dimension_numbers = #tpu.dot_dimension_numbers<[1], [0], [0], [1], [0, 0, 1, 1], [], []>, transpose_lhs_hint = false} : vector<1024x128xf32>, vector<128x128xf32>, vector<1024x128xf32> -> vector<1024x128xf32>
    %swap3A = arith.constant 0 : index
    %swap3A_8 = arith.constant 0 : index
    %swap3A_9 = vector.load %arg7[%swap3A, %swap3A_8] : memref<1024x128xf32, #tpu.memory_space<vmem>>, vector<1024x128xf32>
    tpu.vector_store %arg7[%swap3A, %swap3A_8], %dot_general3A_7 {strides = array<i32>} : memref<1024x128xf32, #tpu.memory_space<vmem>>, vector<1024x128xf32>,
    %get3A_10 = arith.constant 0 : index
    %get3A_11 = arith.constant 0 : index
    %get3A_12 = vector.load %arg3[%get3A_10, %get3A_11] : memref<128x128xf32, #tpu.memory_space<vmem>>, vector<128x128xf32>
    %dot_general3A_13 = arith.constant dense<0.000000e+00> : vector<1024x128xf32>
    %dot_general3A_14 = tpu.matmul %get3A_3, %get3A_12, %dot_general3A_13 {dimension_numbers = #tpu.dot_dimension_numbers<[1], [0], [0], [1], [0, 0, 1, 1], [], []>, transpose_lhs_hint = false} : vector<1024x128xf32>, vector<128x128xf32>, vector<1024x128xf32> -> vector<1024x128xf32>
    %swap3A_15 = arith.constant 0 : index
    %swap3A_16 = arith.constant 0 : index
    %swap3A_17 = vector.load %arg8[%swap3A_15, %swap3A_16] : memref<1024x128xf32, #tpu.memory_space<vmem>>, vector<1024x128xf32>
    tpu.vector_store %arg8[%swap3A_15, %swap3A_16], %dot_general3A_14 {strides = array<i32>} : memref<1024x128xf32, #tpu.memory_space<vmem>>, vector<1024x128xf32>,
    %get3A_18 = arith.constant 0 : index
    %get3A_19 = arith.constant 0 : index
    %get3A_20 = vector.load %arg4[%get3A_18, %get3A_19] : memref<128x256xf32, #tpu.memory_space<vmem>>, vector<128x256xf32>
    %dot_general3A_21 = arith.constant dense<0.000000e+00> : vector<1024x256xf32>
    %dot_general3A_22 = tpu.matmul %get3A_3, %get3A_20, %dot_general3A_21 {dimension_numbers = #tpu.dot_dimension_numbers<[1], [0], [0], [1], [0, 0, 1, 1], [], []>, transpose_lhs_hint = false} : vector<1024x128xf32>, vector<128x256xf32>, vector<1024x256xf32> -> vector<1024x256xf32>
    %swap3A_23 = arith.constant 0 : index
    %swap3A_24 = arith.constant 0 : index
    %swap3A_25 = arith.constant 0 : index
    %swap3A_26 = vector.load %arg9[%swap3A_23, %swap3A_24, %swap3A_25] : memref<1x1024x256xf32, #tpu.memory_space<vmem>>, vector<1x1024x256xf32>
    %swap3A_27 = vector.shape_cast %swap3A_26 : vector<1x1024x256xf32> to vector<1024x256xf32>
    %swap3A_28 = vector.shape_cast %dot_general3A_22 : vector<1024x256xf32> to vector<1x1024x256xf32>
    tpu.vector_store %arg9[%swap3A_23, %swap3A_24, %swap3A_25], %swap3A_28 {strides = array<i32>} : memref<1x1024x256xf32, #tpu.memory_space<vmem>>, vector<1x1024x256xf32>,
    %eq3A = arith.constant 0 : i32
    %eq3A_29 = arith.cmpi eq, %arg0, %eq3A : i32
    %convert_element_type3A = arith.extui %eq3A_29 : i1 to i32
    %cond3A = arith.constant 0 : i32
    %cond3A_30 = arith.cmpi ne, %convert_element_type3A, %cond3A : i32
    scf.if %cond3A_30 {
      %broadcast_in_dim3A_61 = arith.constant 0.000000e+00 : f32
      %broadcast_in_dim3A_62 = vector.broadcast %broadcast_in_dim3A_61 : f32 to vector<8x256xf32>
      %swap3A_63 = arith.constant 0 : index
      %swap3A_64 = arith.constant 0 : index
      %swap3A_65 = vector.load %arg10[%swap3A_63, %swap3A_64] : memref<8x256xf32, #tpu.memory_space<vmem>>, vector<8x256xf32>
      tpu.vector_store %arg10[%swap3A_63, %swap3A_64], %broadcast_in_dim3A_62 {strides = array<i32>} : memref<8x256xf32, #tpu.memory_space<vmem>>, vector<8x256xf32>,
    } else {
    }
    %reduce_sum3A = arith.constant dense<0.000000e+00> : vector<256xf32>
    %reduce_sum3A_31 = vector.multi_reduction <add>, %dot_general3A_22, %reduce_sum3A [0] : vector<1024x256xf32> to vector<256xf32>
    %broadcast_in_dim3A = vector.shape_cast %reduce_sum3A_31 : vector<256xf32> to vector<1x256xf32>
    %mul3A = arith.mulf %dot_general3A_22, %dot_general3A_22 : vector<1024x256xf32>
    %reduce_sum3A_32 = arith.constant dense<0.000000e+00> : vector<256xf32>
    %reduce_sum3A_33 = vector.multi_reduction <add>, %mul3A, %reduce_sum3A_32 [0] : vector<1024x256xf32> to vector<256xf32>
    %broadcast_in_dim3A_34 = vector.shape_cast %reduce_sum3A_33 : vector<256xf32> to vector<1x256xf32>
    %iota3A = tpu.iota {dimensions = array<i32: 0>} : vector<8x256xi32>
    %get3A_35 = arith.constant 0 : index
    %get3A_36 = arith.constant 0 : index
    %get3A_37 = vector.load %arg10[%get3A_35, %get3A_36] : memref<8x256xf32, #tpu.memory_space<vmem>>, vector<8x256xf32>
    %eq3A_38 = arith.constant 0 : i32
    %eq3A_39 = vector.broadcast %eq3A_38 : i32 to vector<8x256xi32>
    %eq3A_40 = arith.cmpi eq, %iota3A, %eq3A_39 : vector<8x256xi32>
    %jit3A = arith.constant 0.000000e+00 : f32
    %broadcast_in_dim3A_41 = vector.shape_cast %broadcast_in_dim3A : vector<1x256xf32> to vector<1x256xf32>
    %broadcast_in_dim3A_42 = vector.broadcast %broadcast_in_dim3A_41 : vector<1x256xf32> to vector<8x256xf32>
    %broadcast_in_dim3A_43 = vector.broadcast %jit3A : f32 to vector<8x256xf32>
    %select_n3A = arith.select %eq3A_40, %broadcast_in_dim3A_42, %broadcast_in_dim3A_43 : vector<8x256xi1>, vector<8x256xf32>
    %eq3A_44 = arith.constant 1 : i32
    %eq3A_45 = vector.broadcast %eq3A_44 : i32 to vector<8x256xi32>
    %eq3A_46 = arith.cmpi eq, %iota3A, %eq3A_45 : vector<8x256xi32>
    %jit3A_47 = arith.constant 0.000000e+00 : f32
    %broadcast_in_dim3A_48 = vector.shape_cast %broadcast_in_dim3A_34 : vector<1x256xf32> to vector<1x256xf32>
    %broadcast_in_dim3A_49 = vector.broadcast %broadcast_in_dim3A_48 : vector<1x256xf32> to vector<8x256xf32>
    %broadcast_in_dim3A_50 = vector.broadcast %jit3A_47 : f32 to vector<8x256xf32>
    %select_n3A_51 = arith.select %eq3A_46, %broadcast_in_dim3A_49, %broadcast_in_dim3A_50 : vector<8x256xi1>, vector<8x256xf32>
    %add3A = arith.addf %select_n3A, %select_n3A_51 : vector<8x256xf32>
    %add3A_52 = arith.addf %get3A_37, %add3A : vector<8x256xf32>
    %swap3A_53 = arith.constant 0 : index
    %swap3A_54 = arith.constant 0 : index
    %swap3A_55 = vector.load %arg10[%swap3A_53, %swap3A_54] : memref<8x256xf32, #tpu.memory_space<vmem>>, vector<8x256xf32>
    tpu.vector_store %arg10[%swap3A_53, %swap3A_54], %add3A_52 {strides = array<i32>} : memref<8x256xf32, #tpu.memory_space<vmem>>, vector<8x256xf32>,
    %eq3A_56 = arith.constant 7 : i32
    %eq3A_57 = arith.cmpi eq, %arg0, %eq3A_56 : i32
    %convert_element_type3A_58 = arith.extui %eq3A_57 : i1 to i32
    %cond3A_59 = arith.constant 0 : i32
    %cond3A_60 = arith.cmpi ne, %convert_element_type3A_58, %cond3A_59 : i32
    scf.if %cond3A_60 {
      %get3A_61 = arith.constant 0 : index
      %get3A_62 = arith.constant 0 : index
      %get3A_63 = vector.load %arg10[%get3A_61, %get3A_62] : memref<8x256xf32, #tpu.memory_space<vmem>>, vector<1x256xf32>
      %get3A_64 = arith.constant 1 : index
      %get3A_65 = arith.constant 0 : index
      %get3A_66 = vector.load %arg10[%get3A_64, %get3A_65] : memref<8x256xf32, #tpu.memory_space<vmem>>, vector<1x256xf32>
      %div3A = arith.constant 8.192000e+03 : f32
      %div3A_67 = vector.broadcast %div3A : f32 to vector<1x256xf32>
      %div3A_68 = arith.divf %get3A_63, %div3A_67 : vector<1x256xf32>
      %div3A_69 = arith.constant 8.192000e+03 : f32
      %div3A_70 = vector.broadcast %div3A_69 : f32 to vector<1x256xf32>
      %div3A_71 = arith.divf %get3A_66, %div3A_70 : vector<1x256xf32>
      %mul3A_72 = arith.mulf %div3A_68, %div3A_68 : vector<1x256xf32>
      %sub3A = arith.subf %div3A_71, %mul3A_72 : vector<1x256xf32>
      %get3A_73 = arith.constant 0 : index
      %get3A_74 = arith.constant 0 : index
      %get3A_75 = vector.load %arg5[%get3A_73, %get3A_74] : memref<1x256xf32, #tpu.memory_space<vmem>>, vector<1x256xf32>
      %add3A_76 = arith.constant 9.99999974E-6 : f32
      %add3A_77 = vector.broadcast %add3A_76 : f32 to vector<1x256xf32>
      %add3A_78 = arith.addf %sub3A, %add3A_77 : vector<1x256xf32>
      %rsqrt3A = math.rsqrt %add3A_78 : vector<1x256xf32>
      %mul3A_79 = arith.mulf %get3A_75, %rsqrt3A : vector<1x256xf32>
      %get3A_80 = arith.constant 0 : index
      %get3A_81 = arith.constant 0 : index
      %get3A_82 = vector.load %arg6[%get3A_80, %get3A_81] : memref<1x256xf32, #tpu.memory_space<vmem>>, vector<1x256xf32>
      %mul3A_83 = arith.mulf %mul3A_79, %div3A_68 : vector<1x256xf32>
      %sub3A_84 = arith.subf %get3A_82, %mul3A_83 : vector<1x256xf32>
      %iota3A_85 = tpu.iota {dimensions = array<i32: 0>} : vector<8x256xi32>
      %eq3A_86 = arith.constant 4 : i32
      %eq3A_87 = vector.broadcast %eq3A_86 : i32 to vector<8x256xi32>
      %eq3A_88 = arith.cmpi eq, %iota3A_85, %eq3A_87 : vector<8x256xi32>
      %eq3A_89 = arith.constant 5 : i32
      %eq3A_90 = vector.broadcast %eq3A_89 : i32 to vector<8x256xi32>
      %eq3A_91 = arith.cmpi eq, %iota3A_85, %eq3A_90 : vector<8x256xi32>
      %get3A_92 = arith.constant 0 : index
      %get3A_93 = arith.constant 0 : index
      %get3A_94 = vector.load %arg10[%get3A_92, %get3A_93] : memref<8x256xf32, #tpu.memory_space<vmem>>, vector<8x256xf32>
      %broadcast_in_dim3A_95 = vector.shape_cast %sub3A_84 : vector<1x256xf32> to vector<1x256xf32>
      %broadcast_in_dim3A_96 = vector.broadcast %broadcast_in_dim3A_95 : vector<1x256xf32> to vector<8x256xf32>
      %select_n3A_97 = arith.select %eq3A_91, %broadcast_in_dim3A_96, %get3A_94 : vector<8x256xi1>, vector<8x256xf32>
      %broadcast_in_dim3A_98 = vector.shape_cast %mul3A_79 : vector<1x256xf32> to vector<1x256xf32>
      %broadcast_in_dim3A_99 = vector.broadcast %broadcast_in_dim3A_98 : vector<1x256xf32> to vector<8x256xf32>
      %select_n3A_100 = arith.select %eq3A_88, %broadcast_in_dim3A_99, %select_n3A_97 : vector<8x256xi1>, vector<8x256xf32>
      %swap3A_101 = arith.constant 0 : index
      %swap3A_102 = arith.constant 0 : index
      %swap3A_103 = vector.load %arg10[%swap3A_101, %swap3A_102] : memref<8x256xf32, #tpu.memory_space<vmem>>, vector<8x256xf32>
      tpu.vector_store %arg10[%swap3A_101, %swap3A_102], %select_n3A_100 {strides = array<i32>} : memref<8x256xf32, #tpu.memory_space<vmem>>, vector<8x256xf32>,
    } else {
    }
    return
  }
  func.func @transform_0(%arg0: i32) -> (i32, i32, i32) {
    %c0_i32 = arith.constant 0 : i32
    %c0_i32_0 = arith.constant 0 : i32
    %c0_i32_1 = arith.constant 0 : i32
    return %arg0, %c0_i32, %c0_i32_0 : i32, i32, i32
  }
  func.func @transform_1(%arg0: i32) -> (i32, i32) {
    %c0_i32 = arith.constant 0 : i32
    %c0_i32_0 = arith.constant 0 : i32
    %c0_i32_1 = arith.constant 0 : i32
    return %c0_i32, %c0_i32_0 : i32, i32
  }
  func.func @transform_2(%arg0: i32) -> (i32, i32) {
    %c0_i32 = arith.constant 0 : i32
    %c0_i32_0 = arith.constant 0 : i32
    %c0_i32_1 = arith.constant 0 : i32
    return %c0_i32, %c0_i32_0 : i32, i32
  }
  func.func @transform_3(%arg0: i32) -> (i32, i32) {
    %c0_i32 = arith.constant 0 : i32
    %c0_i32_0 = arith.constant 0 : i32
    %c0_i32_1 = arith.constant 0 : i32
    return %c0_i32, %c0_i32_0 : i32, i32
  }
  func.func @transform_4(%arg0: i32) -> (i32, i32) {
    %c0_i32 = arith.constant 0 : i32
    %c0_i32_0 = arith.constant 0 : i32
    %c0_i32_1 = arith.constant 0 : i32
    return %c0_i32, %c0_i32_0 : i32, i32
  }
  func.func @transform_5(%arg0: i32) -> (i32, i32) {
    %c0_i32 = arith.constant 0 : i32
    %c0_i32_0 = arith.constant 0 : i32
    %c0_i32_1 = arith.constant 0 : i32
    return %c0_i32, %c0_i32_0 : i32, i32
  }
  func.func @transform_6(%arg0: i32) -> (i32, i32) {
    %c0_i32 = arith.constant 0 : i32
    %c0_i32_0 = arith.constant 0 : i32
    return %arg0, %c0_i32 : i32, i32
  }
  func.func @transform_7(%arg0: i32) -> (i32, i32) {
    %c0_i32 = arith.constant 0 : i32
    %c0_i32_0 = arith.constant 0 : i32
    return %arg0, %c0_i32 : i32, i32
  }
  func.func @transform_8(%arg0: i32) -> (i32, i32, i32) {
    %c0_i32 = arith.constant 0 : i32
    %c0_i32_0 = arith.constant 0 : i32
    %c0_i32_1 = arith.constant 0 : i32
    return %arg0, %c0_i32, %c0_i32_0 : i32, i32, i32
  }
  func.func @transform_9(%arg0: i32) -> (i32, i32) {
    %c0_i32 = arith.constant 0 : i32
    %c0_i32_0 = arith.constant 0 : i32
    %c0_i32_1 = arith.constant 0 : i32
    return %c0_i32, %c0_i32_0 : i32, i32
  }
}

module attributes {stable_mosaic.version = 14 : i64} {
  func.func @_s0_kernel(%arg0: memref<64x128xf32, #tpu.memory_space<vmem>>, %arg1: memref<1x128xf32, #tpu.memory_space<vmem>>, %arg2: memref<1x128xf32, #tpu.memory_space<vmem>>, %arg3: memref<8x128xf32, #tpu.memory_space<vmem>>) attributes {dimension_semantics = [], scalar_prefetch = 0 : i64, scratch_operands = 0 : i64, tpu.core_type = #tpu.core_type<tc>} {
    %get3A = arith.constant 0 : index
    %get3A_0 = arith.constant 0 : index
    %get3A_1 = vector.load %arg0[%get3A, %get3A_0] : memref<64x128xf32, #tpu.memory_space<vmem>>, vector<64x128xf32>
    %reshape3A = vector.shape_cast %get3A_1 : vector<64x128xf32> to vector<32x2x128xf32>
    %slice3A = vector.extract_strided_slice %reshape3A {offsets = [0, 0, 0], sizes = [32, 1, 128], strides = [1, 1, 1]} : vector<32x2x128xf32> to vector<32x1x128xf32>
    %reduce_sum3A = arith.constant dense<0.000000e+00> : vector<1x128xf32>
    %reduce_sum3A_2 = vector.multi_reduction <add>, %slice3A, %reduce_sum3A [0] : vector<32x1x128xf32> to vector<1x128xf32>
    %slice3A_3 = vector.extract_strided_slice %reshape3A {offsets = [0, 1, 0], sizes = [32, 1, 128], strides = [1, 1, 1]} : vector<32x2x128xf32> to vector<32x1x128xf32>
    %reduce_sum3A_4 = arith.constant dense<0.000000e+00> : vector<1x128xf32>
    %reduce_sum3A_5 = vector.multi_reduction <add>, %slice3A_3, %reduce_sum3A_4 [0] : vector<32x1x128xf32> to vector<1x128xf32>
    %iota3A = tpu.iota {dimensions = array<i32: 0>} : vector<8x128xi32>
    %eq3A = arith.constant 0 : i32
    %eq3A_6 = vector.broadcast %eq3A : i32 to vector<8x128xi32>
    %eq3A_7 = arith.cmpi eq, %iota3A, %eq3A_6 : vector<8x128xi32>
    %eq3A_8 = arith.constant 1 : i32
    %eq3A_9 = vector.broadcast %eq3A_8 : i32 to vector<8x128xi32>
    %eq3A_10 = arith.cmpi eq, %iota3A, %eq3A_9 : vector<8x128xi32>
    %jit3A = arith.constant 0.000000e+00 : f32
    %broadcast_in_dim3A = vector.shape_cast %reduce_sum3A_5 : vector<1x128xf32> to vector<1x128xf32>
    %broadcast_in_dim3A_11 = vector.broadcast %broadcast_in_dim3A : vector<1x128xf32> to vector<8x128xf32>
    %broadcast_in_dim3A_12 = vector.broadcast %jit3A : f32 to vector<8x128xf32>
    %select_n3A = arith.select %eq3A_10, %broadcast_in_dim3A_11, %broadcast_in_dim3A_12 : vector<8x128xi1>, vector<8x128xf32>
    %broadcast_in_dim3A_13 = vector.shape_cast %reduce_sum3A_2 : vector<1x128xf32> to vector<1x128xf32>
    %broadcast_in_dim3A_14 = vector.broadcast %broadcast_in_dim3A_13 : vector<1x128xf32> to vector<8x128xf32>
    %select_n3A_15 = arith.select %eq3A_7, %broadcast_in_dim3A_14, %select_n3A : vector<8x128xi1>, vector<8x128xf32>
    %swap3A = arith.constant 0 : index
    %swap3A_16 = arith.constant 0 : index
    %swap3A_17 = vector.load %arg3[%swap3A, %swap3A_16] : memref<8x128xf32, #tpu.memory_space<vmem>>, vector<8x128xf32>
    tpu.vector_store %arg3[%swap3A, %swap3A_16], %select_n3A_15 {strides = array<i32>} : memref<8x128xf32, #tpu.memory_space<vmem>>, vector<8x128xf32>,
    %get3A_18 = arith.constant 0 : index
    %get3A_19 = arith.constant 0 : index
    %get3A_20 = vector.load %arg3[%get3A_18, %get3A_19] : memref<8x128xf32, #tpu.memory_space<vmem>>, vector<1x128xf32>
    %get3A_21 = arith.constant 1 : index
    %get3A_22 = arith.constant 0 : index
    %get3A_23 = vector.load %arg3[%get3A_21, %get3A_22] : memref<8x128xf32, #tpu.memory_space<vmem>>, vector<1x128xf32>
    %div3A = arith.constant 1.310720e+05 : f32
    %div3A_24 = vector.broadcast %div3A : f32 to vector<1x128xf32>
    %div3A_25 = arith.divf %get3A_20, %div3A_24 : vector<1x128xf32>
    %div3A_26 = arith.constant 1.310720e+05 : f32
    %div3A_27 = vector.broadcast %div3A_26 : f32 to vector<1x128xf32>
    %div3A_28 = arith.divf %get3A_23, %div3A_27 : vector<1x128xf32>
    %mul3A = arith.mulf %div3A_25, %div3A_25 : vector<1x128xf32>
    %sub3A = arith.subf %div3A_28, %mul3A : vector<1x128xf32>
    %get3A_29 = arith.constant 0 : index
    %get3A_30 = arith.constant 0 : index
    %get3A_31 = vector.load %arg1[%get3A_29, %get3A_30] : memref<1x128xf32, #tpu.memory_space<vmem>>, vector<1x128xf32>
    %add3A = arith.constant 9.99999974E-6 : f32
    %add3A_32 = vector.broadcast %add3A : f32 to vector<1x128xf32>
    %add3A_33 = arith.addf %sub3A, %add3A_32 : vector<1x128xf32>
    %rsqrt3A = math.rsqrt %add3A_33 : vector<1x128xf32>
    %mul3A_34 = arith.mulf %get3A_31, %rsqrt3A : vector<1x128xf32>
    %get3A_35 = arith.constant 0 : index
    %get3A_36 = arith.constant 0 : index
    %get3A_37 = vector.load %arg2[%get3A_35, %get3A_36] : memref<1x128xf32, #tpu.memory_space<vmem>>, vector<1x128xf32>
    %mul3A_38 = arith.mulf %mul3A_34, %div3A_25 : vector<1x128xf32>
    %sub3A_39 = arith.subf %get3A_37, %mul3A_38 : vector<1x128xf32>
    %iota3A_40 = tpu.iota {dimensions = array<i32: 0>} : vector<8x128xi32>
    %eq3A_41 = arith.constant 4 : i32
    %eq3A_42 = vector.broadcast %eq3A_41 : i32 to vector<8x128xi32>
    %eq3A_43 = arith.cmpi eq, %iota3A_40, %eq3A_42 : vector<8x128xi32>
    %eq3A_44 = arith.constant 5 : i32
    %eq3A_45 = vector.broadcast %eq3A_44 : i32 to vector<8x128xi32>
    %eq3A_46 = arith.cmpi eq, %iota3A_40, %eq3A_45 : vector<8x128xi32>
    %get3A_47 = arith.constant 0 : index
    %get3A_48 = arith.constant 0 : index
    %get3A_49 = vector.load %arg3[%get3A_47, %get3A_48] : memref<8x128xf32, #tpu.memory_space<vmem>>, vector<8x128xf32>
    %broadcast_in_dim3A_50 = vector.shape_cast %sub3A_39 : vector<1x128xf32> to vector<1x128xf32>
    %broadcast_in_dim3A_51 = vector.broadcast %broadcast_in_dim3A_50 : vector<1x128xf32> to vector<8x128xf32>
    %select_n3A_52 = arith.select %eq3A_46, %broadcast_in_dim3A_51, %get3A_49 : vector<8x128xi1>, vector<8x128xf32>
    %broadcast_in_dim3A_53 = vector.shape_cast %mul3A_34 : vector<1x128xf32> to vector<1x128xf32>
    %broadcast_in_dim3A_54 = vector.broadcast %broadcast_in_dim3A_53 : vector<1x128xf32> to vector<8x128xf32>
    %select_n3A_55 = arith.select %eq3A_43, %broadcast_in_dim3A_54, %select_n3A_52 : vector<8x128xi1>, vector<8x128xf32>
    %swap3A_56 = arith.constant 0 : index
    %swap3A_57 = arith.constant 0 : index
    %swap3A_58 = vector.load %arg3[%swap3A_56, %swap3A_57] : memref<8x128xf32, #tpu.memory_space<vmem>>, vector<8x128xf32>
    tpu.vector_store %arg3[%swap3A_56, %swap3A_57], %select_n3A_55 {strides = array<i32>} : memref<8x128xf32, #tpu.memory_space<vmem>>, vector<8x128xf32>,
    return
  }
}

module attributes {stable_mosaic.version = 14 : i64} {
  func.func @_m_kernel(%arg0: i32, %arg1: memref<4096x128xf32, #tpu.memory_space<vmem>>, %arg2: memref<256x128xf32, #tpu.memory_space<vmem>>, %arg3: memref<8x128xf32, #tpu.memory_space<vmem>>, %arg4: memref<128x128xf32, #tpu.memory_space<vmem>>, %arg5: memref<1x128xf32, #tpu.memory_space<vmem>>, %arg6: memref<1x128xf32, #tpu.memory_space<vmem>>, %arg7: memref<4096x128xbf16, #tpu.memory_space<vmem>>, %arg8: memref<8x128xf32, #tpu.memory_space<vmem>>) attributes {dimension_semantics = [#tpu.dimension_semantics<arbitrary>], iteration_bounds = array<i64: 32>, scalar_prefetch = 0 : i64, scratch_operands = 0 : i64, tpu.core_type = #tpu.core_type<tc>, window_params = [{transform_indices = @transform_0, window_bounds = array<i64: 4096, 128>}, {transform_indices = @transform_1, window_bounds = array<i64: 256, 128>}, {pipeline_mode = #tpu.pipeline_mode<synchronous>, transform_indices = @transform_2, window_bounds = array<i64: 8, 128>}, {pipeline_mode = #tpu.pipeline_mode<synchronous>, transform_indices = @transform_3, window_bounds = array<i64: 128, 128>}, {pipeline_mode = #tpu.pipeline_mode<synchronous>, transform_indices = @transform_4, window_bounds = array<i64: 1, 128>}, {pipeline_mode = #tpu.pipeline_mode<synchronous>, transform_indices = @transform_5, window_bounds = array<i64: 1, 128>}, {transform_indices = @transform_6, window_bounds = array<i64: 4096, 128>}, {pipeline_mode = #tpu.pipeline_mode<synchronous>, transform_indices = @transform_7, window_bounds = array<i64: 8, 128>}]} {
    %get3A = arith.constant 0 : index
    %get3A_0 = arith.constant 0 : index
    %get3A_1 = vector.load %arg1[%get3A, %get3A_0] : memref<4096x128xf32, #tpu.memory_space<vmem>>, vector<4096x128xf32>
    %reshape3A = vector.shape_cast %get3A_1 : vector<4096x128xf32> to vector<256x16x128xf32>
    %get3A_2 = arith.constant 0 : index
    %get3A_3 = arith.constant 0 : index
    %get3A_4 = vector.load %arg2[%get3A_2, %get3A_3] : memref<256x128xf32, #tpu.memory_space<vmem>>, vector<256x128xf32>
    %broadcast_in_dim3A = vector.shape_cast %get3A_4 : vector<256x128xf32> to vector<256x1x128xf32>
    %add3A = vector.broadcast %broadcast_in_dim3A : vector<256x1x128xf32> to vector<256x16x128xf32>
    %add3A_5 = arith.addf %reshape3A, %add3A : vector<256x16x128xf32>
    %get3A_6 = arith.constant 4 : index
    %get3A_7 = arith.constant 0 : index
    %get3A_8 = vector.load %arg3[%get3A_6, %get3A_7] : memref<8x128xf32, #tpu.memory_space<vmem>>, vector<1x128xf32>
    %reshape3A_9 = vector.shape_cast %get3A_8 : vector<1x128xf32> to vector<1x1x128xf32>
    %get3A_10 = arith.constant 5 : index
    %get3A_11 = arith.constant 0 : index
    %get3A_12 = vector.load %arg3[%get3A_10, %get3A_11] : memref<8x128xf32, #tpu.memory_space<vmem>>, vector<1x128xf32>
    %reshape3A_13 = vector.shape_cast %get3A_12 : vector<1x128xf32> to vector<1x1x128xf32>
    %mul3A = vector.broadcast %reshape3A_9 : vector<1x1x128xf32> to vector<256x16x128xf32>
    %mul3A_14 = arith.mulf %add3A_5, %mul3A : vector<256x16x128xf32>
    %add3A_15 = vector.broadcast %reshape3A_13 : vector<1x1x128xf32> to vector<256x16x128xf32>
    %add3A_16 = arith.addf %mul3A_14, %add3A_15 : vector<256x16x128xf32>
    %max3A = arith.constant 0.000000e+00 : f32
    %max3A_17 = vector.broadcast %max3A : f32 to vector<256x16x128xf32>
    %max3A_18 = arith.maximumf %add3A_16, %max3A_17 : vector<256x16x128xf32>
    %reshape3A_19 = vector.shape_cast %max3A_18 : vector<256x16x128xf32> to vector<4096x128xf32>
    %get3A_20 = arith.constant 0 : index
    %get3A_21 = arith.constant 0 : index
    %get3A_22 = vector.load %arg4[%get3A_20, %get3A_21] : memref<128x128xf32, #tpu.memory_space<vmem>>, vector<128x128xf32>
    %dot_general3A = arith.constant dense<0.000000e+00> : vector<4096x128xf32>
    %dot_general3A_23 = tpu.matmul %reshape3A_19, %get3A_22, %dot_general3A {dimension_numbers = #tpu.dot_dimension_numbers<[1], [0], [0], [1], [0, 0, 1, 1], [], []>, transpose_lhs_hint = false} : vector<4096x128xf32>, vector<128x128xf32>, vector<4096x128xf32> -> vector<4096x128xf32>
    %convert_element_type3A = arith.truncf %dot_general3A_23 : vector<4096x128xf32> to vector<4096x128xbf16>
    %swap3A = arith.constant 0 : index
    %swap3A_24 = arith.constant 0 : index
    %swap3A_25 = vector.load %arg7[%swap3A, %swap3A_24] : memref<4096x128xbf16, #tpu.memory_space<vmem>>, vector<4096x128xbf16>
    tpu.vector_store %arg7[%swap3A, %swap3A_24], %convert_element_type3A {strides = array<i32>} : memref<4096x128xbf16, #tpu.memory_space<vmem>>, vector<4096x128xbf16>,
    %eq3A = arith.constant 0 : i32
    %eq3A_26 = arith.cmpi eq, %arg0, %eq3A : i32
    %convert_element_type3A_27 = arith.extui %eq3A_26 : i1 to i32
    %cond3A = arith.constant 0 : i32
    %cond3A_28 = arith.cmpi ne, %convert_element_type3A_27, %cond3A : i32
    scf.if %cond3A_28 {
      %broadcast_in_dim3A_62 = arith.constant 0.000000e+00 : f32
      %broadcast_in_dim3A_63 = vector.broadcast %broadcast_in_dim3A_62 : f32 to vector<8x128xf32>
      %swap3A_64 = arith.constant 0 : index
      %swap3A_65 = arith.constant 0 : index
      %swap3A_66 = vector.load %arg8[%swap3A_64, %swap3A_65] : memref<8x128xf32, #tpu.memory_space<vmem>>, vector<8x128xf32>
      tpu.vector_store %arg8[%swap3A_64, %swap3A_65], %broadcast_in_dim3A_63 {strides = array<i32>} : memref<8x128xf32, #tpu.memory_space<vmem>>, vector<8x128xf32>,
    } else {
    }
    %reduce_sum3A = arith.constant dense<0.000000e+00> : vector<128xf32>
    %reduce_sum3A_29 = vector.multi_reduction <add>, %dot_general3A_23, %reduce_sum3A [0] : vector<4096x128xf32> to vector<128xf32>
    %broadcast_in_dim3A_30 = vector.shape_cast %reduce_sum3A_29 : vector<128xf32> to vector<1x128xf32>
    %mul3A_31 = arith.mulf %dot_general3A_23, %dot_general3A_23 : vector<4096x128xf32>
    %reduce_sum3A_32 = arith.constant dense<0.000000e+00> : vector<128xf32>
    %reduce_sum3A_33 = vector.multi_reduction <add>, %mul3A_31, %reduce_sum3A_32 [0] : vector<4096x128xf32> to vector<128xf32>
    %broadcast_in_dim3A_34 = vector.shape_cast %reduce_sum3A_33 : vector<128xf32> to vector<1x128xf32>
    %iota3A = tpu.iota {dimensions = array<i32: 0>} : vector<8x128xi32>
    %get3A_35 = arith.constant 0 : index
    %get3A_36 = arith.constant 0 : index
    %get3A_37 = vector.load %arg8[%get3A_35, %get3A_36] : memref<8x128xf32, #tpu.memory_space<vmem>>, vector<8x128xf32>
    %eq3A_38 = arith.constant 0 : i32
    %eq3A_39 = vector.broadcast %eq3A_38 : i32 to vector<8x128xi32>
    %eq3A_40 = arith.cmpi eq, %iota3A, %eq3A_39 : vector<8x128xi32>
    %jit3A = arith.constant 0.000000e+00 : f32
    %broadcast_in_dim3A_41 = vector.shape_cast %broadcast_in_dim3A_30 : vector<1x128xf32> to vector<1x128xf32>
    %broadcast_in_dim3A_42 = vector.broadcast %broadcast_in_dim3A_41 : vector<1x128xf32> to vector<8x128xf32>
    %broadcast_in_dim3A_43 = vector.broadcast %jit3A : f32 to vector<8x128xf32>
    %select_n3A = arith.select %eq3A_40, %broadcast_in_dim3A_42, %broadcast_in_dim3A_43 : vector<8x128xi1>, vector<8x128xf32>
    %eq3A_44 = arith.constant 1 : i32
    %eq3A_45 = vector.broadcast %eq3A_44 : i32 to vector<8x128xi32>
    %eq3A_46 = arith.cmpi eq, %iota3A, %eq3A_45 : vector<8x128xi32>
    %jit3A_47 = arith.constant 0.000000e+00 : f32
    %broadcast_in_dim3A_48 = vector.shape_cast %broadcast_in_dim3A_34 : vector<1x128xf32> to vector<1x128xf32>
    %broadcast_in_dim3A_49 = vector.broadcast %broadcast_in_dim3A_48 : vector<1x128xf32> to vector<8x128xf32>
    %broadcast_in_dim3A_50 = vector.broadcast %jit3A_47 : f32 to vector<8x128xf32>
    %select_n3A_51 = arith.select %eq3A_46, %broadcast_in_dim3A_49, %broadcast_in_dim3A_50 : vector<8x128xi1>, vector<8x128xf32>
    %add3A_52 = arith.addf %select_n3A, %select_n3A_51 : vector<8x128xf32>
    %add3A_53 = arith.addf %get3A_37, %add3A_52 : vector<8x128xf32>
    %swap3A_54 = arith.constant 0 : index
    %swap3A_55 = arith.constant 0 : index
    %swap3A_56 = vector.load %arg8[%swap3A_54, %swap3A_55] : memref<8x128xf32, #tpu.memory_space<vmem>>, vector<8x128xf32>
    tpu.vector_store %arg8[%swap3A_54, %swap3A_55], %add3A_53 {strides = array<i32>} : memref<8x128xf32, #tpu.memory_space<vmem>>, vector<8x128xf32>,
    %eq3A_57 = arith.constant 31 : i32
    %eq3A_58 = arith.cmpi eq, %arg0, %eq3A_57 : i32
    %convert_element_type3A_59 = arith.extui %eq3A_58 : i1 to i32
    %cond3A_60 = arith.constant 0 : i32
    %cond3A_61 = arith.cmpi ne, %convert_element_type3A_59, %cond3A_60 : i32
    scf.if %cond3A_61 {
      %get3A_62 = arith.constant 0 : index
      %get3A_63 = arith.constant 0 : index
      %get3A_64 = vector.load %arg8[%get3A_62, %get3A_63] : memref<8x128xf32, #tpu.memory_space<vmem>>, vector<1x128xf32>
      %get3A_65 = arith.constant 1 : index
      %get3A_66 = arith.constant 0 : index
      %get3A_67 = vector.load %arg8[%get3A_65, %get3A_66] : memref<8x128xf32, #tpu.memory_space<vmem>>, vector<1x128xf32>
      %div3A = arith.constant 1.310720e+05 : f32
      %div3A_68 = vector.broadcast %div3A : f32 to vector<1x128xf32>
      %div3A_69 = arith.divf %get3A_64, %div3A_68 : vector<1x128xf32>
      %div3A_70 = arith.constant 1.310720e+05 : f32
      %div3A_71 = vector.broadcast %div3A_70 : f32 to vector<1x128xf32>
      %div3A_72 = arith.divf %get3A_67, %div3A_71 : vector<1x128xf32>
      %mul3A_73 = arith.mulf %div3A_69, %div3A_69 : vector<1x128xf32>
      %sub3A = arith.subf %div3A_72, %mul3A_73 : vector<1x128xf32>
      %get3A_74 = arith.constant 0 : index
      %get3A_75 = arith.constant 0 : index
      %get3A_76 = vector.load %arg5[%get3A_74, %get3A_75] : memref<1x128xf32, #tpu.memory_space<vmem>>, vector<1x128xf32>
      %add3A_77 = arith.constant 9.99999974E-6 : f32
      %add3A_78 = vector.broadcast %add3A_77 : f32 to vector<1x128xf32>
      %add3A_79 = arith.addf %sub3A, %add3A_78 : vector<1x128xf32>
      %rsqrt3A = math.rsqrt %add3A_79 : vector<1x128xf32>
      %mul3A_80 = arith.mulf %get3A_76, %rsqrt3A : vector<1x128xf32>
      %get3A_81 = arith.constant 0 : index
      %get3A_82 = arith.constant 0 : index
      %get3A_83 = vector.load %arg6[%get3A_81, %get3A_82] : memref<1x128xf32, #tpu.memory_space<vmem>>, vector<1x128xf32>
      %mul3A_84 = arith.mulf %mul3A_80, %div3A_69 : vector<1x128xf32>
      %sub3A_85 = arith.subf %get3A_83, %mul3A_84 : vector<1x128xf32>
      %iota3A_86 = tpu.iota {dimensions = array<i32: 0>} : vector<8x128xi32>
      %eq3A_87 = arith.constant 4 : i32
      %eq3A_88 = vector.broadcast %eq3A_87 : i32 to vector<8x128xi32>
      %eq3A_89 = arith.cmpi eq, %iota3A_86, %eq3A_88 : vector<8x128xi32>
      %eq3A_90 = arith.constant 5 : i32
      %eq3A_91 = vector.broadcast %eq3A_90 : i32 to vector<8x128xi32>
      %eq3A_92 = arith.cmpi eq, %iota3A_86, %eq3A_91 : vector<8x128xi32>
      %get3A_93 = arith.constant 0 : index
      %get3A_94 = arith.constant 0 : index
      %get3A_95 = vector.load %arg8[%get3A_93, %get3A_94] : memref<8x128xf32, #tpu.memory_space<vmem>>, vector<8x128xf32>
      %broadcast_in_dim3A_96 = vector.shape_cast %sub3A_85 : vector<1x128xf32> to vector<1x128xf32>
      %broadcast_in_dim3A_97 = vector.broadcast %broadcast_in_dim3A_96 : vector<1x128xf32> to vector<8x128xf32>
      %select_n3A_98 = arith.select %eq3A_92, %broadcast_in_dim3A_97, %get3A_95 : vector<8x128xi1>, vector<8x128xf32>
      %broadcast_in_dim3A_99 = vector.shape_cast %mul3A_80 : vector<1x128xf32> to vector<1x128xf32>
      %broadcast_in_dim3A_100 = vector.broadcast %broadcast_in_dim3A_99 : vector<1x128xf32> to vector<8x128xf32>
      %select_n3A_101 = arith.select %eq3A_89, %broadcast_in_dim3A_100, %select_n3A_98 : vector<8x128xi1>, vector<8x128xf32>
      %swap3A_102 = arith.constant 0 : index
      %swap3A_103 = arith.constant 0 : index
      %swap3A_104 = vector.load %arg8[%swap3A_102, %swap3A_103] : memref<8x128xf32, #tpu.memory_space<vmem>>, vector<8x128xf32>
      tpu.vector_store %arg8[%swap3A_102, %swap3A_103], %select_n3A_101 {strides = array<i32>} : memref<8x128xf32, #tpu.memory_space<vmem>>, vector<8x128xf32>,
    } else {
    }
    return
  }
  func.func @transform_0(%arg0: i32) -> (i32, i32) {
    %c0_i32 = arith.constant 0 : i32
    %c0_i32_0 = arith.constant 0 : i32
    return %arg0, %c0_i32 : i32, i32
  }
  func.func @transform_1(%arg0: i32) -> (i32, i32) {
    %c0_i32 = arith.constant 0 : i32
    %c0_i32_0 = arith.constant 0 : i32
    return %arg0, %c0_i32 : i32, i32
  }
  func.func @transform_2(%arg0: i32) -> (i32, i32) {
    %c0_i32 = arith.constant 0 : i32
    %c0_i32_0 = arith.constant 0 : i32
    %c0_i32_1 = arith.constant 0 : i32
    return %c0_i32, %c0_i32_0 : i32, i32
  }
  func.func @transform_3(%arg0: i32) -> (i32, i32) {
    %c0_i32 = arith.constant 0 : i32
    %c0_i32_0 = arith.constant 0 : i32
    %c0_i32_1 = arith.constant 0 : i32
    return %c0_i32, %c0_i32_0 : i32, i32
  }
  func.func @transform_4(%arg0: i32) -> (i32, i32) {
    %c0_i32 = arith.constant 0 : i32
    %c0_i32_0 = arith.constant 0 : i32
    %c0_i32_1 = arith.constant 0 : i32
    return %c0_i32, %c0_i32_0 : i32, i32
  }
  func.func @transform_5(%arg0: i32) -> (i32, i32) {
    %c0_i32 = arith.constant 0 : i32
    %c0_i32_0 = arith.constant 0 : i32
    %c0_i32_1 = arith.constant 0 : i32
    return %c0_i32, %c0_i32_0 : i32, i32
  }
  func.func @transform_6(%arg0: i32) -> (i32, i32) {
    %c0_i32 = arith.constant 0 : i32
    %c0_i32_0 = arith.constant 0 : i32
    return %arg0, %c0_i32 : i32, i32
  }
  func.func @transform_7(%arg0: i32) -> (i32, i32) {
    %c0_i32 = arith.constant 0 : i32
    %c0_i32_0 = arith.constant 0 : i32
    %c0_i32_1 = arith.constant 0 : i32
    return %c0_i32, %c0_i32_0 : i32, i32
  }
}

module attributes {stable_mosaic.version = 14 : i64} {
  func.func @_m2_kernel(%arg0: i32, %arg1: memref<4096x128xbf16, #tpu.memory_space<vmem>>, %arg2: memref<8x128xf32, #tpu.memory_space<vmem>>, %arg3: memref<256x128xf32, #tpu.memory_space<vmem>>, %arg4: memref<1x256xf32, #tpu.memory_space<vmem>>, %arg5: memref<1x256xf32, #tpu.memory_space<vmem>>, %arg6: memref<128x128xf32, #tpu.memory_space<vmem>>, %arg7: memref<8x128xf32, #tpu.memory_space<vmem>>, %arg8: memref<8x256xf32, #tpu.memory_space<vmem>>) attributes {dimension_semantics = [#tpu.dimension_semantics<arbitrary>], iteration_bounds = array<i64: 32>, scalar_prefetch = 0 : i64, scratch_operands = 0 : i64, tpu.core_type = #tpu.core_type<tc>, window_params = [{transform_indices = @transform_0, window_bounds = array<i64: 4096, 128>}, {pipeline_mode = #tpu.pipeline_mode<synchronous>, transform_indices = @transform_1, window_bounds = array<i64: 8, 128>}, {pipeline_mode = #tpu.pipeline_mode<synchronous>, transform_indices = @transform_2, window_bounds = array<i64: 256, 128>}, {pipeline_mode = #tpu.pipeline_mode<synchronous>, transform_indices = @transform_3, window_bounds = array<i64: 1, 256>}, {pipeline_mode = #tpu.pipeline_mode<synchronous>, transform_indices = @transform_4, window_bounds = array<i64: 1, 256>}, {pipeline_mode = #tpu.pipeline_mode<synchronous>, transform_indices = @transform_5, window_bounds = array<i64: 128, 128>}, {pipeline_mode = #tpu.pipeline_mode<synchronous>, transform_indices = @transform_6, window_bounds = array<i64: 8, 128>}, {pipeline_mode = #tpu.pipeline_mode<synchronous>, transform_indices = @transform_7, window_bounds = array<i64: 8, 256>}]} {
    %get3A = arith.constant 0 : index
    %get3A_0 = arith.constant 0 : index
    %get3A_1 = vector.load %arg1[%get3A, %get3A_0] : memref<4096x128xbf16, #tpu.memory_space<vmem>>, vector<4096x128xbf16>
    %convert_element_type3A = arith.extf %get3A_1 : vector<4096x128xbf16> to vector<4096x128xf32>
    %get3A_2 = arith.constant 4 : index
    %get3A_3 = arith.constant 0 : index
    %get3A_4 = vector.load %arg2[%get3A_2, %get3A_3] : memref<8x128xf32, #tpu.memory_space<vmem>>, vector<1x128xf32>
    %mul3A = vector.broadcast %get3A_4 : vector<1x128xf32> to vector<4096x128xf32>
    %mul3A_5 = arith.mulf %convert_element_type3A, %mul3A : vector<4096x128xf32>
    %get3A_6 = arith.constant 5 : index
    %get3A_7 = arith.constant 0 : index
    %get3A_8 = vector.load %arg2[%get3A_6, %get3A_7] : memref<8x128xf32, #tpu.memory_space<vmem>>, vector<1x128xf32>
    %add3A = vector.broadcast %get3A_8 : vector<1x128xf32> to vector<4096x128xf32>
    %add3A_9 = arith.addf %mul3A_5, %add3A : vector<4096x128xf32>
    %max3A = arith.constant 0.000000e+00 : f32
    %max3A_10 = vector.broadcast %max3A : f32 to vector<4096x128xf32>
    %max3A_11 = arith.maximumf %add3A_9, %max3A_10 : vector<4096x128xf32>
    %eq3A = arith.constant 0 : i32
    %eq3A_12 = arith.cmpi eq, %arg0, %eq3A : i32
    %convert_element_type3A_13 = arith.extui %eq3A_12 : i1 to i32
    %cond3A = arith.constant 0 : i32
    %cond3A_14 = arith.cmpi ne, %convert_element_type3A_13, %cond3A : i32
    scf.if %cond3A_14 {
      %broadcast_in_dim3A_41 = arith.constant 0.000000e+00 : f32
      %broadcast_in_dim3A_42 = vector.broadcast %broadcast_in_dim3A_41 : f32 to vector<128x128xf32>
      %swap3A_43 = arith.constant 0 : index
      %swap3A_44 = arith.constant 0 : index
      %swap3A_45 = vector.load %arg6[%swap3A_43, %swap3A_44] : memref<128x128xf32, #tpu.memory_space<vmem>>, vector<128x128xf32>
      tpu.vector_store %arg6[%swap3A_43, %swap3A_44], %broadcast_in_dim3A_42 {strides = array<i32>} : memref<128x128xf32, #tpu.memory_space<vmem>>, vector<128x128xf32>,
      %broadcast_in_dim3A_46 = arith.constant 0.000000e+00 : f32
      %broadcast_in_dim3A_47 = vector.broadcast %broadcast_in_dim3A_46 : f32 to vector<8x128xf32>
      %swap3A_48 = arith.constant 0 : index
      %swap3A_49 = arith.constant 0 : index
      %swap3A_50 = vector.load %arg7[%swap3A_48, %swap3A_49] : memref<8x128xf32, #tpu.memory_space<vmem>>, vector<8x128xf32>
      tpu.vector_store %arg7[%swap3A_48, %swap3A_49], %broadcast_in_dim3A_47 {strides = array<i32>} : memref<8x128xf32, #tpu.memory_space<vmem>>, vector<8x128xf32>,
      %broadcast_in_dim3A_51 = arith.constant 0.000000e+00 : f32
      %broadcast_in_dim3A_52 = vector.broadcast %broadcast_in_dim3A_51 : f32 to vector<8x256xf32>
      %swap3A_53 = arith.constant 0 : index
      %swap3A_54 = arith.constant 0 : index
      %swap3A_55 = vector.load %arg8[%swap3A_53, %swap3A_54] : memref<8x256xf32, #tpu.memory_space<vmem>>, vector<8x256xf32>
      tpu.vector_store %arg8[%swap3A_53, %swap3A_54], %broadcast_in_dim3A_52 {strides = array<i32>} : memref<8x256xf32, #tpu.memory_space<vmem>>, vector<8x256xf32>,
    } else {
    }
    %get3A_15 = arith.constant 0 : index
    %get3A_16 = arith.constant 0 : index
    %get3A_17 = vector.load %arg6[%get3A_15, %get3A_16] : memref<128x128xf32, #tpu.memory_space<vmem>>, vector<128x128xf32>
    %dot_general3A = arith.constant dense<0.000000e+00> : vector<128x128xf32>
    %dot_general3A_18 = tpu.matmul %max3A_11, %max3A_11, %dot_general3A {dimension_numbers = #tpu.dot_dimension_numbers<[0], [0], [1], [1], [0, 1, 1, 1], [], []>, transpose_lhs_hint = false} : vector<4096x128xf32>, vector<4096x128xf32>, vector<128x128xf32> -> vector<128x128xf32>
    %add3A_19 = arith.addf %get3A_17, %dot_general3A_18 : vector<128x128xf32>
    %swap3A = arith.constant 0 : index
    %swap3A_20 = arith.constant 0 : index
    %swap3A_21 = vector.load %arg6[%swap3A, %swap3A_20] : memref<128x128xf32, #tpu.memory_space<vmem>>, vector<128x128xf32>
    tpu.vector_store %arg6[%swap3A, %swap3A_20], %add3A_19 {strides = array<i32>} : memref<128x128xf32, #tpu.memory_space<vmem>>, vector<128x128xf32>,
    %iota3A = tpu.iota {dimensions = array<i32: 0>} : vector<8x128xi32>
    %get3A_22 = arith.constant 0 : index
    %get3A_23 = arith.constant 0 : index
    %get3A_24 = vector.load %arg7[%get3A_22, %get3A_23] : memref<8x128xf32, #tpu.memory_space<vmem>>, vector<8x128xf32>
    %eq3A_25 = arith.constant 0 : i32
    %eq3A_26 = vector.broadcast %eq3A_25 : i32 to vector<8x128xi32>
    %eq3A_27 = arith.cmpi eq, %iota3A, %eq3A_26 : vector<8x128xi32>
    %reduce_sum3A = arith.constant dense<0.000000e+00> : vector<128xf32>
    %reduce_sum3A_28 = vector.multi_reduction <add>, %max3A_11, %reduce_sum3A [0] : vector<4096x128xf32> to vector<128xf32>
    %broadcast_in_dim3A = vector.shape_cast %reduce_sum3A_28 : vector<128xf32> to vector<1x128xf32>
    %jit3A = arith.constant 0.000000e+00 : f32
    %broadcast_in_dim3A_29 = vector.shape_cast %broadcast_in_dim3A : vector<1x128xf32> to vector<1x128xf32>
    %broadcast_in_dim3A_30 = vector.broadcast %broadcast_in_dim3A_29 : vector<1x128xf32> to vector<8x128xf32>
    %broadcast_in_dim3A_31 = vector.broadcast %jit3A : f32 to vector<8x128xf32>
    %select_n3A = arith.select %eq3A_27, %broadcast_in_dim3A_30, %broadcast_in_dim3A_31 : vector<8x128xi1>, vector<8x128xf32>
    %add3A_32 = arith.addf %get3A_24, %select_n3A : vector<8x128xf32>
    %swap3A_33 = arith.constant 0 : index
    %swap3A_34 = arith.constant 0 : index
    %swap3A_35 = vector.load %arg7[%swap3A_33, %swap3A_34] : memref<8x128xf32, #tpu.memory_space<vmem>>, vector<8x128xf32>
    tpu.vector_store %arg7[%swap3A_33, %swap3A_34], %add3A_32 {strides = array<i32>} : memref<8x128xf32, #tpu.memory_space<vmem>>, vector<8x128xf32>,
    %eq3A_36 = arith.constant 31 : i32
    %eq3A_37 = arith.cmpi eq, %arg0, %eq3A_36 : i32
    %convert_element_type3A_38 = arith.extui %eq3A_37 : i1 to i32
    %cond3A_39 = arith.constant 0 : i32
    %cond3A_40 = arith.cmpi ne, %convert_element_type3A_38, %cond3A_39 : i32
    scf.if %cond3A_40 {
      %get3A_41 = arith.constant 0 : index
      %get3A_42 = arith.constant 0 : index
      %get3A_43 = vector.load %arg7[%get3A_41, %get3A_42] : memref<8x128xf32, #tpu.memory_space<vmem>>, vector<1x128xf32>
      %get3A_44 = arith.constant 0 : index
      %get3A_45 = arith.constant 0 : index
      %get3A_46 = vector.load %arg3[%get3A_44, %get3A_45] : memref<256x128xf32, #tpu.memory_space<vmem>>, vector<256x128xf32>
      %dot_general3A_47 = arith.constant dense<0.000000e+00> : vector<1x256xf32>
      %dot_general3A_48 = tpu.matmul %get3A_43, %get3A_46, %dot_general3A_47 {dimension_numbers = #tpu.dot_dimension_numbers<[1], [1], [0], [0], [0, 0, 1, 0], [], []>, transpose_lhs_hint = false} : vector<1x128xf32>, vector<256x128xf32>, vector<1x256xf32> -> vector<1x256xf32>
      %get3A_49 = arith.constant 0 : index
      %get3A_50 = arith.constant 0 : index
      %get3A_51 = vector.load %arg6[%get3A_49, %get3A_50] : memref<128x128xf32, #tpu.memory_space<vmem>>, vector<128x128xf32>
      %dot_general3A_52 = arith.constant dense<0.000000e+00> : vector<256x128xf32>
      %dot_general3A_53 = tpu.matmul %get3A_46, %get3A_51, %dot_general3A_52 {dimension_numbers = #tpu.dot_dimension_numbers<[1], [0], [0], [1], [0, 0, 1, 1], [], []>, transpose_lhs_hint = false} : vector<256x128xf32>, vector<128x128xf32>, vector<256x128xf32> -> vector<256x128xf32>
      %mul3A_54 = arith.mulf %dot_general3A_53, %get3A_46 : vector<256x128xf32>
      %reduce_sum3A_55 = arith.constant dense<0.000000e+00> : vector<256xf32>
      %reduce_sum3A_56 = vector.multi_reduction <add>, %mul3A_54, %reduce_sum3A_55 [1] : vector<256x128xf32> to vector<256xf32>
      %reshape3A = vector.shape_cast %reduce_sum3A_56 : vector<256xf32> to vector<1x256xf32>
      %div3A = arith.constant 1.310720e+05 : f32
      %div3A_57 = vector.broadcast %div3A : f32 to vector<1x256xf32>
      %div3A_58 = arith.divf %dot_general3A_48, %div3A_57 : vector<1x256xf32>
      %div3A_59 = arith.constant 1.310720e+05 : f32
      %div3A_60 = vector.broadcast %div3A_59 : f32 to vector<1x256xf32>
      %div3A_61 = arith.divf %reshape3A, %div3A_60 : vector<1x256xf32>
      %mul3A_62 = arith.mulf %div3A_58, %div3A_58 : vector<1x256xf32>
      %sub3A = arith.subf %div3A_61, %mul3A_62 : vector<1x256xf32>
      %get3A_63 = arith.constant 0 : index
      %get3A_64 = arith.constant 0 : index
      %get3A_65 = vector.load %arg4[%get3A_63, %get3A_64] : memref<1x256xf32, #tpu.memory_space<vmem>>, vector<1x256xf32>
      %add3A_66 = arith.constant 9.99999974E-6 : f32
      %add3A_67 = vector.broadcast %add3A_66 : f32 to vector<1x256xf32>
      %add3A_68 = arith.addf %sub3A, %add3A_67 : vector<1x256xf32>
      %rsqrt3A = math.rsqrt %add3A_68 : vector<1x256xf32>
      %mul3A_69 = arith.mulf %get3A_65, %rsqrt3A : vector<1x256xf32>
      %get3A_70 = arith.constant 0 : index
      %get3A_71 = arith.constant 0 : index
      %get3A_72 = vector.load %arg5[%get3A_70, %get3A_71] : memref<1x256xf32, #tpu.memory_space<vmem>>, vector<1x256xf32>
      %mul3A_73 = arith.mulf %mul3A_69, %div3A_58 : vector<1x256xf32>
      %sub3A_74 = arith.subf %get3A_72, %mul3A_73 : vector<1x256xf32>
      %iota3A_75 = tpu.iota {dimensions = array<i32: 0>} : vector<8x256xi32>
      %eq3A_76 = arith.constant 4 : i32
      %eq3A_77 = vector.broadcast %eq3A_76 : i32 to vector<8x256xi32>
      %eq3A_78 = arith.cmpi eq, %iota3A_75, %eq3A_77 : vector<8x256xi32>
      %eq3A_79 = arith.constant 5 : i32
      %eq3A_80 = vector.broadcast %eq3A_79 : i32 to vector<8x256xi32>
      %eq3A_81 = arith.cmpi eq, %iota3A_75, %eq3A_80 : vector<8x256xi32>
      %jit3A_82 = arith.constant 0.000000e+00 : f32
      %broadcast_in_dim3A_83 = vector.shape_cast %sub3A_74 : vector<1x256xf32> to vector<1x256xf32>
      %broadcast_in_dim3A_84 = vector.broadcast %broadcast_in_dim3A_83 : vector<1x256xf32> to vector<8x256xf32>
      %broadcast_in_dim3A_85 = vector.broadcast %jit3A_82 : f32 to vector<8x256xf32>
      %select_n3A_86 = arith.select %eq3A_81, %broadcast_in_dim3A_84, %broadcast_in_dim3A_85 : vector<8x256xi1>, vector<8x256xf32>
      %broadcast_in_dim3A_87 = vector.shape_cast %mul3A_69 : vector<1x256xf32> to vector<1x256xf32>
      %broadcast_in_dim3A_88 = vector.broadcast %broadcast_in_dim3A_87 : vector<1x256xf32> to vector<8x256xf32>
      %select_n3A_89 = arith.select %eq3A_78, %broadcast_in_dim3A_88, %select_n3A_86 : vector<8x256xi1>, vector<8x256xf32>
      %swap3A_90 = arith.constant 0 : index
      %swap3A_91 = arith.constant 0 : index
      %swap3A_92 = vector.load %arg8[%swap3A_90, %swap3A_91] : memref<8x256xf32, #tpu.memory_space<vmem>>, vector<8x256xf32>
      tpu.vector_store %arg8[%swap3A_90, %swap3A_91], %select_n3A_89 {strides = array<i32>} : memref<8x256xf32, #tpu.memory_space<vmem>>, vector<8x256xf32>,
    } else {
    }
    return
  }
  func.func @transform_0(%arg0: i32) -> (i32, i32) {
    %c0_i32 = arith.constant 0 : i32
    %c0_i32_0 = arith.constant 0 : i32
    return %arg0, %c0_i32 : i32, i32
  }
  func.func @transform_1(%arg0: i32) -> (i32, i32) {
    %c0_i32 = arith.constant 0 : i32
    %c0_i32_0 = arith.constant 0 : i32
    %c0_i32_1 = arith.constant 0 : i32
    return %c0_i32, %c0_i32_0 : i32, i32
  }
  func.func @transform_2(%arg0: i32) -> (i32, i32) {
    %c0_i32 = arith.constant 0 : i32
    %c0_i32_0 = arith.constant 0 : i32
    %c0_i32_1 = arith.constant 0 : i32
    return %c0_i32, %c0_i32_0 : i32, i32
  }
  func.func @transform_3(%arg0: i32) -> (i32, i32) {
    %c0_i32 = arith.constant 0 : i32
    %c0_i32_0 = arith.constant 0 : i32
    %c0_i32_1 = arith.constant 0 : i32
    return %c0_i32, %c0_i32_0 : i32, i32
  }
  func.func @transform_4(%arg0: i32) -> (i32, i32) {
    %c0_i32 = arith.constant 0 : i32
    %c0_i32_0 = arith.constant 0 : i32
    %c0_i32_1 = arith.constant 0 : i32
    return %c0_i32, %c0_i32_0 : i32, i32
  }
  func.func @transform_5(%arg0: i32) -> (i32, i32) {
    %c0_i32 = arith.constant 0 : i32
    %c0_i32_0 = arith.constant 0 : i32
    %c0_i32_1 = arith.constant 0 : i32
    return %c0_i32, %c0_i32_0 : i32, i32
  }
  func.func @transform_6(%arg0: i32) -> (i32, i32) {
    %c0_i32 = arith.constant 0 : i32
    %c0_i32_0 = arith.constant 0 : i32
    %c0_i32_1 = arith.constant 0 : i32
    return %c0_i32, %c0_i32_0 : i32, i32
  }
  func.func @transform_7(%arg0: i32) -> (i32, i32) {
    %c0_i32 = arith.constant 0 : i32
    %c0_i32_0 = arith.constant 0 : i32
    %c0_i32_1 = arith.constant 0 : i32
    return %c0_i32, %c0_i32_0 : i32, i32
  }
}

module attributes {stable_mosaic.version = 14 : i64} {
  func.func @_m3_kernel(%arg0: i32, %arg1: memref<4096x128xbf16, #tpu.memory_space<vmem>>, %arg2: memref<8x128xf32, #tpu.memory_space<vmem>>, %arg3: memref<128x256xf32, #tpu.memory_space<vmem>>, %arg4: memref<8x256xf32, #tpu.memory_space<vmem>>, %arg5: memref<1x256x256xf32, #tpu.memory_space<vmem>>) attributes {dimension_semantics = [#tpu.dimension_semantics<arbitrary>], iteration_bounds = array<i64: 32>, scalar_prefetch = 0 : i64, scratch_operands = 0 : i64, tpu.core_type = #tpu.core_type<tc>, window_params = [{transform_indices = @transform_0, window_bounds = array<i64: 4096, 128>}, {pipeline_mode = #tpu.pipeline_mode<synchronous>, transform_indices = @transform_1, window_bounds = array<i64: 8, 128>}, {pipeline_mode = #tpu.pipeline_mode<synchronous>, transform_indices = @transform_2, window_bounds = array<i64: 128, 256>}, {pipeline_mode = #tpu.pipeline_mode<synchronous>, transform_indices = @transform_3, window_bounds = array<i64: 8, 256>}, {transform_indices = @transform_4, window_bounds = array<i64: 1, 256, 256>}]} {
    %get3A = arith.constant 0 : index
    %get3A_0 = arith.constant 0 : index
    %get3A_1 = vector.load %arg1[%get3A, %get3A_0] : memref<4096x128xbf16, #tpu.memory_space<vmem>>, vector<4096x128xbf16>
    %convert_element_type3A = arith.extf %get3A_1 : vector<4096x128xbf16> to vector<4096x128xf32>
    %get3A_2 = arith.constant 4 : index
    %get3A_3 = arith.constant 0 : index
    %get3A_4 = vector.load %arg2[%get3A_2, %get3A_3] : memref<8x128xf32, #tpu.memory_space<vmem>>, vector<1x128xf32>
    %mul3A = vector.broadcast %get3A_4 : vector<1x128xf32> to vector<4096x128xf32>
    %mul3A_5 = arith.mulf %convert_element_type3A, %mul3A : vector<4096x128xf32>
    %get3A_6 = arith.constant 5 : index
    %get3A_7 = arith.constant 0 : index
    %get3A_8 = vector.load %arg2[%get3A_6, %get3A_7] : memref<8x128xf32, #tpu.memory_space<vmem>>, vector<1x128xf32>
    %add3A = vector.broadcast %get3A_8 : vector<1x128xf32> to vector<4096x128xf32>
    %add3A_9 = arith.addf %mul3A_5, %add3A : vector<4096x128xf32>
    %max3A = arith.constant 0.000000e+00 : f32
    %max3A_10 = vector.broadcast %max3A : f32 to vector<4096x128xf32>
    %max3A_11 = arith.maximumf %add3A_9, %max3A_10 : vector<4096x128xf32>
    %get3A_12 = arith.constant 0 : index
    %get3A_13 = arith.constant 0 : index
    %get3A_14 = vector.load %arg3[%get3A_12, %get3A_13] : memref<128x256xf32, #tpu.memory_space<vmem>>, vector<128x256xf32>
    %dot_general3A = arith.constant dense<0.000000e+00> : vector<4096x256xf32>
    %dot_general3A_15 = tpu.matmul %max3A_11, %get3A_14, %dot_general3A {dimension_numbers = #tpu.dot_dimension_numbers<[1], [0], [0], [1], [0, 0, 1, 1], [], []>, transpose_lhs_hint = false} : vector<4096x128xf32>, vector<128x256xf32>, vector<4096x256xf32> -> vector<4096x256xf32>
    %get3A_16 = arith.constant 4 : index
    %get3A_17 = arith.constant 0 : index
    %get3A_18 = vector.load %arg4[%get3A_16, %get3A_17] : memref<8x256xf32, #tpu.memory_space<vmem>>, vector<1x256xf32>
    %mul3A_19 = vector.broadcast %get3A_18 : vector<1x256xf32> to vector<4096x256xf32>
    %mul3A_20 = arith.mulf %dot_general3A_15, %mul3A_19 : vector<4096x256xf32>
    %get3A_21 = arith.constant 5 : index
    %get3A_22 = arith.constant 0 : index
    %get3A_23 = vector.load %arg4[%get3A_21, %get3A_22] : memref<8x256xf32, #tpu.memory_space<vmem>>, vector<1x256xf32>
    %add3A_24 = vector.broadcast %get3A_23 : vector<1x256xf32> to vector<4096x256xf32>
    %add3A_25 = arith.addf %mul3A_20, %add3A_24 : vector<4096x256xf32>
    %max3A_26 = arith.constant 0.000000e+00 : f32
    %max3A_27 = vector.broadcast %max3A_26 : f32 to vector<4096x256xf32>
    %max3A_28 = arith.maximumf %add3A_25, %max3A_27 : vector<4096x256xf32>
    %reshape3A = vector.shape_cast %max3A_28 : vector<4096x256xf32> to vector<256x16x256xf32>
    %reduce_sum3A = arith.constant dense<0.000000e+00> : vector<256x256xf32>
    %reduce_sum3A_29 = vector.multi_reduction <add>, %reshape3A, %reduce_sum3A [1] : vector<256x16x256xf32> to vector<256x256xf32>
    %div3A = arith.constant 1.600000e+01 : f32
    %div3A_30 = vector.broadcast %div3A : f32 to vector<256x256xf32>
    %div3A_31 = arith.divf %reduce_sum3A_29, %div3A_30 : vector<256x256xf32>
    %swap3A = arith.constant 0 : index
    %swap3A_32 = arith.constant 0 : index
    %swap3A_33 = arith.constant 0 : index
    %swap3A_34 = vector.load %arg5[%swap3A, %swap3A_32, %swap3A_33] : memref<1x256x256xf32, #tpu.memory_space<vmem>>, vector<1x256x256xf32>
    %swap3A_35 = vector.shape_cast %swap3A_34 : vector<1x256x256xf32> to vector<256x256xf32>
    %swap3A_36 = vector.shape_cast %div3A_31 : vector<256x256xf32> to vector<1x256x256xf32>
    tpu.vector_store %arg5[%swap3A, %swap3A_32, %swap3A_33], %swap3A_36 {strides = array<i32>} : memref<1x256x256xf32, #tpu.memory_space<vmem>>, vector<1x256x256xf32>,
    return
  }
  func.func @transform_0(%arg0: i32) -> (i32, i32) {
    %c0_i32 = arith.constant 0 : i32
    %c0_i32_0 = arith.constant 0 : i32
    return %arg0, %c0_i32 : i32, i32
  }
  func.func @transform_1(%arg0: i32) -> (i32, i32) {
    %c0_i32 = arith.constant 0 : i32
    %c0_i32_0 = arith.constant 0 : i32
    %c0_i32_1 = arith.constant 0 : i32
    return %c0_i32, %c0_i32_0 : i32, i32
  }
  func.func @transform_2(%arg0: i32) -> (i32, i32) {
    %c0_i32 = arith.constant 0 : i32
    %c0_i32_0 = arith.constant 0 : i32
    %c0_i32_1 = arith.constant 0 : i32
    return %c0_i32, %c0_i32_0 : i32, i32
  }
  func.func @transform_3(%arg0: i32) -> (i32, i32) {
    %c0_i32 = arith.constant 0 : i32
    %c0_i32_0 = arith.constant 0 : i32
    %c0_i32_1 = arith.constant 0 : i32
    return %c0_i32, %c0_i32_0 : i32, i32
  }
  func.func @transform_4(%arg0: i32) -> (i32, i32, i32) {
    %jit3A = arith.constant 4 : i32
    %div3A = arith.divsi %arg0, %jit3A : i32
    %sign3A = arith.constant 0 : i32
    %sign3A_0 = arith.cmpi sgt, %arg0, %sign3A : i32
    %sign3A_1 = arith.extui %sign3A_0 : i1 to i32
    %sign3A_2 = arith.constant 0 : i32
    %sign3A_3 = arith.cmpi slt, %arg0, %sign3A_2 : i32
    %sign3A_4 = arith.extui %sign3A_3 : i1 to i32
    %sign3A_5 = arith.subi %sign3A_1, %sign3A_4 : i32
    %sign3A_6 = arith.constant 0 : i32
    %sign3A_7 = arith.cmpi sgt, %jit3A, %sign3A_6 : i32
    %sign3A_8 = arith.extui %sign3A_7 : i1 to i32
    %sign3A_9 = arith.constant 0 : i32
    %sign3A_10 = arith.cmpi slt, %jit3A, %sign3A_9 : i32
    %sign3A_11 = arith.extui %sign3A_10 : i1 to i32
    %sign3A_12 = arith.subi %sign3A_8, %sign3A_11 : i32
    %ne3A = arith.cmpi ne, %sign3A_5, %sign3A_12 : i32
    %rem3A = arith.remsi %arg0, %jit3A : i32
    %ne3A_13 = arith.constant 0 : i32
    %ne3A_14 = arith.cmpi ne, %rem3A, %ne3A_13 : i32
    %and3A = arith.andi %ne3A, %ne3A_14 : i1
    %sub3A = arith.constant 1 : i32
    %sub3A_15 = arith.subi %div3A, %sub3A : i32
    %select_n3A = arith.select %and3A, %sub3A_15, %div3A : i32
    %jit3A_16 = arith.constant 4 : i32
    %eq3A = arith.constant 0 : i32
    %eq3A_17 = arith.cmpi eq, %jit3A_16, %eq3A : i32
    %jit3A_18 = arith.constant 1 : i32
    %select_n3A_19 = arith.select %eq3A_17, %jit3A_18, %jit3A_16 : i32
    %rem3A_20 = arith.remsi %arg0, %select_n3A_19 : i32
    %ne3A_21 = arith.constant 0 : i32
    %ne3A_22 = arith.cmpi ne, %rem3A_20, %ne3A_21 : i32
    %lt3A = arith.constant 0 : i32
    %lt3A_23 = arith.cmpi slt, %rem3A_20, %lt3A : i32
    %lt3A_24 = arith.constant 0 : i32
    %lt3A_25 = arith.cmpi slt, %select_n3A_19, %lt3A_24 : i32
    %ne3A_26 = arith.xori %lt3A_23, %lt3A_25 : i1
    %and3A_27 = arith.andi %ne3A_26, %ne3A_22 : i1
    %add3A = arith.addi %rem3A_20, %select_n3A_19 : i32
    %select_n3A_28 = arith.select %and3A_27, %add3A, %rem3A_20 : i32
    %c0_i32 = arith.constant 0 : i32
    %c0_i32_29 = arith.constant 0 : i32
    return %select_n3A, %select_n3A_28, %c0_i32 : i32, i32, i32
  }
}

module attributes {stable_mosaic.version = 14 : i64} {
  func.func @_f_kernel(%arg0: i32, %arg1: i32, %arg2: memref<1x256x256xf32, #tpu.memory_space<vmem>>, %arg3: memref<1x256x256xf32, #tpu.memory_space<vmem>>, %arg4: memref<8x256xf32, #tpu.memory_space<vmem>>, %arg5: memref<1x256x256xf32, #tpu.memory_space<vmem>>) attributes {dimension_semantics = [#tpu.dimension_semantics<arbitrary>, #tpu.dimension_semantics<arbitrary>], iteration_bounds = array<i64: 8, 4>, scalar_prefetch = 0 : i64, scratch_operands = 0 : i64, tpu.core_type = #tpu.core_type<tc>, window_params = [{transform_indices = @transform_0, window_bounds = array<i64: 1, 256, 256>}, {transform_indices = @transform_1, window_bounds = array<i64: 1, 256, 256>}, {pipeline_mode = #tpu.pipeline_mode<synchronous>, transform_indices = @transform_2, window_bounds = array<i64: 8, 256>}, {transform_indices = @transform_3, window_bounds = array<i64: 1, 256, 256>}]} {
    %get3A = arith.constant 0 : index
    %get3A_0 = arith.constant 0 : index
    %get3A_1 = arith.constant 0 : index
    %get3A_2 = vector.load %arg2[%get3A, %get3A_0, %get3A_1] : memref<1x256x256xf32, #tpu.memory_space<vmem>>, vector<1x256x256xf32>
    %get3A_3 = vector.shape_cast %get3A_2 : vector<1x256x256xf32> to vector<256x256xf32>
    %get3A_4 = arith.constant 4 : index
    %get3A_5 = arith.constant 0 : index
    %get3A_6 = vector.load %arg4[%get3A_4, %get3A_5] : memref<8x256xf32, #tpu.memory_space<vmem>>, vector<1x256xf32>
    %mul3A = vector.broadcast %get3A_6 : vector<1x256xf32> to vector<256x256xf32>
    %mul3A_7 = arith.mulf %get3A_3, %mul3A : vector<256x256xf32>
    %get3A_8 = arith.constant 5 : index
    %get3A_9 = arith.constant 0 : index
    %get3A_10 = vector.load %arg4[%get3A_8, %get3A_9] : memref<8x256xf32, #tpu.memory_space<vmem>>, vector<1x256xf32>
    %add3A = vector.broadcast %get3A_10 : vector<1x256xf32> to vector<256x256xf32>
    %add3A_11 = arith.addf %mul3A_7, %add3A : vector<256x256xf32>
    %get3A_12 = arith.constant 0 : index
    %get3A_13 = arith.constant 0 : index
    %get3A_14 = arith.constant 0 : index
    %get3A_15 = vector.load %arg3[%get3A_12, %get3A_13, %get3A_14] : memref<1x256x256xf32, #tpu.memory_space<vmem>>, vector<1x256x256xf32>
    %get3A_16 = vector.shape_cast %get3A_15 : vector<1x256x256xf32> to vector<256x256xf32>
    %add3A_17 = arith.addf %add3A_11, %get3A_16 : vector<256x256xf32>
    %max3A = arith.constant 0.000000e+00 : f32
    %max3A_18 = vector.broadcast %max3A : f32 to vector<256x256xf32>
    %max3A_19 = arith.maximumf %add3A_17, %max3A_18 : vector<256x256xf32>
    %iota3A = tpu.iota {dimensions = array<i32: 0>} : vector<256x256xi32>
    %iota3A_20 = tpu.iota {dimensions = array<i32: 1>} : vector<256x256xi32>
    %eq3A = arith.cmpi eq, %iota3A, %iota3A_20 : vector<256x256xi32>
    %jit3A = arith.constant 1.000000e+00 : f32
    %jit3A_21 = arith.constant 0.000000e+00 : f32
    %broadcast_in_dim3A = vector.broadcast %jit3A : f32 to vector<256x256xf32>
    %broadcast_in_dim3A_22 = vector.broadcast %jit3A_21 : f32 to vector<256x256xf32>
    %select_n3A = arith.select %eq3A, %broadcast_in_dim3A, %broadcast_in_dim3A_22 : vector<256x256xi1>, vector<256x256xf32>
    %dot_general3A = arith.constant dense<0.000000e+00> : vector<256x256xf32>
    %dot_general3A_23 = tpu.matmul %max3A_19, %select_n3A, %dot_general3A {dimension_numbers = #tpu.dot_dimension_numbers<[0], [0], [1], [1], [0, 1, 1, 1], [], []>, transpose_lhs_hint = false} : vector<256x256xf32>, vector<256x256xf32>, vector<256x256xf32> -> vector<256x256xf32>
    %swap3A = arith.constant 0 : index
    %swap3A_24 = arith.constant 0 : index
    %swap3A_25 = arith.constant 0 : index
    %swap3A_26 = vector.load %arg5[%swap3A, %swap3A_24, %swap3A_25] : memref<1x256x256xf32, #tpu.memory_space<vmem>>, vector<1x256x256xf32>
    %swap3A_27 = vector.shape_cast %swap3A_26 : vector<1x256x256xf32> to vector<256x256xf32>
    %swap3A_28 = vector.shape_cast %dot_general3A_23 : vector<256x256xf32> to vector<1x256x256xf32>
    tpu.vector_store %arg5[%swap3A, %swap3A_24, %swap3A_25], %swap3A_28 {strides = array<i32>} : memref<1x256x256xf32, #tpu.memory_space<vmem>>, vector<1x256x256xf32>,
    return
  }
  func.func @transform_0(%arg0: i32, %arg1: i32) -> (i32, i32, i32) {
    %c0_i32 = arith.constant 0 : i32
    %c0_i32_0 = arith.constant 0 : i32
    return %arg0, %arg1, %c0_i32 : i32, i32, i32
  }
  func.func @transform_1(%arg0: i32, %arg1: i32) -> (i32, i32, i32) {
    %c0_i32 = arith.constant 0 : i32
    %c0_i32_0 = arith.constant 0 : i32
    return %arg0, %arg1, %c0_i32 : i32, i32, i32
  }
  func.func @transform_2(%arg0: i32, %arg1: i32) -> (i32, i32) {
    %c0_i32 = arith.constant 0 : i32
    %c0_i32_0 = arith.constant 0 : i32
    %c0_i32_1 = arith.constant 0 : i32
    return %c0_i32, %c0_i32_0 : i32, i32
  }
  func.func @transform_3(%arg0: i32, %arg1: i32) -> (i32, i32, i32) {
    %c0_i32 = arith.constant 0 : i32
    %c0_i32_0 = arith.constant 0 : i32
    return %arg0, %c0_i32, %arg1 : i32, i32, i32
  }
}

</mosaic_0001>

<sc_bundles>
// kernel: kernel.10.cloned.1.call-start
scs
__scs_entry_jumppad:
0x0: {  	(pc) =	sbr.rel $0x88, $3  }
0x1: {  	(tag) =	ssettag $0x0;
	lr =	simm.s32 $0x1  }
0x2: {  	[smem:$0x3F93] =	sst lr;
	_ =	strace $0xD0000000  }
0x3: {  	_ = 	snop  }
0x4: {  	_ = 	snop  }
0x5: {  	_ = 	snop  }
0x6: {  	_ = 	snop  }
0x7: {  	_ = 	snop  }
__scs_overlays_trampoline_lowered:
0x8: {  	[smem:$0x3FA2] =	sst s0  }
0x9: {  	[smem:$0x3FA3] =	sst s1  }
0xa: {  	[smem:$0x3FA4] =	sst s2  }
0xb: {  	[smem:$0x3FA5] =	sst s3  }
0xc: {  	[smem:$0x3FA6] =	sst s4  }
0xd: {  	[smem:$0x3FA7] =	sst s5  }
0xe: {  	[smem:$0x3FA8] =	sst s6  }
0xf: {  	[smem:$0x3FA9] =	sst s7  }
0x10: {  	[smem:$0x3FAA] =	sst s8  }
0x11: {  	[smem:$0x3FAB] =	sst s9;
	s0 =	simm.s32 @!p0 $0x0  }
0x12: {  	s1 =	sld [smem:$0x3F91];
	s0 =	simm.s32 @p0 $0x1  }
0x13: {  	[smem:$0x3FAC] =	sst s0;
	s0 =	simm.s32 @!p1 $0x0  }
0x14: {  	s2 =	sld [smem:$0x3F90];
	s0 =	simm.s32 @p1 $0x1  }
0x15: {  	[smem:$0x3FAD] =	sst s0;
	s0 =	simm.s32 @!p2 $0x0  }
0x16: {  	s3 =	sld [smem:$0x3FDB];
	s0 =	simm.s32 @p2 $0x1  }
0x17: {  	s4 =	simm.s32 $0x1BF5;
	[smem:$0x3FAF] =	sst s0  }
0x18: {  	s0 =	sld [smem:$0x3F92];
	_ =	swait.ge [sflag:s4], $0x0  }
0x19: {  	s7 =	sld [smem:$0x3F93]  }
0x1a: {  	s8 =	sadd.s32 $0xFFFFE003, lr  }
0x1b: {  	s9 =	sadd.s32 $0xFFFFFEF7, lr;
	s5 =	simm.s32 $0xFFFFFFFF;
	p2 =	slt.u32 s8, $0xFFFFF086  }
0x1c: {  	p1 =	slt.u32 s9, $0xF7A;
	s5 =	simm.s32 @!p2 $0x0  }
0x1d: {  	s5 =	simm.s32 @p1 $0x1;
	p0 =	seq.s32 s7, s2  }
0x1e: {  	s7 =	smul.u32 @!p0 $0xF7A, s2;
	p2 =	seq.s32 @!p0 s5, $0x0  }
0x1f: {  	s9 =	smul.u32 $0xF7A, s1;
	s8 =	simm.s32 @!p0 $0x1BF5;
	p2 =	por !p2, p0  }
0x20: {  	[sflag:s8] =	ssyncset.s32 @!p0 $0xFFFFF086;
	s6 =	sadd.s32 @!p0 s3, s7;
	s7 =	simm.s32 @!p0 $0x108  }
0x21: {  	s3 =	sadd.s32 s3, s9;
	s6 =	sadd.s32 @!p0 $0x88, s6;
	s7 =	simm.s32 @p2 $0x1082  }
0x22: {  	[simem:s7], [sflag:s8] =	dma.local @!p0 [hbm:s6], $0xF7A  }
0x23: {  	s9 =	sor.u32 $0xD0000000, s2;
	s6 =	simm.s32 $0x108;
	_ =	swait.ge @!p0 [sflag:s8], $0x0  }
0x24: {  	s3 =	sadd.s32 $0x88, s3;
	s6 =	simm.s32 @!p1 $0x1082;
	[sflag:s4] =	ssyncset.s32 $0xFFFFF086  }
0x25: {  	[simem:s6], [sflag:s4] =	dma.local [hbm:s3], $0xF7A  }
0x26: {  	[smem:$0x3F93] =	sst s1;
	(tag) =	ssettag s2;
	_ =	strace s9  }
0x27: {  	s1 =	sld [smem:$0x3FA3]  }
0x28: {  	s2 =	sld [smem:$0x3FA4]  }
0x29: {  	s4 =	sld [smem:$0x3FA6]  }
0x2a: {  	p0 =	seq.s32 s5, $0x0;
	s5 =	sld [smem:$0x3FA7]  }
0x2b: {  	s6 =	sld [smem:$0x3FA8]  }
0x2c: {  	s7 =	sld [smem:$0x3FA9]  }
0x2d: {  	s3 =	simm.s32 $0x108;
	s8 =	sld [smem:$0x3FAA]  }
0x2e: {  	s3 =	simm.s32 @!p0 $0x1082;
	s9 =	sld [smem:$0x3FAB]  }
0x2f: {  	lr =	sadd.s32 s0, s3;
	s0 =	sld [smem:$0x3FA2]  }
0x30: {  	s3 =	sld [smem:$0x3FA5]  }
0x31: {  	[smem:$0x3FAE] =	sst s10  }
0x32: {  	s10 =	sld [smem:$0x3FAC];
	_ =	sdelay $0x3  }
0x33: {  	p0 =	seq.s32 s10, $0x1;
	s10 =	sld [smem:$0x3FAE];
	_ =	sdelay $0x3  }
0x34: {  	[smem:$0x3FAE] =	sst s10  }
0x35: {  	s10 =	sld [smem:$0x3FAD];
	_ =	sdelay $0x3  }
0x36: {  	p1 =	seq.s32 s10, $0x1;
	s10 =	sld [smem:$0x3FAE];
	_ =	sdelay $0x3  }
0x37: {  	[smem:$0x3FAE] =	sst s10  }
0x38: {  	s10 =	sld [smem:$0x3FAF]  }
0x39: {  	_ = 	snop;
	(pc) =	sbr.ind lr, $3  }
0x3a: {  	_ = 	snop  }
0x3b: {  	_ = 	snop  }
0x3c: {  	p2 =	seq.s32 s10, $0x1;
	s10 =	sld [smem:$0x3FAE]  }
0x3d: {  	_ =	shalt  }
0x3e: {  	_ =	shalt  }
0x3f: {  	_ =	shalt  }
0x40: {  	_ =	shalt  }
0x41: {  	_ =	shalt  }
0x42: {  	_ =	shalt  }
0x43: {  	_ =	shalt  }
0x44: {  	_ =	shalt  }
0x45: {  	_ =	shalt  }
0x46: {  	_ =	shalt  }
0x47: {  	_ =	shalt  }
0x48: {  	_ =	shalt  }
0x49: {  	_ =	shalt  }
0x4a: {  	_ =	shalt  }
0x4b: {  	_ =	shalt  }
0x4c: {  	_ =	shalt  }
0x4d: {  	_ =	shalt  }
0x4e: {  	_ =	shalt  }
0x4f: {  	_ =	shalt  }
0x50: {  	_ =	shalt  }
0x51: {  	_ =	shalt  }
0x52: {  	_ =	shalt  }
0x53: {  	_ =	shalt  }
0x54: {  	_ =	shalt  }
0x55: {  	_ =	shalt  }
0x56: {  	_ =	shalt  }
0x57: {  	_ =	shalt  }
0x58: {  	_ =	shalt  }
0x59: {  	_ =	shalt  }
0x5a: {  	_ =	shalt  }
0x5b: {  	_ =	shalt  }
0x5c: {  	_ =	shalt  }
0x5d: {  	_ =	shalt  }
0x5e: {  	_ =	shalt  }
0x5f: {  	_ =	shalt  }
0x60: {  	_ =	shalt  }
0x61: {  	_ =	shalt  }
0x62: {  	_ =	shalt  }
0x63: {  	_ =	shalt  }
0x64: {  	_ =	shalt  }
0x65: {  	_ =	shalt  }
0x66: {  	_ =	shalt  }
0x67: {  	_ =	shalt  }
0x68: {  	_ =	shalt  }
0x69: {  	_ =	shalt  }
0x6a: {  	_ =	shalt  }
0x6b: {  	_ =	shalt  }
0x6c: {  	_ =	shalt  }
0x6d: {  	_ =	shalt  }
0x6e: {  	_ =	shalt  }
0x6f: {  	_ =	shalt  }
0x70: {  	_ =	shalt  }
0x71: {  	_ =	shalt  }
0x72: {  	_ =	shalt  }
0x73: {  	_ =	shalt  }
0x74: {  	_ =	shalt  }
0x75: {  	_ =	shalt  }
0x76: {  	_ =	shalt  }
0x77: {  	_ =	shalt  }
0x78: {  	_ =	shalt  }
0x79: {  	_ =	shalt  }
0x7a: {  	_ =	shalt  }
0x7b: {  	_ =	shalt  }
0x7c: {  	_ =	shalt  }
0x7d: {  	_ =	shalt  }
0x7e: {  	_ =	shalt  }
0x7f: {  	_ =	shalt  }
0x80: {  	_ =	shalt  }
0x81: {  	_ =	shalt  }
0x82: {  	_ =	shalt  }
0x83: {  	_ =	shalt  }
0x84: {  	_ =	shalt  }
0x85: {  	_ =	shalt  }
0x86: {  	_ =	shalt  }
0x87: {  	_ =	shalt  }
.Lfunc_end0:
.L_simem_size_0:
called_computation_lowered:
.L_overlay_start_0:
0x88: {  	s2 =	sld [smem:$0x3FD9]  }
0x89: {  	s3 =	sld [smem:$0x3FFE];
	_ =	sdelay $0x1  }
0x8a: {  	s1 =	srdreg.scid  }
0x8b: {  	s0 =	sand.u32 $0x1, s1  }
0x8c: {  	s16 =	sshll.u32 s0, $0xA;
	s2 =	sadd.s32 s3, s2  }
0x8d: {  	s2 =	sadd.s32 s2, s16  }
0x8e: {  	[smem:$0x3FBA] =	sst s2  }
0x8f: {  	_ = 	snop  }
0x90: {  	(tm) =	ssettm $0x1  }
0x91: {  	s17 =	sld [smem:$0x3FFB];
	_ =	sdelay $0x3  }
0x92: {  	_ =	strace s17  }
0x93: {  	s2 =	sld [smem:$0x3FFC];
	_ =	sdelay $0x3  }
0x94: {  	_ =	strace s2  }
0x95: {  	s2 =	sld [smem:$0x3FFD];
	_ =	sdelay $0x3  }
0x96: {  	_ =	strace s2  }
0x97: {  	_ =	strace $0x8FFFFFFF  }
0x98: {  	s18 =	sld [smem:$0x3FDB];
	_ =	sdelay $0x1  }
0x99: {  	s19 =	simm.s32 $_scs_section_size  }
0x9a: {  	s4 =	simm.s32 $_size__tile_overlayer_lowered;
	s5 =	simm.s32 $_tile_overlayer_lowered  }
0x9b: {  	s22 =	simm.s32 $0x1BFF;
	s21 =	sshll.u32 s5, $0x1;
	s2 =	sadd.s32 s19, s18  }
0x9c: {  	s6 =	simm.s32 $0x0;
	s20 =	sshll.u32 s4, $0x1;
	s4 =	sadd.s32 s21, s2  }
0x9d: {  	[timem:s6], [sflag:s22] =	dma.local [hbm:s4], s20  }
0x9e: {  	_ =	swait.ge [sflag:s22], s20  }
0x9f: {  	s3 =	ssub.s32 $0x0, s20;
	[sflag:s22] =	ssyncset.done $0x0  }
0xa0: {  	[sflag:s22] =	ssyncadd.s32 s3;
	_ =	sdelay $0x1  }
0xa1: {  	s23 =	simm.s32 $0x1B8B  }
0xa2: {  	_ =	swait.ge [sflag:s23], $0x1  }
0xa3: {  	[sflag:s23] =	ssyncset.done $0x0  }
0xa4: {  	s25 =	simm.s32 $0x1B8E;
	s24 =	sld [smem:$0x3FFE];
	[sflag:s23] =	ssyncadd.s32 $0xFFFFFFFF  }
0xa5: {  	s26 =	simm.s32 $execute0_lowered;
	[smem:$0x3FD2] =	sst s25  }
0xa6: {  	s4 =	sshll.u32 s26, $0x1;
	_ =	strace $0x80000046;
	[dreg:$0x1] =	wrdreg $0xFFFFFFFF  }
0xa7: {  	s28 =	simm.s32 $_size_execute0_lowered;
	s2 =	sadd.s32 s2, s4;
	[dreg:$0x0] =	wrdreg $0x0  }
0xa8: {  	s4 =	sshll.u32 s28, $0x1;
	[dreg:$0x2] =	wrdreg s2  }
0xa9: {  	[dreg:$0x3] =	wrdreg s4  }
0xaa: {  	[dreg:$0x4] =	wrdreg $0xC0  }
0xab: {  	_ =	task [dreg:s6], $0x5FFFF  }
0xac: {  	[dreg:$0x1] =	wrdreg $0xFFFFFFFF  }
0xad: {  	[dreg:$0x0] =	wrdreg $0x60  }
0xae: {  	[dreg:$0x2] =	wrdreg s24  }
0xaf: {  	[dreg:$0x3] =	wrdreg $0x9  }
0xb0: {  	_ =	task.clear_ibuf [dreg:s6], $0x4FFFF;
	_ =	strace $0x90000046  }
0xb1: {  	s29 =	simm.s32 $0x9;
	_ =	strace $0x80000048  }
0xb2: {  	_ =	swait.ge [sflag:s29], $0x1  }
0xb3: {  	[sflag:s29] =	ssyncadd.s32 $0xFFFFFFFF  }
0xb4: {  	_ =	strace $0x90000048  }
0xb5: {  	_ =	sfence  }
0xb6: {  	s30 =	sld [smem:$0x0];
	_ =	sdelay $0x2  }
0xb7: {  	s31 =	sshll.u32 s1, $0xD;
	s1 =	sshrl.u32 s1, $0x2  }
0xb8: {  	s3 =	sand.u32 $0x4000, s31;
	s1 =	sadd.s32 s1, s30  }
0xb9: {  	s0 =	sor.u32 s3, s0;
	s1 =	sshll.u32 s1, $0x11  }
0xba: {  	s0 =	sor.u32 s1, s0  }
0xbb: {  	s0 =	sadd.s32 $0x8F2B, s0  }
0xbc: {  	[sflag:s0] =	ssyncadd.remote.s32 $0x1  }
0xbd: {  	_ =	sfence.sel $0xFFFF  }
0xbe: {  	[dreg:$0x0] =	wrdreg $0xFFFFFFFF;
	(pc) =	sbr.abs _section_cstart, $3  }
0xbf: {  	[dreg:$0x1] =	wrdreg $0xFFFFFFFF  }
0xc0: {  	_ =	task.clear_ibuf [dreg:s6], $0x2FFFF;
	_ =	strace $0x9FFFFFFF  }
0xc1: {  	(tm) =	ssettm $0x7FFFFFFF  }
tec
execute0_lowered:
.L_overlay_start_1:
0x0: {  	(tag) =	ssettag $0x1  }
0x1: {  	s0 =	rddreg [dreg:$0x0]  }
0x2: {  	s1 =	srdreg.scid;
	s3 =	stileid.u32  }
0x3: {  	s2 =	simm.s32 $0x0;
	s13 =	simm.s32 $0x3;
	s15 =	simm.s32 $0x40  }
0x4: {  	s16 =	simm.s32 $0x1000;
	s17 =	simm.s32 $0x3000;
	s19 =	simm.s32 $0x5000  }
0x5: {  	s21 =	simm.s32 $0x7000;
	s22 =	simm.s32 $0x1;
	s23 =	simm.s32 $0x9000  }
0x6: {  	s24 =	simm.s32 $0xB000;
	s25 =	simm.s32 $0xD000;
	s26 =	simm.s32 $0xF000  }
0x7: {  	s28 =	simm.s32 $0x2;
	s30 =	simm.s32 $0x0;
	s1 =	sand.u32 $0x1, s1  }
0x8: {  	s3 =	sshll.u32 s3, $0x1;
	[smem:$0x7FF] =	sst s2;
	s10 =	sadd.s32 $0x48E00, s0  }
0x9: {  	s5 =	sor.u32 s1, s3;
	_ =	strace $0x80000047;
	s3 =	sadd.s32 $0x27E00, s0  }
0xa: {  	s1 =	ssub.s32 $0x2, s1;
	s4 =	sshll.u32 s5, $0x9;
	s8 =	sshll.u32 s5, $0x5  }
0xb: {  	s9 =	sshrl.u32 s1, $0x1;
	s6 =	sadd.s32 s4, s0;
	s4 =	sshll.u32 s5, $0xC  }
0xc: {  	s5 =	sadd.s32 $0x48200, s0;
	s11 =	sadd.s32 s8, s0;
	s1 =	ssub.s32 s1, s9  }
0xd: {  	s8 =	sadd.s32 $0x48600, s0;
	s7 =	sadd.s32 s4, s0;
	s6 =	sadd.s32 $0x3E00, s6  }
0xe: {  	s9 =	sadd.s32 $0x48A00, s0;
	[dreg:$0x2] =	wrdreg s6;
	s31 =	sadd.s32 $0x7E00, s7  }
0xf: {  	s11 =	sadd.s32 $0x47E00, s11;
	s12 =	smax.u32 s1, $0x1;
	[dreg:$0x3] =	wrdreg s31  }
.LBB2_1:
0x10: {  	s0 =	rddreg [dreg:$0x2]  }
0x11: {  	[tilespmem:s2], [sflag:$0x3] =	stream.linear.gather [hbm4b:s0+s2], $0x1000, $0x38;
	[tilespmem:$0x19100] =	vst v63  }
0x12: {  	_ =	swait.ge [sflag:s13], $0x1000  }
0x13: {  	[sflag:s13] =	ssyncset.done $0x0  }
0x14: {  	s1 =	simm.s32 $0x11000;
	s18 =	rddreg [dreg:$0x3];
	[sflag:s13] =	ssyncadd.s32 $0xFFFFF000  }
0x15: {  	[tilespmem:s1], [sflag:$0x3] =	stream.linear.gather [hbm4b:s18+s2], $0x8000, $0x38;
	[tilespmem:$0x19100] =	vst v63  }
0x16: {  	_ =	swait.ge [sflag:s13], $0x8000  }
0x17: {  	[sflag:s13] =	ssyncset.done $0x0  }
0x18: {  	[sflag:s13] =	ssyncadd.s32 $0xFFFF8000  }
0x19: {  	[tilespmem:s16], [sflag:$0x1] =	stream.indirect.gather [hbm4b:s3+s15], $0x80, s2, s15, $0xb8;
	[tilespmem:$0x19100] =	vst v63  }
0x1a: {  	v2 =	vimm.f32 $0.0e+00  }
0x1b: {  	v0 =	vimm.f32 $0.0e+00;
	v1 =	vimm.f32 $0.0e+00;
	v3 =	vimm.f32 $0.0e+00;
	[tilespmem:s17], [sflag:$0x1] =	stream.indirect.gather [hbm4b:s3+s15], $0x80, s15, s15, $0xb8;
	[tilespmem:$0x19100] =	vst v63  }
0x1c: {  	s20 =	simm.s32 $0x80;
	v7 =	vimm.f32 $0.0e+00;
	v9 =	vimm.f32 $0.0e+00;
	v11 =	vimm.f32 $0.0e+00;
	s29 =	simm.s32 $0xC0  }
0x1d: {  	v12 =	vimm.f32 $0.0e+00;
	v10 =	vimm.f32 $0.0e+00;
	v4 =	vimm.f32 $0.0e+00;
	[tilespmem:s19], [sflag:$0x1] =	stream.indirect.gather [hbm4b:s3+s15], $0x80, s20, s15, $0xb8;
	[tilespmem:$0x19100] =	vst v63  }
0x1e: {  	v5 =	vimm.f32 $0.0e+00;
	v6 =	vimm.f32 $0.0e+00;
	v8 =	vimm.f32 $0.0e+00;
	s31 =	simm.s32 $0x800;
	s0 =	simm.s32 $0x0;
	s1 =	simm.s32 $0x0  }
0x1f: {  	v13 =	vimm.f32 $0.0e+00;
	v14 =	vimm.f32 $0.0e+00;
	v15 =	vimm.f32 $0.0e+00;
	[tilespmem:s21], [sflag:$0x1] =	stream.indirect.gather [hbm4b:s3+s15], $0x80, s29, s15, $0xb8;
	[tilespmem:$0x19100] =	vst v63  }
.LBB2_2:
0x20: {  	_ =	swait.ge [sflag:s22], $0x2000  }
0x21: {  	[sflag:s22] =	ssyncset.done $0x0  }
0x22: {  	[sflag:s22] =	ssyncadd.s32 $0xFFFFE000  }
0x23: {  	_ =	swait.ge [sflag:s22], $0x2000  }
0x24: {  	[sflag:s22] =	ssyncset.done $0x0  }
0x25: {  	[sflag:s22] =	ssyncadd.s32 $0xFFFFE000  }
0x26: {  	_ =	swait.ge [sflag:s22], $0x2000  }
0x27: {  	[sflag:s22] =	ssyncset.done $0x0  }
0x28: {  	[sflag:s22] =	ssyncadd.s32 $0xFFFFE000  }
0x29: {  	_ =	swait.ge [sflag:s22], $0x2000  }
0x2a: {  	p0 =	seq.s32 s1, $0x0;
	[sflag:s22] =	ssyncset.done $0x0  }
0x2b: {  	s6 =	simm.s32 @!p0 $0x2;
	[sflag:s22] =	ssyncadd.s32 $0xFFFFE000  }
0x2c: {  	_ =	swait.ge @!p0 [sflag:s6], $0x2000  }
0x2d: {  	[sflag:s6] =	ssyncset.done @!p0 $0x0  }
0x2e: {  	[sflag:s6] =	ssyncadd.s32 @!p0 $0xFFFFE000  }
0x2f: {  	_ =	swait.ge @!p0 [sflag:s6], $0x2000  }
0x30: {  	[sflag:s6] =	ssyncset.done @!p0 $0x0  }
0x31: {  	[sflag:s6] =	ssyncadd.s32 @!p0 $0xFFFFE000  }
0x32: {  	_ =	swait.ge @!p0 [sflag:s6], $0x2000  }
0x33: {  	[sflag:s6] =	ssyncset.done @!p0 $0x0  }
0x34: {  	[sflag:s6] =	ssyncadd.s32 @!p0 $0xFFFFE000  }
0x35: {  	_ =	swait.ge @!p0 [sflag:s6], $0x2000  }
0x36: {  	s18 =	sshll.u32 s1, $0x9;
	[sflag:s6] =	ssyncset.done @!p0 $0x0  }
0x37: {  	s14 =	sor.u32 $0x100, s18;
	[sflag:s6] =	ssyncadd.s32 @!p0 $0xFFFFE000  }
0x38: {  	[tilespmem:s23], [sflag:$0x1] =	stream.indirect.gather [hbm4b:s3+s15], $0x80, s14, s15, $0xb8;
	[tilespmem:$0x19100] =	vst v63  }
0x39: {  	s20 =	sadd.s32 $0x140, s18  }
0x3a: {  	[tilespmem:s24], [sflag:$0x1] =	stream.indirect.gather [hbm4b:s3+s15], $0x80, s20, s15, $0xb8;
	[tilespmem:$0x19100] =	vst v63  }
0x3b: {  	s7 =	sadd.s32 $0x180, s18  }
0x3c: {  	[tilespmem:s25], [sflag:$0x1] =	stream.indirect.gather [hbm4b:s3+s15], $0x80, s7, s15, $0xb8;
	[tilespmem:$0x19100] =	vst v63  }
0x3d: {  	s7 =	sor.u32 s4, s18  }
0x3e: {  	s20 =	sadd.s32 $0x1C0, s18;
	s6 =	sshll.u32 s7, $0x4  }
0x3f: {  	[tilespmem:s26], [sflag:$0x1] =	stream.indirect.gather [hbm4b:s3+s15], $0x80, s20, s15, $0xb8;
	[tilespmem:$0x19100] =	vst v63  }
0x40: {  	s7 =	sadd.s32 s5, s6;
	s20 =	simm.s32 $0x0  }
0x41: {  	[hbm4b:s7+s20] =	stream.linear.scatter [tilespmem:s16], [sflag:$0x2], $0x2000, $0x38;
	[tilespmem:$0x19100] =	vst v63  }
0x42: {  	s7 =	sadd.s32 s6, s8  }
0x43: {  	[hbm4b:s7+s20] =	stream.linear.scatter [tilespmem:s17], [sflag:$0x2], $0x2000, $0x38;
	[tilespmem:$0x19100] =	vst v63  }
0x44: {  	s7 =	sadd.s32 s6, s9  }
0x45: {  	[hbm4b:s7+s20] =	stream.linear.scatter [tilespmem:s19], [sflag:$0x2], $0x2000, $0x38;
	[tilespmem:$0x19100] =	vst v63  }
0x46: {  	s6 =	sadd.s32 s6, s10  }
0x47: {  	[hbm4b:s6+s20] =	stream.linear.scatter [tilespmem:s21], [sflag:$0x2], $0x2000, $0x38;
	[tilespmem:$0x19100] =	vst v63  }
0x48: {  	s6 =	sadd.s32 $0x0, s0;
	s20 =	sand.u32 $0xF, s20  }
0x49: {  	p6 =	seq.s32 s6, $0x0;
	p1 =	sne.s32 s20, $0x0  }
0x4a: {  	p0 =	por !p6, !p1  }
0x4b: {  	s7 =	simm.s32 $0x1;
	p0 =	por !p0, !p0  }
0x4c: {  	s6 =	sshrl.u32 s6, $0x4;
	s7 =	simm.s32 @!p0 $0x0  }
0x4d: {  	s6 =	ssub.s32 s6, s7  }
0x4e: {  	s20 =	simm.s32 $0x1040;
	s6 =	sshll.u32 s6, $0x9  }
0x4f: {  	v16 =	vld [tilespmem:s20+$0x30];
	s6 =	sshra.s32 s6, $0x2  }
0x50: {  	v17 =	vld [tilespmem:s6+$0x11070]  }
0x51: {  	v25 =	vld [tilespmem:s20+$0xFFFFFFC0]  }
0x52: {  	v22 =	vld [tilespmem:s6+$0x11000]  }
0x53: {  	v21 =	vld [tilespmem:s6+$0x11010]  }
0x54: {  	v20 =	vld [tilespmem:s6+$0x11020]  }
0x55: {  	v19 =	vld [tilespmem:s6+$0x11030];
	v23 =	vadd.f32 v17, v16  }
0x56: {  	v18 =	vld [tilespmem:s6+$0x11040]  }
0x57: {  	s7 =	simm.s32 $0x1;
	v17 =	vld [tilespmem:s6+$0x11050];
	v24 =	vmul.f32 v23, v23  }
0x58: {  	s29 =	simm.s32 $0x2;
	s7 =	sand.u32 $0xF, s7;
	v16 =	vld [tilespmem:s6+$0x11060];
	s6 =	sadd.s32 $0x1, s0  }
.LBB2_3:
0x59: {  	p0 =	sne.s32 s29, $0xFF;
	p1 =	seq.s32 s6, $0x0;
	p2 =	sne.s32 s7, $0x0;
	v26 =	vld [tilespmem:s20+$0xFFFFFFD0];
	v10 =	vadd.f32 v23, v10;
	v2 =	vadd.f32 v24, v2  }
0x5a: {  	p1 =	por !p1, !p2;
	v23 =	vld [tilespmem:s20+$0xFFFFFFE0]  }
0x5b: {  	s7 =	simm.s32 $0x1;
	p1 =	por !p1, !p1;
	v24 =	vld [tilespmem:s20+$0xFFFFFFF0]  }
0x5c: {  	s6 =	sshrl.u32 s6, $0x4;
	s7 =	simm.s32 @!p1 $0x0;
	v27 =	vld [tilespmem:s20+$0x0]  }
0x5d: {  	s6 =	ssub.s32 s6, s7;
	v22 =	vadd.f32 v22, v25;
	v25 =	vld [tilespmem:s20+$0x10]  }
0x5e: {  	s6 =	sshll.u32 s6, $0x9;
	v21 =	vadd.f32 v21, v26;
	v26 =	vld [tilespmem:s20+$0x20];
	s20 =	sadd.s32 $0x80, s20  }
0x5f: {  	s6 =	sshra.s32 s6, $0x2;
	v28 =	vld [tilespmem:s20+$0x30];
	v15 =	vadd.f32 v22, v15;
	v29 =	vmul.f32 v22, v22;
	v23 =	vadd.f32 v20, v23  }
0x60: {  	v30 =	vld [tilespmem:s6+$0x11070];
	v14 =	vadd.f32 v21, v14;
	v20 =	vmul.f32 v21, v21;
	v24 =	vadd.f32 v19, v24  }
0x61: {  	v22 =	vld [tilespmem:s6+$0x11000];
	v12 =	vadd.f32 v29, v12;
	v19 =	vmul.f32 v23, v23;
	v27 =	vadd.f32 v18, v27  }
0x62: {  	v21 =	vld [tilespmem:s6+$0x11010];
	v11 =	vadd.f32 v20, v11;
	v18 =	vmul.f32 v24, v24;
	v29 =	vadd.f32 v17, v25  }
0x63: {  	v20 =	vld [tilespmem:s6+$0x11020];
	v9 =	vadd.f32 v19, v9;
	v17 =	vmul.f32 v27, v27;
	v26 =	vadd.f32 v16, v26  }
.Ltmp0:
0x64: {  	v13 =	vadd.f32 v23, v13;
	v19 =	vld [tilespmem:s6+$0x11030];
	v7 =	vadd.f32 v18, v7;
	v16 =	vmul.f32 v29, v29;
	(pc) =	sbr.rel @p0 .LBB2_3-.Ltmp0, $4  }
0x65: {  	v18 =	vld [tilespmem:s6+$0x11040];
	v23 =	vadd.f32 v30, v28;
	v3 =	vadd.f32 v17, v3;
	v25 =	vmul.f32 v26, v26  }
0x66: {  	v8 =	vadd.f32 v24, v8;
	v17 =	vld [tilespmem:s6+$0x11050];
	v1 =	vadd.f32 v16, v1  }
0x67: {  	v6 =	vadd.f32 v27, v6;
	v16 =	vld [tilespmem:s6+$0x11060];
	v24 =	vmul.f32 v23, v23;
	v0 =	vadd.f32 v25, v0  }
0x68: {  	s7 =	sand.u32 $0xF, s29;
	v5 =	vadd.f32 v29, v5;
	v4 =	vadd.f32 v26, v4;
	s6 =	sadd.s32 s29, s0;
	s29 =	sadd.s32 $0x1, s29;
	v25 =	vld [tilespmem:s20+$0xFFFFFFC0]  }
0x69: {  	v26 =	vld [tilespmem:s20+$0xFFFFFFD0]  }
0x6a: {  	v27 =	vld [tilespmem:s20+$0xFFFFFFE0]  }
0x6b: {  	v28 =	vld [tilespmem:s20+$0xFFFFFFF0]  }
0x6c: {  	v29 =	vld [tilespmem:s20+$0x0]  }
0x6d: {  	v30 =	vld [tilespmem:s20+$0x10]  }
0x6e: {  	v31 =	vld [tilespmem:s20+$0x20];
	s20 =	sadd.s32 $0x80, s20  }
0x6f: {  	v32 =	vld [tilespmem:s20+$0x30]  }
0x70: {  	p0 =	seq.s32 s6, $0x0;
	p1 =	sne.s32 s7, $0x0;
	v41 =	vld [tilespmem:s20+$0xFFFFFFC0]  }
0x71: {  	p0 =	por !p0, !p1;
	v42 =	vld [tilespmem:s20+$0xFFFFFFD0]  }
0x72: {  	s7 =	simm.s32 $0x1;
	v43 =	vld [tilespmem:s20+$0xFFFFFFE0];
	p0 =	por !p0, !p0  }
0x73: {  	s6 =	sshrl.u32 s6, $0x4;
	v44 =	vld [tilespmem:s20+$0xFFFFFFF0];
	s7 =	simm.s32 @!p0 $0x0  }
0x74: {  	v45 =	vld [tilespmem:s20+$0x0];
	s6 =	ssub.s32 s6, s7  }
0x75: {  	v46 =	vld [tilespmem:s20+$0x10];
	s6 =	sshll.u32 s6, $0x9  }
0x76: {  	v47 =	vld [tilespmem:s20+$0x20];
	s6 =	sshra.s32 s6, $0x2  }
0x77: {  	v33 =	vld [tilespmem:s6+$0x11070]  }
0x78: {  	v34 =	vld [tilespmem:s6+$0x11000]  }
0x79: {  	v35 =	vld [tilespmem:s6+$0x11010]  }
0x7a: {  	v36 =	vld [tilespmem:s6+$0x11020]  }
0x7b: {  	v37 =	vld [tilespmem:s6+$0x11030]  }
0x7c: {  	v38 =	vld [tilespmem:s6+$0x11040]  }
0x7d: {  	v39 =	vld [tilespmem:s6+$0x11050]  }
0x7e: {  	v40 =	vld [tilespmem:s6+$0x11060];
	_ =	swait.ge [sflag:s22], $0x2000  }
0x7f: {  	[sflag:s22] =	ssyncset.done $0x0  }
0x80: {  	[sflag:s22] =	ssyncadd.s32 $0xFFFFE000  }
0x81: {  	_ =	swait.ge [sflag:s22], $0x2000  }
0x82: {  	[sflag:s22] =	ssyncset.done $0x0  }
0x83: {  	[sflag:s22] =	ssyncadd.s32 $0xFFFFE000  }
0x84: {  	_ =	swait.ge [sflag:s22], $0x2000  }
0x85: {  	[sflag:s22] =	ssyncset.done $0x0  }
0x86: {  	[sflag:s22] =	ssyncadd.s32 $0xFFFFE000  }
0x87: {  	_ =	swait.ge [sflag:s22], $0x2000  }
0x88: {  	[sflag:s22] =	ssyncset.done $0x0  }
0x89: {  	[sflag:s22] =	ssyncadd.s32 $0xFFFFE000  }
0x8a: {  	_ =	swait.ge [sflag:s28], $0x2000  }
0x8b: {  	[sflag:s28] =	ssyncset.done $0x0  }
0x8c: {  	[sflag:s28] =	ssyncadd.s32 $0xFFFFE000  }
0x8d: {  	_ =	swait.ge [sflag:s28], $0x2000  }
0x8e: {  	[sflag:s28] =	ssyncset.done $0x0  }
0x8f: {  	[sflag:s28] =	ssyncadd.s32 $0xFFFFE000  }
0x90: {  	_ =	swait.ge [sflag:s28], $0x2000  }
0x91: {  	[sflag:s28] =	ssyncset.done $0x0  }
0x92: {  	[sflag:s28] =	ssyncadd.s32 $0xFFFFE000  }
0x93: {  	p0 =	seq.s32 s1, $0x7;
	_ =	swait.ge [sflag:s28], $0x2000  }
0x94: {  	s7 =	simm.s32 @!p0 $0x40;
	[sflag:s28] =	ssyncset.done $0x0  }
0x95: {  	s20 =	simm.s32 @!p0 $0x1000;
	s6 =	sadd.s32 @!p0 $0x200, s18;
	[sflag:s28] =	ssyncadd.s32 $0xFFFFE000  }
0x96: {  	[tilespmem:s20], [sflag:$0x1] =	stream.indirect.gather @!p0 [hbm4b:s3+s7], $0x80, s6, s7, $0xb8;
	[tilespmem:$0x19100] =	vst v63  }
0x97: {  	s6 =	sadd.s32 @!p0 $0x240, s18;
	s20 =	simm.s32 @!p0 $0x3000  }
0x98: {  	[tilespmem:s20], [sflag:$0x1] =	stream.indirect.gather @!p0 [hbm4b:s3+s7], $0x80, s6, s7, $0xb8;
	[tilespmem:$0x19100] =	vst v63  }
0x99: {  	v10 =	vadd.f32 v23, v10;
	v2 =	vadd.f32 v24, v2;
	s6 =	sadd.s32 @!p0 $0x280, s18;
	s20 =	simm.s32 @!p0 $0x5000  }
0x9a: {  	v22 =	vadd.f32 v22, v25;
	v21 =	vadd.f32 v21, v26;
	[tilespmem:s20], [sflag:$0x1] =	stream.indirect.gather @!p0 [hbm4b:s3+s7], $0x80, s6, s7, $0xb8;
	[tilespmem:$0x19100] =	vst v63  }
0x9b: {  	v20 =	vadd.f32 v20, v27;
	v19 =	vadd.f32 v19, v28;
	s6 =	sadd.s32 @!p0 $0x2C0, s18;
	s18 =	simm.s32 @!p0 $0x7000  }
0x9c: {  	v18 =	vadd.f32 v18, v29;
	v15 =	vadd.f32 v22, v15;
	v22 =	vmul.f32 v22, v22;
	[tilespmem:s18], [sflag:$0x1] =	stream.indirect.gather @!p0 [hbm4b:s3+s7], $0x80, s6, s7, $0xb8;
	[tilespmem:$0x19100] =	vst v63  }
0x9d: {  	v17 =	vadd.f32 v17, v30;
	v14 =	vadd.f32 v21, v14;
	v21 =	vmul.f32 v21, v21;
	s18 =	sor.u32 s4, s14  }
0x9e: {  	v16 =	vadd.f32 v16, v31;
	v12 =	vadd.f32 v22, v12;
	v22 =	vmul.f32 v20, v20;
	s6 =	sshll.u32 s18, $0x4  }
0x9f: {  	v13 =	vadd.f32 v20, v13;
	v11 =	vadd.f32 v21, v11;
	v21 =	vmul.f32 v19, v19;
	s14 =	simm.s32 $0x0;
	s20 =	sadd.s32 s5, s6;
	s6 =	sand.u32 $0x1FFFF000, s6  }
0xa0: {  	v8 =	vadd.f32 v19, v8;
	v9 =	vadd.f32 v22, v9;
	v22 =	vmul.f32 v18, v18;
	[hbm4b:s20+s14] =	stream.linear.scatter [tilespmem:s23], [sflag:$0x2], $0x2000, $0x38;
	[tilespmem:$0x19100] =	vst v63  }
0xa1: {  	v6 =	vadd.f32 v18, v6;
	v20 =	vmul.f32 v17, v17;
	v7 =	vadd.f32 v21, v7;
	s18 =	sadd.s32 s6, s8  }
0xa2: {  	v21 =	vadd.f32 v33, v32;
	v3 =	vadd.f32 v22, v3;
	v22 =	vmul.f32 v16, v16;
	[hbm4b:s18+s14] =	stream.linear.scatter [tilespmem:s24], [sflag:$0x2], $0x2000, $0x38;
	[tilespmem:$0x19100] =	vst v63  }
0xa3: {  	v4 =	vadd.f32 v16, v4;
	v17 =	vadd.f32 v17, v5;
	s20 =	sadd.s32 s6, s9  }
0xa4: {  	v1 =	vadd.f32 v20, v1;
	v18 =	vadd.f32 v22, v0;
	v0 =	vmul.f32 v21, v21;
	[hbm4b:s20+s14] =	stream.linear.scatter [tilespmem:s25], [sflag:$0x2], $0x2000, $0x38;
	[tilespmem:$0x19100] =	vst v63  }
0xa5: {  	v5 =	vadd.f32 v34, v41;
	v16 =	vadd.f32 v21, v10;
	s6 =	sadd.s32 s6, s10;
	s18 =	simm.s32 $0x0  }
0xa6: {  	v19 =	vadd.f32 v0, v2;
	v0 =	vadd.f32 v35, v42;
	[hbm4b:s6+s14] =	stream.linear.scatter [tilespmem:s26], [sflag:$0x2], $0x2000, $0x38;
	[tilespmem:$0x19100] =	vst v63  }
0xa7: {  	v20 =	vadd.f32 v5, v15;
	v2 =	vmul.f32 v5, v5;
	v5 =	vadd.f32 v36, v43;
	s20 =	sand.u32 $0x7F80, s31;
	v15 =	vld [tilespmem:s18+$0x9070]  }
0xa8: {  	v10 =	vadd.f32 v37, v44;
	v21 =	vadd.f32 v0, v14;
	v22 =	vld [tilespmem:s20+$0x11070]  }
0xa9: {  	v0 =	vmul.f32 v0, v0;
	v23 =	vadd.f32 v2, v12;
	v2 =	vmul.f32 v5, v5;
	v54 =	vld [tilespmem:s18+$0x9000]  }
0xaa: {  	v12 =	vadd.f32 v38, v45;
	v56 =	vld [tilespmem:s20+$0x11000]  }
0xab: {  	v11 =	vadd.f32 v0, v11;
	v0 =	vmul.f32 v10, v10;
	v57 =	vadd.f32 v2, v9;
	v9 =	vld [tilespmem:s18+$0x9010]  }
0xac: {  	v55 =	vadd.f32 v39, v46;
	v58 =	vadd.f32 v40, v47;
	v60 =	vld [tilespmem:s20+$0x11010]  }
0xad: {  	v13 =	vadd.f32 v5, v13;
	v2 =	vmul.f32 v12, v12;
	v5 =	vadd.f32 v0, v7;
	v7 =	vld [tilespmem:s18+$0x9020]  }
0xae: {  	v59 =	vmul.f32 v55, v55;
	v14 =	vadd.f32 v10, v8;
	v8 =	vld [tilespmem:s20+$0x11020]  }
0xaf: {  	v10 =	vadd.f32 v12, v6;
	v2 =	vadd.f32 v2, v3;
	v3 =	vmul.f32 v58, v58;
	v61 =	vld [tilespmem:s20+$0x11030]  }
0xb0: {  	v0 =	vadd.f32 v59, v1;
	v62 =	vld [tilespmem:s18+$0x9040];
	v15 =	vadd.f32 v22, v15  }
0xb1: {  	v1 =	vadd.f32 v3, v18;
	v22 =	vld [tilespmem:s18+$0x9030];
	v18 =	vadd.f32 v56, v54  }
0xb2: {  	v12 =	vadd.f32 v55, v17;
	v6 =	vadd.f32 v58, v4;
	v63 =	vld [tilespmem:s20+$0x11040];
	v4 =	vmul.f32 v15, v15  }
0xb3: {  	v17 =	vadd.f32 v60, v9;
	v3 =	vadd.f32 v15, v16;
	v16 =	vmul.f32 v18, v18  }
0xb4: {  	v15 =	vld [tilespmem:s18+$0x9050];
	v4 =	vadd.f32 v4, v19;
	v19 =	vadd.f32 v8, v7  }
0xb5: {  	v9 =	vadd.f32 v18, v20;
	v18 =	vld [tilespmem:s20+$0x11050];
	v7 =	vadd.f32 v16, v23;
	v16 =	vmul.f32 v17, v17  }
0xb6: {  	v20 =	vld [tilespmem:s20+$0x11060];
	v8 =	vadd.f32 v17, v21;
	v21 =	vadd.f32 v61, v22;
	v23 =	vmul.f32 v19, v19  }
0xb7: {  	s14 =	simm.s32 $0x80;
	s20 =	sadd.s32 $0x8, s31;
	v17 =	vld [tilespmem:s18+$0x9060];
	v22 =	vadd.f32 v63, v62;
	v11 =	vadd.f32 v16, v11  }
0xb8: {  	s29 =	simm.s32 $0x400;
	s18 =	sand.u32 $0x7F80, s20;
	v13 =	vadd.f32 v19, v13;
	v19 =	vld [tilespmem:s14+$0x9070];
	v16 =	vadd.f32 v23, v57;
	v23 =	vmul.f32 v21, v21  }
.LBB2_5:
0xb9: {  	p0 =	sne.s32 s29, $0x1FE00;
	v24 =	vld [tilespmem:s18+$0x11070];
	v14 =	vadd.f32 v21, v14  }
0xba: {  	v21 =	vld [tilespmem:s14+$0x9000];
	v5 =	vadd.f32 v23, v5;
	v23 =	vmul.f32 v22, v22;
	v15 =	vadd.f32 v18, v15  }
0xbb: {  	v10 =	vadd.f32 v22, v10;
	v18 =	vld [tilespmem:s18+$0x11000]  }
0xbc: {  	v22 =	vld [tilespmem:s14+$0x9010];
	v2 =	vadd.f32 v23, v2;
	v23 =	vmul.f32 v15, v15;
	v17 =	vadd.f32 v20, v17  }
0xbd: {  	v12 =	vadd.f32 v15, v12;
	v20 =	vld [tilespmem:s18+$0x11010]  }
0xbe: {  	v15 =	vld [tilespmem:s14+$0x9020];
	v19 =	vadd.f32 v24, v19;
	v0 =	vadd.f32 v23, v0;
	v23 =	vmul.f32 v17, v17  }
0xbf: {  	v6 =	vadd.f32 v17, v6;
	v24 =	vld [tilespmem:s18+$0x11020]  }
0xc0: {  	v17 =	vadd.f32 v18, v21;
	v21 =	vld [tilespmem:s14+$0x9030];
	v18 =	vmul.f32 v19, v19;
	v1 =	vadd.f32 v23, v1  }
0xc1: {  	v3 =	vadd.f32 v19, v3;
	v23 =	vld [tilespmem:s18+$0x11030]  }
0xc2: {  	v19 =	vmul.f32 v17, v17;
	v20 =	vadd.f32 v20, v22;
	v22 =	vld [tilespmem:s14+$0x9040];
	v4 =	vadd.f32 v18, v4  }
0xc3: {  	v9 =	vadd.f32 v17, v9;
	v25 =	vld [tilespmem:s18+$0x11040]  }
.Ltmp1:
0xc4: {  	v7 =	vadd.f32 v19, v7;
	v17 =	vmul.f32 v20, v20;
	v19 =	vadd.f32 v24, v15;
	v15 =	vld [tilespmem:s14+$0x9050];
	(pc) =	sbr.rel @p0 .LBB2_5-.Ltmp1, $4  }
0xc5: {  	v8 =	vadd.f32 v20, v8;
	v18 =	vld [tilespmem:s18+$0x11050]  }
0xc6: {  	v11 =	vadd.f32 v17, v11;
	v24 =	vmul.f32 v19, v19;
	v21 =	vadd.f32 v23, v21;
	v17 =	vld [tilespmem:s14+$0x9060]  }
0xc7: {  	s20 =	sadd.s32 $0x8, s20;
	s14 =	sshra.s32 s29, $0x2;
	v13 =	vadd.f32 v19, v13;
	v20 =	vld [tilespmem:s18+$0x11060]  }
0xc8: {  	s29 =	sadd.s32 $0x200, s29;
	s18 =	sand.u32 $0x7F80, s20;
	v19 =	vld [tilespmem:s14+$0x9070];
	v16 =	vadd.f32 v24, v16;
	v23 =	vmul.f32 v21, v21;
	v22 =	vadd.f32 v25, v22  }
0xc9: {  	v24 =	vld [tilespmem:s18+$0x11070]  }
0xca: {  	v25 =	vld [tilespmem:s14+$0x9000]  }
0xcb: {  	v26 =	vld [tilespmem:s18+$0x11000]  }
0xcc: {  	v27 =	vld [tilespmem:s14+$0x9010]  }
0xcd: {  	v28 =	vld [tilespmem:s18+$0x11010]  }
0xce: {  	v29 =	vld [tilespmem:s14+$0x9020]  }
0xcf: {  	v30 =	vld [tilespmem:s18+$0x11020]  }
0xd0: {  	v21 =	vadd.f32 v21, v14;
	v54 =	vld [tilespmem:s14+$0x9030];
	v14 =	vmul.f32 v22, v22;
	v15 =	vadd.f32 v18, v15  }
0xd1: {  	v55 =	vld [tilespmem:s18+$0x11030];
	v5 =	vadd.f32 v23, v5;
	v56 =	vadd.f32 v22, v10  }
0xd2: {  	v31 =	vld [tilespmem:s14+$0x9040];
	v17 =	vadd.f32 v20, v17;
	v57 =	vadd.f32 v14, v2;
	v2 =	vmul.f32 v15, v15  }
0xd3: {  	v58 =	vld [tilespmem:s18+$0x11040];
	v32 =	vadd.f32 v15, v12;
	v10 =	vadd.f32 v24, v19  }
0xd4: {  	v59 =	vld [tilespmem:s14+$0x9050];
	v12 =	vmul.f32 v17, v17;
	v0 =	vadd.f32 v2, v0;
	v14 =	vadd.f32 v26, v25  }
0xd5: {  	v61 =	vld [tilespmem:s14+$0x9060];
	v17 =	vadd.f32 v17, v6;
	v6 =	vadd.f32 v28, v27;
	v2 =	vmul.f32 v10, v10  }
0xd6: {  	v60 =	vadd.f32 v12, v1;
	v1 =	vld [tilespmem:s18+$0x11050];
	v10 =	vadd.f32 v10, v3;
	v3 =	vmul.f32 v14, v14  }
0xd7: {  	v15 =	vadd.f32 v14, v9;
	v2 =	vadd.f32 v2, v4;
	v4 =	vld [tilespmem:s18+$0x11060]  }
0xd8: {  	v12 =	vadd.f32 v3, v7;
	v3 =	vadd.f32 v30, v29;
	v7 =	vmul.f32 v6, v6  }
0xd9: {  	v14 =	vadd.f32 v6, v8;
	v6 =	vadd.f32 v55, v54  }
0xda: {  	s1 =	sadd.s32 $0x1, s1;
	v62 =	vadd.f32 v58, v31;
	v11 =	vadd.f32 v7, v11;
	v7 =	vmul.f32 v3, v3  }
0xdb: {  	p0 =	sne.s32 s1, $0x8;
	v13 =	vadd.f32 v3, v13;
	v3 =	vmul.f32 v6, v6;
	v1 =	vadd.f32 v1, v59  }
.Ltmp2:
0xdc: {  	v9 =	vadd.f32 v7, v16;
	v16 =	vmul.f32 v62, v62;
	v4 =	vadd.f32 v4, v61;
	(pc) =	sbr.rel @p0 .LBB2_2-.Ltmp2, $4  }
0xdd: {  	v8 =	vadd.f32 v6, v21;
	v6 =	vadd.f32 v62, v56;
	v63 =	vmul.f32 v1, v1  }
0xde: {  	v7 =	vadd.f32 v3, v5;
	v3 =	vadd.f32 v16, v57;
	v16 =	vmul.f32 v4, v4  }
0xdf: {  	v5 =	vadd.f32 v1, v32;
	v1 =	vadd.f32 v63, v0  }
0xe0: {  	s0 =	sadd.s32 $0x200, s0;
	s31 =	sadd.s32 $0x1000, s31;
	v4 =	vadd.f32 v4, v17;
	v0 =	vadd.f32 v16, v60  }
0xe1: {  	_ =	swait.ge [sflag:s28], $0x2000  }
0xe2: {  	[sflag:s28] =	ssyncset.done $0x0  }
0xe3: {  	[sflag:s28] =	ssyncadd.s32 $0xFFFFE000  }
0xe4: {  	_ =	swait.ge [sflag:s28], $0x2000  }
0xe5: {  	[sflag:s28] =	ssyncset.done $0x0  }
0xe6: {  	[sflag:s28] =	ssyncadd.s32 $0xFFFFE000  }
0xe7: {  	_ =	swait.ge [sflag:s28], $0x2000  }
0xe8: {  	[sflag:s28] =	ssyncset.done $0x0  }
0xe9: {  	[sflag:s28] =	ssyncadd.s32 $0xFFFFE000  }
0xea: {  	_ =	swait.ge [sflag:s28], $0x2000  }
0xeb: {  	[sflag:s28] =	ssyncset.done $0x0  }
0xec: {  	[sflag:s28] =	ssyncadd.s32 $0xFFFFE000  }
0xed: {  	[tilespmem:$0x19000] =	vst v15  }
0xee: {  	[tilespmem:$0x19080] =	vst v12  }
0xef: {  	[tilespmem:$0x19010] =	vst v14  }
0xf0: {  	[tilespmem:$0x19090] =	vst v11  }
0xf1: {  	[tilespmem:$0x19020] =	vst v13  }
0xf2: {  	[tilespmem:$0x190A0] =	vst v9  }
0xf3: {  	[tilespmem:$0x19030] =	vst v8  }
0xf4: {  	[tilespmem:$0x190B0] =	vst v7  }
0xf5: {  	[tilespmem:$0x19040] =	vst v6  }
0xf6: {  	[tilespmem:$0x190C0] =	vst v3  }
0xf7: {  	[tilespmem:$0x19050] =	vst v5  }
0xf8: {  	[tilespmem:$0x190D0] =	vst v1  }
0xf9: {  	[tilespmem:$0x19060] =	vst v4  }
0xfa: {  	s30 =	sadd.s32 $0x1, s30;
	[tilespmem:$0x190E0] =	vst v0  }
0xfb: {  	p0 =	sne.s32 s30, s12;
	[tilespmem:$0x19070] =	vst v10  }
.Ltmp3:
0xfc: {  	s0 =	simm.s32 $0x19000;
	[tilespmem:$0x190F0] =	vst v2;
	(pc) =	sbr.rel @p0 .LBB2_1-.Ltmp3, $4  }
0xfd: {  	[hbm4b:s11+s2] =	stream.linear.scatter [tilespmem:s0], [sflag:$0x3], $0x100, $0x38;
	[tilespmem:$0x19100] =	vst v63  }
0xfe: {  	_ =	swait.ge [sflag:s13], $0x100  }
0xff: {  	[sflag:s13] =	ssyncset.done $0x0  }
0x100: {  	[sflag:s13] =	ssyncadd.s32 $0xFFFFFF00  }
0x101: {  	_ =	sfence.sel $0x180000  }
0x102: {  	[bflag:$0x0] =	sbarrier.arrive $0xFFFF  }
0x103: {  	_ =	strace $0x90000047  }
0x104: {  	s0 =	stileid.u32;
	[bflag:$0x2] =	sbarrier.arrive $0xFFFF  }
0x105: {  	p0 =	sne.s32 s0, $0x0;
	s0 =	rddreg [dreg:$0x1]  }
0x106: {  	s0 =	sadd.s32 @!p0 $0x100000, s0  }
0x107: {  	[sflag:s0] =	ssyncadd.tile.s32 @!p0 $0x1;
	_ =	shalt  }
.Lfunc_end2:
_tile_overlayer_lowered:
.L_overlay_start_2:
0x108: {  	(tag) =	ssettag $0x2  }
0x109: {  	s0 =	rddreg [dreg:$0x0];
	s2 =	stileid.u32  }
0x10a: {  	s1 =	rddreg [dreg:$0x1];
	p0 =	sne.s32 s2, $0x0  }
0x10b: {  	s3 =	rddreg [dreg:$0x2];
	[bflag:$0x3] =	sbarrier.arrive $0xFFFF;
	s2 =	simm.s32 @!p0 $0x1C03  }
0x10c: {  	[timem:s3], [sflag:s2] =	dma.local @!p0 [hbm:s0], s1  }
0x10d: {  	s0 =	simm.s32 @!p0 $0x3  }
0x10e: {  	_ =	swait.ge @!p0 [sflag:s0], s1  }
0x10f: {  	s1 =	ssub.s32 @!p0 $0x0, s1;
	[sflag:s0] =	ssyncset.done @!p0 $0x0  }
0x110: {  	[sflag:s0] =	ssyncadd.s32 @!p0 s1  }
0x111: {  	[bflag:$0x3] =	sbarrier.arrive $0xFFFF  }
0x112: {  	_ =	shalt  }

</sc_bundles>
